<compile_context>
chip_gen: v7x
topology: tpu7x:2x2x1
jax: 0.10.2.dev20260603
libtpu: 0.0.44.dev20260713+nightly
codegen_flags: <defaults>
</compile_context>

<pallas_src>
import functools

import jax
import jax.numpy as jnp
import numpy as np
from jax import lax
from jax.experimental import pallas as pl
from jax.experimental.pallas import tpu as pltpu
from jax.experimental.pallas import tpu_sc as plsc

N = 10000
E = 160000
C = 4
D = 128
NUM_CLASSES = 25
G = 16

NC = 2
NS = 16
NW = NC * NS
EPW = E // NW
CH = 125
NCHUNK = EPW // CH
HALF = NCHUNK // 2
CHS = 100
NCHS = EPW // CHS
HALFS = NCHS // 2
RPS = N // NS

_BN = 2000
_BE = 4000


def _silu(x):
  return x / (1.0 + jnp.exp(-x))


def _dot(a, b):
  return jnp.dot(a, b, preferred_element_type=jnp.float32)


def _s1_body(t_ref, s_ref, x_ref, emb_ref, wt1, bt1, wt2, bt2, w1a, w1b,
             hn_o, h0_o, t1_o, t2_o):
  t = t_ref[...]
  off = lax.broadcasted_iota(jnp.int32, (_BN, D), 1).astype(jnp.float32) * (
      1.0 / (D - 1))
  d = t - off + 1e-6
  g = jnp.exp((-0.5 * (D - 1) ** 2) * d * d)
  h = jnp.maximum(_dot(g, wt1[...]) + bt1[...], 0.0)
  temb = _dot(h, wt2[...]) + bt2[...]
  lane = lax.broadcasted_iota(jnp.int32, (_BN, 32), 1)
  onehot = (s_ref[...] == lane).astype(jnp.float32)
  h0 = _dot(onehot, emb_ref[...])
  hn = h0 + temb
  hn_o[...] = hn
  h0_o[...] = h0
  x = x_ref[...]
  t1_o[...] = jnp.concatenate([_dot(hn, w1a[...]), x], axis=1)
  t2_o[...] = jnp.concatenate([_dot(hn, w1b[...]), -x], axis=1)


def _node_pre(t2, s2, x16, emb32, wt1, bt1, wt2, bt2, w1a, w1b):
  nb = N // _BN
  row = lambda i: (i, 0)
  rep = lambda i: (0, 0)
  return pl.pallas_call(
      _s1_body,
      grid=(nb,),
      in_specs=[
          pl.BlockSpec((_BN, 1), row),
          pl.BlockSpec((_BN, 1), row),
          pl.BlockSpec((_BN, G), row),
          pl.BlockSpec((32, D), rep),
          pl.BlockSpec((D, D), rep),
          pl.BlockSpec((1, D), rep),
          pl.BlockSpec((D, D), rep),
          pl.BlockSpec((1, D), rep),
          pl.BlockSpec((D, D), rep),
          pl.BlockSpec((D, D), rep),
      ],
      out_specs=[
          pl.BlockSpec((_BN, D), row),
          pl.BlockSpec((_BN, D), row),
          pl.BlockSpec((_BN, D + G), row),
          pl.BlockSpec((_BN, D + G), row),
      ],
      out_shape=[
          jax.ShapeDtypeStruct((N, D), jnp.float32),
          jax.ShapeDtypeStruct((N, D), jnp.float32),
          jax.ShapeDtypeStruct((N, D + G), jnp.float32),
          jax.ShapeDtypeStruct((N, D + G), jnp.float32),
      ],
  )(t2, s2, x16, emb32, wt1, bt1, wt2, bt2, w1a, w1b)


@functools.cache
def _sc_mesh():
  return plsc.VectorSubcoreMesh(
      core_axis_name="c", subcore_axis_name="s", num_cores=NC, num_subcores=NS)


@functools.cache
def _make_sc_gather():
  @functools.partial(
      pl.kernel,
      out_type=[
          jax.ShapeDtypeStruct((E, D), jnp.float32),
          jax.ShapeDtypeStruct((E, G), jnp.float32),
      ],
      mesh=_sc_mesh(),
      compiler_params=pltpu.CompilerParams(use_tc_tiling_on_sc=False),
      scratch_types=[
          pltpu.VMEM((NCHUNK, CH), jnp.int32),
          pltpu.VMEM((NCHUNK, CH), jnp.int32),
          pltpu.VMEM((CH, D + G), jnp.float32),
          pltpu.VMEM((CH, D + G), jnp.float32),
          pltpu.VMEM((CH, D + G), jnp.float32),
          pltpu.VMEM((CH, D + G), jnp.float32),
          pltpu.SemaphoreType.DMA,
          pltpu.SemaphoreType.DMA,
      ],
  )
  def _sc_gather_k(t1_hbm, t2_hbm, src3_hbm, dst3_hbm,
                   ms_out, cd_out,
                   si_all, di_all, a0, b0, a1, b1,
                   sem0, sem1):
    wid = lax.axis_index("s") * NC + lax.axis_index("c")
    base = wid * EPW
    pltpu.sync_copy(src3_hbm.at[wid], si_all)
    pltpu.sync_copy(dst3_hbm.at[wid], di_all)

    def start(ch, a_v, b_v, sem):
      pltpu.async_copy(t1_hbm.at[si_all.at[ch]], a_v, sem)
      pltpu.async_copy(t2_hbm.at[di_all.at[ch]], b_v, sem)

    def wait(a_v, b_v, sem):
      pltpu.make_async_copy(t1_hbm.at[si_all.at[0]], a_v, sem).wait()
      pltpu.make_async_copy(t2_hbm.at[di_all.at[0]], b_v, sem).wait()

    def add_store(ch, a_v, b_v):
      def add_row(r5, carry):
        for rr in range(5):
          r = r5 * 5 + rr
          for k in range((D + G) // 16):
            sl = pl.ds(k * 16, 16)
            a_v[r, sl] = a_v[r, sl] + b_v[r, sl]
        return carry

      lax.fori_loop(0, CH // 5, add_row, None)
      rows = pl.ds(base + ch * CH, CH)
      pltpu.sync_copy(a_v.at[:, pl.ds(0, D)], ms_out.at[rows])
      pltpu.sync_copy(a_v.at[:, pl.ds(D, G)], cd_out.at[rows])

    start(0, a0, b0, sem0)

    def pair(j, _):
      c0 = 2 * j
      start(c0 + 1, a1, b1, sem1)
      wait(a0, b0, sem0)
      add_store(c0, a0, b0)

      @pl.when(j < HALF - 1)
      def _prefetch():
        start(c0 + 2, a0, b0, sem0)

      wait(a1, b1, sem1)
      add_store(c0 + 1, a1, b1)
      return _

    lax.fori_loop(0, HALF, pair, None)

  return _sc_gather_k


def _sc_gather(t1, t2_tab, src3, dst3):
  return _make_sc_gather()(t1, t2_tab, src3, dst3)


def _s3_body(ms_ref, cd_ref, a16, b16, wr48, br, w1c, be1, we2, be2, wc,
             m_o, cm_o):
  z = cd_ref[...]
  prod = _dot(z, a16[...]) * _dot(z, b16[...])
  rfeat = _silu(_dot(prod, wr48[...]) + br[...])
  u = ms_ref[...] + _dot(rfeat, w1c[...]) + be1[...]
  m = _silu(_dot(_silu(u), we2[...]) + be2[...])
  wgt = jnp.sum(m * wc[...], axis=1, keepdims=True)
  cm = z * wgt
  lane = lax.broadcasted_iota(jnp.int32, (_BE, G), 1)
  m_o[...] = m
  cm_o[...] = jnp.where(lane == 12, 1.0, cm)


def _edge_mlp(ms, cd, a16, b16, wr48, br, w1c, be1, we2, be2, wc):
  nb = E // _BE
  row = lambda i: (i, 0)
  rep = lambda i: (0, 0)
  return pl.pallas_call(
      _s3_body,
      grid=(nb,),
      in_specs=[
          pl.BlockSpec((_BE, D), row),
          pl.BlockSpec((_BE, G), row),
          pl.BlockSpec((G, D), rep),
          pl.BlockSpec((G, D), rep),
          pl.BlockSpec((D, D), rep),
          pl.BlockSpec((1, D), rep),
          pl.BlockSpec((D, D), rep),
          pl.BlockSpec((1, D), rep),
          pl.BlockSpec((D, D), rep),
          pl.BlockSpec((1, D), rep),
          pl.BlockSpec((1, D), rep),
      ],
      out_specs=[
          pl.BlockSpec((_BE, D), row),
          pl.BlockSpec((_BE, G), row),
      ],
      out_shape=[
          jax.ShapeDtypeStruct((E, D), jnp.float32),
          jax.ShapeDtypeStruct((E, G), jnp.float32),
      ],
  )(ms, cd, a16, b16, wr48, br, w1c, be1, we2, be2, wc)


@functools.cache
def _make_sc_scatter():
  @functools.partial(
      pl.kernel,
      out_type=[
          jax.ShapeDtypeStruct((NC, N, D), jnp.float32),
          jax.ShapeDtypeStruct((NC, N, G), jnp.float32),
      ],
      mesh=_sc_mesh(),
      compiler_params=pltpu.CompilerParams(use_tc_tiling_on_sc=False),
      scratch_types=[
          pltpu.VMEM((NCHS, CHS), jnp.int32),
          pltpu.VMEM((CHS, D), jnp.float32),
          pltpu.VMEM((CHS, D), jnp.float32),
          pltpu.VMEM((CHS, G), jnp.float32),
          pltpu.VMEM((CHS, G), jnp.float32),
          pltpu.VMEM_SHARED((N, D), jnp.float32),
          pltpu.VMEM_SHARED((N, G), jnp.float32),
          pltpu.SemaphoreType.DMA,
          pltpu.SemaphoreType.DMA,
      ],
  )
  def _sc_scatter_k(m_hbm, cm_hbm, dst3_hbm, zd_hbm, zg_hbm,
                    outd_hbm, outg_hbm,
                    idx_all, m0, m1, c0_v, c1_v, shd, shg, sem0, sem1):
    c = lax.axis_index("c")
    s = lax.axis_index("s")
    wid = s * NC + c
    rows0 = s * RPS
    pltpu.sync_copy(zd_hbm.at[pl.ds(rows0, RPS)], shd.at[pl.ds(rows0, RPS)])
    pltpu.sync_copy(zg_hbm.at[pl.ds(rows0, RPS)], shg.at[pl.ds(rows0, RPS)])
    pltpu.sync_copy(dst3_hbm.at[wid], idx_all)
    plsc.subcore_barrier()

    base = wid * EPW

    def start(ch, m_v, c_v, sem):
      pltpu.async_copy(m_hbm.at[pl.ds(base + ch * CHS, CHS)], m_v, sem)
      pltpu.async_copy(cm_hbm.at[pl.ds(base + ch * CHS, CHS)], c_v, sem)

    def wait(m_v, c_v, sem):
      pltpu.make_async_copy(m_hbm.at[pl.ds(0, CHS)], m_v, sem).wait()
      pltpu.make_async_copy(cm_hbm.at[pl.ds(0, CHS)], c_v, sem).wait()

    start(0, m0, c0_v, sem0)

    def pair(j, _):
      c0 = 2 * j
      start(c0 + 1, m1, c1_v, sem1)
      wait(m0, c0_v, sem0)
      pltpu.sync_copy(m0, shd.at[idx_all.at[c0]], add=True)
      pltpu.sync_copy(c0_v, shg.at[idx_all.at[c0]], add=True)

      @pl.when(j < HALFS - 1)
      def _prefetch():
        start(c0 + 2, m0, c0_v, sem0)

      wait(m1, c1_v, sem1)
      pltpu.sync_copy(m1, shd.at[idx_all.at[c0 + 1]], add=True)
      pltpu.sync_copy(c1_v, shg.at[idx_all.at[c0 + 1]], add=True)
      return _

    lax.fori_loop(0, HALFS, pair, None)
    plsc.subcore_barrier()
    pltpu.sync_copy(shd.at[pl.ds(rows0, RPS)], outd_hbm.at[c, pl.ds(rows0, RPS)])
    pltpu.sync_copy(shg.at[pl.ds(rows0, RPS)], outg_hbm.at[c, pl.ds(rows0, RPS)])

  return _sc_scatter_k


def _sc_scatter(m, cm, dst3s, zd, zg):
  return _make_sc_scatter()(m, cm, dst3s, zd, zg)


def _s5_body(hn_ref, h0_ref, x_ref, pd_ref, pg_ref, wn1a, wn1b, bn1, wn2, bn2,
             wp, bp, wf1, bf1, wf2, logits_o, xout_o):
  hn = hn_ref[...]
  h0 = h0_ref[...]
  pd = pd_ref[...]
  pg = pg_ref[...]
  agg = pd[0] + pd[1]
  cm = pg[0] + pg[1]
  hmid = _silu(_dot(hn, wn1a[...]) + _dot(agg, wn1b[...]) + bn1[...])
  hout = hn + _dot(hmid, wn2[...]) + bn2[...]
  cnt = jnp.maximum(cm[:, 12:13], 1.0)
  lane = lax.broadcasted_iota(jnp.int32, (_BN, G), 1)
  xout_o[...] = x_ref[...] + jnp.where(lane < 12, cm / cnt, 0.0)
  proj = _dot(_silu(hout), wp[...]) + bp[...]
  gate = h0 * jax.nn.sigmoid(proj)
  l1 = _silu(_dot(_silu(gate), wf1[...]) + bf1[...])
  logits_o[...] = _dot(l1, wf2[...])


def _node_post(hn, h0, x16, pd, pg, wn1a, wn1b, bn1, wn2, bn2,
               wp, bp, wf1, bf1, wf2):
  nb = N // _BN
  row = lambda i: (i, 0)
  rep = lambda i: (0, 0)
  return pl.pallas_call(
      _s5_body,
      grid=(nb,),
      in_specs=[
          pl.BlockSpec((_BN, D), row),
          pl.BlockSpec((_BN, D), row),
          pl.BlockSpec((_BN, G), row),
          pl.BlockSpec((NC, _BN, D), lambda i: (0, i, 0)),
          pl.BlockSpec((NC, _BN, G), lambda i: (0, i, 0)),
          pl.BlockSpec((D, D), rep),
          pl.BlockSpec((D, D), rep),
          pl.BlockSpec((1, D), rep),
          pl.BlockSpec((D, D), rep),
          pl.BlockSpec((1, D), rep),
          pl.BlockSpec((D, D), rep),
          pl.BlockSpec((1, D), rep),
          pl.BlockSpec((D, D), rep),
          pl.BlockSpec((1, D), rep),
          pl.BlockSpec((D, D), rep),
      ],
      out_specs=[
          pl.BlockSpec((_BN, D), row),
          pl.BlockSpec((_BN, G), row),
      ],
      out_shape=[
          jax.ShapeDtypeStruct((N, D), jnp.float32),
          jax.ShapeDtypeStruct((N, G), jnp.float32),
      ],
  )(hn, h0, x16, pd, pg, wn1a, wn1b, bn1, wn2, bn2, wp, bp, wf1, bf1, wf2)


def _radial_selectors():
  a = np.zeros((G, D), np.float32)
  b = np.zeros((G, D), np.float32)
  for c in range(4):
    for dd in range(4):
      for i in range(3):
        p = (c * 4 + dd) * 3 + i
        a[3 * c + i, p] = 1.0
        b[3 * dd + i, p] = 1.0
  return a, b


_A16_NP, _B16_NP = _radial_selectors()
_CD_IDX = np.repeat(np.arange(16), 3)


def kernel(X, t, S, edge_index, params):
  p = params
  x16 = jnp.pad(X.reshape(N, 12), ((0, 0), (0, 4)))
  t2 = t.reshape(N, 1).astype(jnp.float32)
  s2 = S.reshape(N, 1).astype(jnp.int32)
  src = edge_index[0].astype(jnp.int32)
  dst = edge_index[1].astype(jnp.int32)
  src3 = src.reshape(NW, NCHUNK, CH)
  dst3 = dst.reshape(NW, NCHUNK, CH)
  dst3s = dst.reshape(NW, NCHS, CHS)

  emb32 = jnp.pad(p["embed"], ((0, 32 - (NUM_CLASSES + 1)), (0, 0)))
  w1a = p["W_e1"][:D]
  w1b = p["W_e1"][D:2 * D]
  w1c = p["W_e1"][2 * D:]
  wr48 = jnp.pad(p["W_r"][_CD_IDX], ((0, D - 48), (0, 0)))
  row128 = lambda v: v.reshape(1, D)

  hn, h0, t1, t2_tab = _node_pre(
      t2, s2, x16, emb32,
      p["W_t1"], row128(p["b_t1"]), p["W_t2"], row128(p["b_t2"]), w1a, w1b)

  ms, cd = _sc_gather(t1, t2_tab, src3, dst3)

  m, cm = _edge_mlp(
      ms, cd, jnp.asarray(_A16_NP), jnp.asarray(_B16_NP), wr48,
      row128(p["b_r"]), w1c, row128(p["b_e1"]),
      p["W_e2"], row128(p["b_e2"]), p["W_c"].reshape(1, D))

  pd, pg = _sc_scatter(m, cm, dst3s,
                       jnp.zeros((N, D), jnp.float32),
                       jnp.zeros((N, G), jnp.float32))

  wf2 = jnp.pad(p["W_f2"], ((0, 0), (0, D - NUM_CLASSES)))
  logits128, xout16 = _node_post(
      hn, h0, x16, pd, pg,
      p["W_n1"][:D], p["W_n1"][D:], row128(p["b_n1"]),
      p["W_n2"], row128(p["b_n2"]),
      p["W_p"], row128(p["b_p"]),
      p["W_f1"], row128(p["b_f1"]), wf2)

  logits = logits128[:, :NUM_CLASSES] + p["b_f2"]
  xout = xout16[:, :12].reshape(N, C, 3)
  return logits, xout

# --- scband reference (transcript-rebuilt; emitter-appended) ---
"""Pipeline reference for scband-dy-ab-model-14233521619126 (READ-ONLY COPY).

The authoritative reference and input builder live on the scoring server;
editing this copy changes nothing except your own understanding.
"""

import jax, jax.numpy as jnp
import numpy as np

N = 10000
E = 160000
C = 4
D = 128
NUM_CLASSES = 25


def silu(x):
    return x * jax.nn.sigmoid(x)


def setup_inputs(seed: int = 0) -> dict:
    key = jax.random.key(seed)
    ks = jax.random.split(key, 24)
    X = jax.random.normal(ks[0], (N, C, 3), dtype=jnp.float32)
    t = jax.random.uniform(ks[1], (N,), dtype=jnp.float32)
    S = jax.random.randint(ks[2], (N,), 0, NUM_CLASSES)
    edge_index = jax.random.randint(ks[3], (2, E), 0, N)

    def w(k, shape, s=0.02):
        return jax.random.normal(k, shape, dtype=jnp.float32) * s

    params = {
        "embed": w(ks[4], (NUM_CLASSES + 1, D)),
        "W_t1": w(ks[5], (D, D)), "b_t1": jnp.zeros((D,), jnp.float32),
        "W_t2": w(ks[6], (D, D)), "b_t2": jnp.zeros((D,), jnp.float32),
        "W_r": w(ks[7], (C * C, D)), "b_r": jnp.zeros((D,), jnp.float32),
        "W_e1": w(ks[8], (3 * D, D)), "b_e1": jnp.zeros((D,), jnp.float32),
        "W_e2": w(ks[9], (D, D)), "b_e2": jnp.zeros((D,), jnp.float32),
        "W_n1": w(ks[10], (2 * D, D)), "b_n1": jnp.zeros((D,), jnp.float32),
        "W_n2": w(ks[11], (D, D)), "b_n2": jnp.zeros((D,), jnp.float32),
        "W_c": w(ks[12], (D, 1)),
        "W_p": w(ks[13], (D, D)), "b_p": jnp.zeros((D,), jnp.float32),
        "W_f1": w(ks[14], (D, D)), "b_f1": jnp.zeros((D,), jnp.float32),
        "W_f2": w(ks[15], (D, NUM_CLASSES)), "b_f2": jnp.zeros((NUM_CLASSES,), jnp.float32),
    }
    return {"X": X, "t": t, "S": S, "edge_index": edge_index, "params": params}


def _forward(X, t, params, S, edge_index):
    p = params
    # residue-type embedding lookup (gather)
    H0 = p["embed"][S]
    # GaussianSmearing(0, 1, embed_size) time embedding, faithful to torch code
    offset = jnp.linspace(0.0, 1.0, D)
    coeff = -0.5 / (offset[1] - offset[0]) ** 2
    d = t[:, None] - offset[None, :] + 1e-6
    g = jnp.exp(coeff * d ** 2)
    temb = jnp.maximum(g @ p["W_t1"] + p["b_t1"], 0.0) @ p["W_t2"] + p["b_t2"]
    Hn = H0 + temb
    src, dst = edge_index[0], edge_index[1]
    # multichannel EGNN message passing (dyAbEGNN core)
    coord_diff = X[src] - X[dst]  # [E, C, 3]
    radial = jnp.einsum("eci,edi->ecd", coord_diff, coord_diff).reshape(E, C * C)
    rfeat = silu(radial @ p["W_r"] + p["b_r"])
    m_in = jnp.concatenate([Hn[src], Hn[dst], rfeat], axis=-1)
    m = silu(silu(m_in @ p["W_e1"] + p["b_e1"]) @ p["W_e2"] + p["b_e2"])
    agg = jax.ops.segment_sum(m, dst, num_segments=N)
    Hout = Hn + (silu(jnp.concatenate([Hn, agg], axis=-1) @ p["W_n1"] + p["b_n1"]) @ p["W_n2"] + p["b_n2"])
    # coordinate update (scatter-mean of weighted coord differences)
    wgt = m @ p["W_c"]  # [E, 1]
    coord_msg = coord_diff * wgt[:, :, None]
    cnt = jax.ops.segment_sum(jnp.ones((E,), X.dtype), dst, num_segments=N)
    Xout = X + jax.ops.segment_sum(coord_msg, dst, num_segments=N) / jnp.maximum(cnt, 1.0)[:, None, None]
    # pred_logits = ffn_residue2(pre_H_0 * sigmoid(ffn_proj(H)))
    proj = silu(Hout) @ p["W_p"] + p["b_p"]
    gate = H0 * jax.nn.sigmoid(proj)
    logits = silu(silu(gate) @ p["W_f1"] + p["b_f1"]) @ p["W_f2"] + p["b_f2"]
    return logits, Xout


def reference(X, t, S, edge_index, params):
    return _forward(X, t, params, S, edge_index)

if __name__ == "__main__":
    import jax
    _d = setup_inputs()
    print(jax.jit(kernel)(*tuple(_d.values())))

</pallas_src>

<mosaic_0001>
#map = affine_map<(d0, d1) -> (0, 0)>
#map1 = affine_map<(d0, d1) -> (0, 0, 0)>
module attributes {stable_mosaic.version = 14 : i64} {
  func.func @_sc_gather_k(%arg0: i32, %arg1: i32, %arg2: memref<10000x144xf32, #tpu.memory_space<hbm>>, %arg3: memref<10000x144xf32, #tpu.memory_space<hbm>>, %arg4: memref<32x40x125xi32, #tpu.memory_space<hbm>>, %arg5: memref<32x40x125xi32, #tpu.memory_space<hbm>>, %arg6: memref<160000x128xf32, #tpu.memory_space<hbm>>, %arg7: memref<160000x16xf32, #tpu.memory_space<hbm>>, %arg8: memref<40x125xi32, #tpu.memory_space<vmem>>, %arg9: memref<40x125xi32, #tpu.memory_space<vmem>>, %arg10: memref<125x144xf32, #tpu.memory_space<vmem>>, %arg11: memref<125x144xf32, #tpu.memory_space<vmem>>, %arg12: memref<125x144xf32, #tpu.memory_space<vmem>>, %arg13: memref<125x144xf32, #tpu.memory_space<vmem>>, %arg14: memref<!tpu.dma_semaphore, #tpu.memory_space<semaphore_mem>>, %arg15: memref<!tpu.dma_semaphore, #tpu.memory_space<semaphore_mem>>) attributes {dimension_semantics = [#tpu.dimension_semantics<core_parallel>, #tpu.dimension_semantics<subcore_parallel>], iteration_bounds = array<i64: 2, 16>, scalar_prefetch = 0 : i64, scratch_operands = 8 : i64, tpu.core_type = #tpu.core_type<sc_vector_subcore>, window_params = [{transform_indices = #map}, {transform_indices = #map}, {transform_indices = #map1}, {transform_indices = #map1}, {transform_indices = #map}, {transform_indices = #map}]} {
    %mul3A = arith.constant 2 : i32
    %mul3A_0 = arith.muli %arg1, %mul3A : i32
    %add3A = arith.addi %mul3A_0, %arg0 : i32
    %mul3A_1 = arith.constant 5000 : i32
    %mul3A_2 = arith.muli %add3A, %mul3A_1 : i32
    "tpu.region"() ({
      %run_scoped3A = tpu.sem_alloc : memref<!tpu.dma_semaphore, #tpu.memory_space<semaphore_mem>>
      %dma_start3A_20 = arith.constant 0 : i32
      %dma_start3A_21 = arith.constant 0 : i32
      %dma_start3A_22 = tpu.memref_slice %arg4[%add3A, %dma_start3A_20, %dma_start3A_21] : memref<32x40x125xi32, #tpu.memory_space<hbm>> -> memref<1x40x125xi32, #tpu.memory_space<hbm>>
      %dma_start3A_23 = tpu.memref_squeeze %dma_start3A_22 : memref<1x40x125xi32, #tpu.memory_space<hbm>> -> memref<40x125xi32, #tpu.memory_space<hbm>>
      %dma_start3A_24 = arith.constant 0 : i32
      %dma_start3A_25 = arith.constant 0 : i32
      %dma_start3A_26 = tpu.memref_slice %arg4[%add3A, %dma_start3A_24, %dma_start3A_25] : memref<32x40x125xi32, #tpu.memory_space<hbm>> -> memref<1x40x125xi32, #tpu.memory_space<hbm>>
      %dma_start3A_27 = tpu.memref_squeeze %dma_start3A_26 : memref<1x40x125xi32, #tpu.memory_space<hbm>> -> memref<40x125xi32, #tpu.memory_space<hbm>>
      tpu.enqueue_dma source(%dma_start3A_27 : memref<40x125xi32, #tpu.memory_space<hbm>>) target(%arg8 : memref<40x125xi32, #tpu.memory_space<vmem>>) target_semaphore(%run_scoped3A : memref<!tpu.dma_semaphore, #tpu.memory_space<semaphore_mem>>)
      %dma_wait3A = arith.constant 0 : i32
      %dma_wait3A_28 = arith.constant 0 : i32
      %dma_wait3A_29 = tpu.memref_slice %arg4[%add3A, %dma_wait3A, %dma_wait3A_28] : memref<32x40x125xi32, #tpu.memory_space<hbm>> -> memref<1x40x125xi32, #tpu.memory_space<hbm>>
      %dma_wait3A_30 = tpu.memref_squeeze %dma_wait3A_29 : memref<1x40x125xi32, #tpu.memory_space<hbm>> -> memref<40x125xi32, #tpu.memory_space<hbm>>
      %dma_wait3A_31 = arith.constant 0 : i32
      %dma_wait3A_32 = arith.constant 0 : i32
      %dma_wait3A_33 = tpu.memref_slice %arg4[%add3A, %dma_wait3A_31, %dma_wait3A_32] : memref<32x40x125xi32, #tpu.memory_space<hbm>> -> memref<1x40x125xi32, #tpu.memory_space<hbm>>
      %dma_wait3A_34 = tpu.memref_squeeze %dma_wait3A_33 : memref<1x40x125xi32, #tpu.memory_space<hbm>> -> memref<40x125xi32, #tpu.memory_space<hbm>>
      tpu.wait_dma2 semaphore(%run_scoped3A : memref<!tpu.dma_semaphore, #tpu.memory_space<semaphore_mem>>) src(%dma_wait3A_34 : memref<40x125xi32, #tpu.memory_space<hbm>>) dst(%arg8 : memref<40x125xi32, #tpu.memory_space<vmem>>)
      tpu.yield
    }) : () -> ()
    "tpu.region"() ({
      %run_scoped3A = tpu.sem_alloc : memref<!tpu.dma_semaphore, #tpu.memory_space<semaphore_mem>>
      %dma_start3A_20 = arith.constant 0 : i32
      %dma_start3A_21 = arith.constant 0 : i32
      %dma_start3A_22 = tpu.memref_slice %arg5[%add3A, %dma_start3A_20, %dma_start3A_21] : memref<32x40x125xi32, #tpu.memory_space<hbm>> -> memref<1x40x125xi32, #tpu.memory_space<hbm>>
      %dma_start3A_23 = tpu.memref_squeeze %dma_start3A_22 : memref<1x40x125xi32, #tpu.memory_space<hbm>> -> memref<40x125xi32, #tpu.memory_space<hbm>>
      %dma_start3A_24 = arith.constant 0 : i32
      %dma_start3A_25 = arith.constant 0 : i32
      %dma_start3A_26 = tpu.memref_slice %arg5[%add3A, %dma_start3A_24, %dma_start3A_25] : memref<32x40x125xi32, #tpu.memory_space<hbm>> -> memref<1x40x125xi32, #tpu.memory_space<hbm>>
      %dma_start3A_27 = tpu.memref_squeeze %dma_start3A_26 : memref<1x40x125xi32, #tpu.memory_space<hbm>> -> memref<40x125xi32, #tpu.memory_space<hbm>>
      tpu.enqueue_dma source(%dma_start3A_27 : memref<40x125xi32, #tpu.memory_space<hbm>>) target(%arg9 : memref<40x125xi32, #tpu.memory_space<vmem>>) target_semaphore(%run_scoped3A : memref<!tpu.dma_semaphore, #tpu.memory_space<semaphore_mem>>)
      %dma_wait3A = arith.constant 0 : i32
      %dma_wait3A_28 = arith.constant 0 : i32
      %dma_wait3A_29 = tpu.memref_slice %arg5[%add3A, %dma_wait3A, %dma_wait3A_28] : memref<32x40x125xi32, #tpu.memory_space<hbm>> -> memref<1x40x125xi32, #tpu.memory_space<hbm>>
      %dma_wait3A_30 = tpu.memref_squeeze %dma_wait3A_29 : memref<1x40x125xi32, #tpu.memory_space<hbm>> -> memref<40x125xi32, #tpu.memory_space<hbm>>
      %dma_wait3A_31 = arith.constant 0 : i32
      %dma_wait3A_32 = arith.constant 0 : i32
      %dma_wait3A_33 = tpu.memref_slice %arg5[%add3A, %dma_wait3A_31, %dma_wait3A_32] : memref<32x40x125xi32, #tpu.memory_space<hbm>> -> memref<1x40x125xi32, #tpu.memory_space<hbm>>
      %dma_wait3A_34 = tpu.memref_squeeze %dma_wait3A_33 : memref<1x40x125xi32, #tpu.memory_space<hbm>> -> memref<40x125xi32, #tpu.memory_space<hbm>>
      tpu.wait_dma2 semaphore(%run_scoped3A : memref<!tpu.dma_semaphore, #tpu.memory_space<semaphore_mem>>) src(%dma_wait3A_34 : memref<40x125xi32, #tpu.memory_space<hbm>>) dst(%arg9 : memref<40x125xi32, #tpu.memory_space<vmem>>)
      tpu.yield
    }) : () -> ()
    %dma_start3A = arith.constant 0 : i32
    %dma_start3A_3 = arith.constant 0 : i32
    %dma_start3A_4 = tpu.memref_slice %arg8[%dma_start3A, %dma_start3A_3] : memref<40x125xi32, #tpu.memory_space<vmem>> -> memref<1x125xi32, #tpu.memory_space<vmem>>
    %dma_start3A_5 = tpu.memref_squeeze %dma_start3A_4 : memref<1x125xi32, #tpu.memory_space<vmem>> -> memref<125xi32, #tpu.memory_space<vmem>>
    %dma_start3A_6 = arith.constant 0 : i32
    %dma_start3A_7 = arith.constant 0 : i32
    %dma_start3A_8 = tpu.memref_slice %arg2[%dma_start3A_6, %dma_start3A_7] : memref<10000x144xf32, #tpu.memory_space<hbm>> -> memref<10000x144xf32, #tpu.memory_space<hbm>>
    tpu.enqueue_indirect_dma source(%dma_start3A_8 : memref<10000x144xf32, #tpu.memory_space<hbm>>) target(%arg10 : memref<125x144xf32, #tpu.memory_space<vmem>>) offsets(%dma_start3A_5 : memref<125xi32, #tpu.memory_space<vmem>>) semaphore(%arg14 : memref<!tpu.dma_semaphore, #tpu.memory_space<semaphore_mem>>)
    %dma_start3A_9 = arith.constant 0 : i32
    %dma_start3A_10 = arith.constant 0 : i32
    %dma_start3A_11 = tpu.memref_slice %arg9[%dma_start3A_9, %dma_start3A_10] : memref<40x125xi32, #tpu.memory_space<vmem>> -> memref<1x125xi32, #tpu.memory_space<vmem>>
    %dma_start3A_12 = tpu.memref_squeeze %dma_start3A_11 : memref<1x125xi32, #tpu.memory_space<vmem>> -> memref<125xi32, #tpu.memory_space<vmem>>
    %dma_start3A_13 = arith.constant 0 : i32
    %dma_start3A_14 = arith.constant 0 : i32
    %dma_start3A_15 = tpu.memref_slice %arg3[%dma_start3A_13, %dma_start3A_14] : memref<10000x144xf32, #tpu.memory_space<hbm>> -> memref<10000x144xf32, #tpu.memory_space<hbm>>
    tpu.enqueue_indirect_dma source(%dma_start3A_15 : memref<10000x144xf32, #tpu.memory_space<hbm>>) target(%arg11 : memref<125x144xf32, #tpu.memory_space<vmem>>) offsets(%dma_start3A_12 : memref<125xi32, #tpu.memory_space<vmem>>) semaphore(%arg14 : memref<!tpu.dma_semaphore, #tpu.memory_space<semaphore_mem>>)
    %scan3A = arith.constant 0 : i32
    %scan3A_16 = arith.constant 20 : i32
    %scan3A_17 = arith.addi %scan3A, %scan3A_16 : i32
    %scan3A_18 = arith.constant 1 : i32
    scf.for %scan3A_20 = %scan3A to %scan3A_17 step %scan3A_18  : i32 {
      %mul3A_21 = arith.constant 2 : i32
      %mul3A_22 = arith.muli %mul3A_21, %scan3A_20 : i32
      %add3A_23 = arith.constant 1 : i32
      %add3A_24 = arith.addi %mul3A_22, %add3A_23 : i32
      %dma_start3A_25 = arith.constant 0 : i32
      %dma_start3A_26 = tpu.memref_slice %arg8[%add3A_24, %dma_start3A_25] : memref<40x125xi32, #tpu.memory_space<vmem>> -> memref<1x125xi32, #tpu.memory_space<vmem>>
      %dma_start3A_27 = tpu.memref_squeeze %dma_start3A_26 : memref<1x125xi32, #tpu.memory_space<vmem>> -> memref<125xi32, #tpu.memory_space<vmem>>
      %dma_start3A_28 = arith.constant 0 : i32
      %dma_start3A_29 = arith.constant 0 : i32
      %dma_start3A_30 = tpu.memref_slice %arg2[%dma_start3A_28, %dma_start3A_29] : memref<10000x144xf32, #tpu.memory_space<hbm>> -> memref<10000x144xf32, #tpu.memory_space<hbm>>
      tpu.enqueue_indirect_dma source(%dma_start3A_30 : memref<10000x144xf32, #tpu.memory_space<hbm>>) target(%arg12 : memref<125x144xf32, #tpu.memory_space<vmem>>) offsets(%dma_start3A_27 : memref<125xi32, #tpu.memory_space<vmem>>) semaphore(%arg15 : memref<!tpu.dma_semaphore, #tpu.memory_space<semaphore_mem>>)
      %dma_start3A_31 = arith.constant 0 : i32
      %dma_start3A_32 = tpu.memref_slice %arg9[%add3A_24, %dma_start3A_31] : memref<40x125xi32, #tpu.memory_space<vmem>> -> memref<1x125xi32, #tpu.memory_space<vmem>>
      %dma_start3A_33 = tpu.memref_squeeze %dma_start3A_32 : memref<1x125xi32, #tpu.memory_space<vmem>> -> memref<125xi32, #tpu.memory_space<vmem>>
      %dma_start3A_34 = arith.constant 0 : i32
      %dma_start3A_35 = arith.constant 0 : i32
      %dma_start3A_36 = tpu.memref_slice %arg3[%dma_start3A_34, %dma_start3A_35] : memref<10000x144xf32, #tpu.memory_space<hbm>> -> memref<10000x144xf32, #tpu.memory_space<hbm>>
      tpu.enqueue_indirect_dma source(%dma_start3A_36 : memref<10000x144xf32, #tpu.memory_space<hbm>>) target(%arg13 : memref<125x144xf32, #tpu.memory_space<vmem>>) offsets(%dma_start3A_33 : memref<125xi32, #tpu.memory_space<vmem>>) semaphore(%arg15 : memref<!tpu.dma_semaphore, #tpu.memory_space<semaphore_mem>>)
      %dma_wait3A = arith.constant 0 : i32
      %dma_wait3A_37 = arith.constant 0 : i32
      %dma_wait3A_38 = tpu.memref_slice %arg8[%dma_wait3A, %dma_wait3A_37] : memref<40x125xi32, #tpu.memory_space<vmem>> -> memref<1x125xi32, #tpu.memory_space<vmem>>
      %dma_wait3A_39 = tpu.memref_squeeze %dma_wait3A_38 : memref<1x125xi32, #tpu.memory_space<vmem>> -> memref<125xi32, #tpu.memory_space<vmem>>
      %dma_wait3A_40 = arith.constant 0 : i32
      %dma_wait3A_41 = arith.constant 0 : i32
      %dma_wait3A_42 = tpu.memref_slice %arg2[%dma_wait3A_40, %dma_wait3A_41] : memref<10000x144xf32, #tpu.memory_space<hbm>> -> memref<10000x144xf32, #tpu.memory_space<hbm>>
      tpu.wait_indirect_dma semaphore(%arg14 : memref<!tpu.dma_semaphore, #tpu.memory_space<semaphore_mem>>) src(%dma_wait3A_42 : memref<10000x144xf32, #tpu.memory_space<hbm>>) dst(%arg10 : memref<125x144xf32, #tpu.memory_space<vmem>>)
      %dma_wait3A_43 = arith.constant 0 : i32
      %dma_wait3A_44 = arith.constant 0 : i32
      %dma_wait3A_45 = tpu.memref_slice %arg9[%dma_wait3A_43, %dma_wait3A_44] : memref<40x125xi32, #tpu.memory_space<vmem>> -> memref<1x125xi32, #tpu.memory_space<vmem>>
      %dma_wait3A_46 = tpu.memref_squeeze %dma_wait3A_45 : memref<1x125xi32, #tpu.memory_space<vmem>> -> memref<125xi32, #tpu.memory_space<vmem>>
      %dma_wait3A_47 = arith.constant 0 : i32
      %dma_wait3A_48 = arith.constant 0 : i32
      %dma_wait3A_49 = tpu.memref_slice %arg3[%dma_wait3A_47, %dma_wait3A_48] : memref<10000x144xf32, #tpu.memory_space<hbm>> -> memref<10000x144xf32, #tpu.memory_space<hbm>>
      tpu.wait_indirect_dma semaphore(%arg14 : memref<!tpu.dma_semaphore, #tpu.memory_space<semaphore_mem>>) src(%dma_wait3A_49 : memref<10000x144xf32, #tpu.memory_space<hbm>>) dst(%arg11 : memref<125x144xf32, #tpu.memory_space<vmem>>)
      %scan3A_50 = arith.constant 0 : i32
      %scan3A_51 = arith.constant 25 : i32
      %scan3A_52 = arith.addi %scan3A_50, %scan3A_51 : i32
      %scan3A_53 = arith.constant 1 : i32
      scf.for %scan3A_84 = %scan3A_50 to %scan3A_52 step %scan3A_53  : i32 {
        %mul3A_85 = arith.constant 5 : i32
        %mul3A_86 = arith.muli %scan3A_84, %mul3A_85 : i32
        %add3A_87 = arith.constant 0 : i32
        %add3A_88 = arith.addi %mul3A_86, %add3A_87 : i32
        %get3A = arith.index_cast %add3A_88 : i32 to index
        %get3A_89 = arith.constant 0 : index
        %get3A_90 = tpu.vector_load %arg10[%get3A, %get3A_89] {strides = array<i32>} : memref<125x144xf32, #tpu.memory_space<vmem>>, vector<1x16xf32>,
        %get3A_91 = vector.shape_cast %get3A_90 : vector<1x16xf32> to vector<16xf32>
        %get3A_92 = arith.index_cast %add3A_88 : i32 to index
        %get3A_93 = arith.constant 0 : index
        %get3A_94 = tpu.vector_load %arg11[%get3A_92, %get3A_93] {strides = array<i32>} : memref<125x144xf32, #tpu.memory_space<vmem>>, vector<1x16xf32>,
        %get3A_95 = vector.shape_cast %get3A_94 : vector<1x16xf32> to vector<16xf32>
        %add3A_96 = arith.addf %get3A_91, %get3A_95 : vector<16xf32>
        %swap3A = arith.index_cast %add3A_88 : i32 to index
        %swap3A_97 = arith.constant 0 : index
        %swap3A_98 = tpu.vector_load %arg10[%swap3A, %swap3A_97] {strides = array<i32>} : memref<125x144xf32, #tpu.memory_space<vmem>>, vector<1x16xf32>,
        %swap3A_99 = vector.shape_cast %swap3A_98 : vector<1x16xf32> to vector<16xf32>
        %swap3A_100 = vector.shape_cast %add3A_96 : vector<16xf32> to vector<1x16xf32>
        tpu.vector_store %arg10[%swap3A, %swap3A_97], %swap3A_100 {strides = array<i32>} : memref<125x144xf32, #tpu.memory_space<vmem>>, vector<1x16xf32>,
        %get3A_101 = arith.index_cast %add3A_88 : i32 to index
        %get3A_102 = arith.constant 16 : index
        %get3A_103 = tpu.vector_load %arg10[%get3A_101, %get3A_102] {strides = array<i32>} : memref<125x144xf32, #tpu.memory_space<vmem>>, vector<1x16xf32>,
        %get3A_104 = vector.shape_cast %get3A_103 : vector<1x16xf32> to vector<16xf32>
        %get3A_105 = arith.index_cast %add3A_88 : i32 to index
        %get3A_106 = arith.constant 16 : index
        %get3A_107 = tpu.vector_load %arg11[%get3A_105, %get3A_106] {strides = array<i32>} : memref<125x144xf32, #tpu.memory_space<vmem>>, vector<1x16xf32>,
        %get3A_108 = vector.shape_cast %get3A_107 : vector<1x16xf32> to vector<16xf32>
        %add3A_109 = arith.addf %get3A_104, %get3A_108 : vector<16xf32>
        %swap3A_110 = arith.index_cast %add3A_88 : i32 to index
        %swap3A_111 = arith.constant 16 : index
        %swap3A_112 = tpu.vector_load %arg10[%swap3A_110, %swap3A_111] {strides = array<i32>} : memref<125x144xf32, #tpu.memory_space<vmem>>, vector<1x16xf32>,
        %swap3A_113 = vector.shape_cast %swap3A_112 : vector<1x16xf32> to vector<16xf32>
        %swap3A_114 = vector.shape_cast %add3A_109 : vector<16xf32> to vector<1x16xf32>
        tpu.vector_store %arg10[%swap3A_110, %swap3A_111], %swap3A_114 {strides = array<i32>} : memref<125x144xf32, #tpu.memory_space<vmem>>, vector<1x16xf32>,
        %get3A_115 = arith.index_cast %add3A_88 : i32 to index
        %get3A_116 = arith.constant 32 : index
        %get3A_117 = tpu.vector_load %arg10[%get3A_115, %get3A_116] {strides = array<i32>} : memref<125x144xf32, #tpu.memory_space<vmem>>, vector<1x16xf32>,
        %get3A_118 = vector.shape_cast %get3A_117 : vector<1x16xf32> to vector<16xf32>
        %get3A_119 = arith.index_cast %add3A_88 : i32 to index
        %get3A_120 = arith.constant 32 : index
        %get3A_121 = tpu.vector_load %arg11[%get3A_119, %get3A_120] {strides = array<i32>} : memref<125x144xf32, #tpu.memory_space<vmem>>, vector<1x16xf32>,
        %get3A_122 = vector.shape_cast %get3A_121 : vector<1x16xf32> to vector<16xf32>
        %add3A_123 = arith.addf %get3A_118, %get3A_122 : vector<16xf32>
        %swap3A_124 = arith.index_cast %add3A_88 : i32 to index
        %swap3A_125 = arith.constant 32 : index
        %swap3A_126 = tpu.vector_load %arg10[%swap3A_124, %swap3A_125] {strides = array<i32>} : memref<125x144xf32, #tpu.memory_space<vmem>>, vector<1x16xf32>,
        %swap3A_127 = vector.shape_cast %swap3A_126 : vector<1x16xf32> to vector<16xf32>
        %swap3A_128 = vector.shape_cast %add3A_123 : vector<16xf32> to vector<1x16xf32>
        tpu.vector_store %arg10[%swap3A_124, %swap3A_125], %swap3A_128 {strides = array<i32>} : memref<125x144xf32, #tpu.memory_space<vmem>>, vector<1x16xf32>,
        %get3A_129 = arith.index_cast %add3A_88 : i32 to index
        %get3A_130 = arith.constant 48 : index
        %get3A_131 = tpu.vector_load %arg10[%get3A_129, %get3A_130] {strides = array<i32>} : memref<125x144xf32, #tpu.memory_space<vmem>>, vector<1x16xf32>,
        %get3A_132 = vector.shape_cast %get3A_131 : vector<1x16xf32> to vector<16xf32>
        %get3A_133 = arith.index_cast %add3A_88 : i32 to index
        %get3A_134 = arith.constant 48 : index
        %get3A_135 = tpu.vector_load %arg11[%get3A_133, %get3A_134] {strides = array<i32>} : memref<125x144xf32, #tpu.memory_space<vmem>>, vector<1x16xf32>,
        %get3A_136 = vector.shape_cast %get3A_135 : vector<1x16xf32> to vector<16xf32>
        %add3A_137 = arith.addf %get3A_132, %get3A_136 : vector<16xf32>
        %swap3A_138 = arith.index_cast %add3A_88 : i32 to index
        %swap3A_139 = arith.constant 48 : index
        %swap3A_140 = tpu.vector_load %arg10[%swap3A_138, %swap3A_139] {strides = array<i32>} : memref<125x144xf32, #tpu.memory_space<vmem>>, vector<1x16xf32>,
        %swap3A_141 = vector.shape_cast %swap3A_140 : vector<1x16xf32> to vector<16xf32>
        %swap3A_142 = vector.shape_cast %add3A_137 : vector<16xf32> to vector<1x16xf32>
        tpu.vector_store %arg10[%swap3A_138, %swap3A_139], %swap3A_142 {strides = array<i32>} : memref<125x144xf32, #tpu.memory_space<vmem>>, vector<1x16xf32>,
        %get3A_143 = arith.index_cast %add3A_88 : i32 to index
        %get3A_144 = arith.constant 64 : index
        %get3A_145 = tpu.vector_load %arg10[%get3A_143, %get3A_144] {strides = array<i32>} : memref<125x144xf32, #tpu.memory_space<vmem>>, vector<1x16xf32>,
        %get3A_146 = vector.shape_cast %get3A_145 : vector<1x16xf32> to vector<16xf32>
        %get3A_147 = arith.index_cast %add3A_88 : i32 to index
        %get3A_148 = arith.constant 64 : index
        %get3A_149 = tpu.vector_load %arg11[%get3A_147, %get3A_148] {strides = array<i32>} : memref<125x144xf32, #tpu.memory_space<vmem>>, vector<1x16xf32>,
        %get3A_150 = vector.shape_cast %get3A_149 : vector<1x16xf32> to vector<16xf32>
        %add3A_151 = arith.addf %get3A_146, %get3A_150 : vector<16xf32>
        %swap3A_152 = arith.index_cast %add3A_88 : i32 to index
        %swap3A_153 = arith.constant 64 : index
        %swap3A_154 = tpu.vector_load %arg10[%swap3A_152, %swap3A_153] {strides = array<i32>} : memref<125x144xf32, #tpu.memory_space<vmem>>, vector<1x16xf32>,
        %swap3A_155 = vector.shape_cast %swap3A_154 : vector<1x16xf32> to vector<16xf32>
        %swap3A_156 = vector.shape_cast %add3A_151 : vector<16xf32> to vector<1x16xf32>
        tpu.vector_store %arg10[%swap3A_152, %swap3A_153], %swap3A_156 {strides = array<i32>} : memref<125x144xf32, #tpu.memory_space<vmem>>, vector<1x16xf32>,
        %get3A_157 = arith.index_cast %add3A_88 : i32 to index
        %get3A_158 = arith.constant 80 : index
        %get3A_159 = tpu.vector_load %arg10[%get3A_157, %get3A_158] {strides = array<i32>} : memref<125x144xf32, #tpu.memory_space<vmem>>, vector<1x16xf32>,
        %get3A_160 = vector.shape_cast %get3A_159 : vector<1x16xf32> to vector<16xf32>
        %get3A_161 = arith.index_cast %add3A_88 : i32 to index
        %get3A_162 = arith.constant 80 : index
        %get3A_163 = tpu.vector_load %arg11[%get3A_161, %get3A_162] {strides = array<i32>} : memref<125x144xf32, #tpu.memory_space<vmem>>, vector<1x16xf32>,
        %get3A_164 = vector.shape_cast %get3A_163 : vector<1x16xf32> to vector<16xf32>
        %add3A_165 = arith.addf %get3A_160, %get3A_164 : vector<16xf32>
        %swap3A_166 = arith.index_cast %add3A_88 : i32 to index
        %swap3A_167 = arith.constant 80 : index
        %swap3A_168 = tpu.vector_load %arg10[%swap3A_166, %swap3A_167] {strides = array<i32>} : memref<125x144xf32, #tpu.memory_space<vmem>>, vector<1x16xf32>,
        %swap3A_169 = vector.shape_cast %swap3A_168 : vector<1x16xf32> to vector<16xf32>
        %swap3A_170 = vector.shape_cast %add3A_165 : vector<16xf32> to vector<1x16xf32>
        tpu.vector_store %arg10[%swap3A_166, %swap3A_167], %swap3A_170 {strides = array<i32>} : memref<125x144xf32, #tpu.memory_space<vmem>>, vector<1x16xf32>,
        %get3A_171 = arith.index_cast %add3A_88 : i32 to index
        %get3A_172 = arith.constant 96 : index
        %get3A_173 = tpu.vector_load %arg10[%get3A_171, %get3A_172] {strides = array<i32>} : memref<125x144xf32, #tpu.memory_space<vmem>>, vector<1x16xf32>,
        %get3A_174 = vector.shape_cast %get3A_173 : vector<1x16xf32> to vector<16xf32>
        %get3A_175 = arith.index_cast %add3A_88 : i32 to index
        %get3A_176 = arith.constant 96 : index
        %get3A_177 = tpu.vector_load %arg11[%get3A_175, %get3A_176] {strides = array<i32>} : memref<125x144xf32, #tpu.memory_space<vmem>>, vector<1x16xf32>,
        %get3A_178 = vector.shape_cast %get3A_177 : vector<1x16xf32> to vector<16xf32>
        %add3A_179 = arith.addf %get3A_174, %get3A_178 : vector<16xf32>
        %swap3A_180 = arith.index_cast %add3A_88 : i32 to index
        %swap3A_181 = arith.constant 96 : index
        %swap3A_182 = tpu.vector_load %arg10[%swap3A_180, %swap3A_181] {strides = array<i32>} : memref<125x144xf32, #tpu.memory_space<vmem>>, vector<1x16xf32>,
        %swap3A_183 = vector.shape_cast %swap3A_182 : vector<1x16xf32> to vector<16xf32>
        %swap3A_184 = vector.shape_cast %add3A_179 : vector<16xf32> to vector<1x16xf32>
        tpu.vector_store %arg10[%swap3A_180, %swap3A_181], %swap3A_184 {strides = array<i32>} : memref<125x144xf32, #tpu.memory_space<vmem>>, vector<1x16xf32>,
        %get3A_185 = arith.index_cast %add3A_88 : i32 to index
        %get3A_186 = arith.constant 112 : index
        %get3A_187 = tpu.vector_load %arg10[%get3A_185, %get3A_186] {strides = array<i32>} : memref<125x144xf32, #tpu.memory_space<vmem>>, vector<1x16xf32>,
        %get3A_188 = vector.shape_cast %get3A_187 : vector<1x16xf32> to vector<16xf32>
        %get3A_189 = arith.index_cast %add3A_88 : i32 to index
        %get3A_190 = arith.constant 112 : index
        %get3A_191 = tpu.vector_load %arg11[%get3A_189, %get3A_190] {strides = array<i32>} : memref<125x144xf32, #tpu.memory_space<vmem>>, vector<1x16xf32>,
        %get3A_192 = vector.shape_cast %get3A_191 : vector<1x16xf32> to vector<16xf32>
        %add3A_193 = arith.addf %get3A_188, %get3A_192 : vector<16xf32>
        %swap3A_194 = arith.index_cast %add3A_88 : i32 to index
        %swap3A_195 = arith.constant 112 : index
        %swap3A_196 = tpu.vector_load %arg10[%swap3A_194, %swap3A_195] {strides = array<i32>} : memref<125x144xf32, #tpu.memory_space<vmem>>, vector<1x16xf32>,
        %swap3A_197 = vector.shape_cast %swap3A_196 : vector<1x16xf32> to vector<16xf32>
        %swap3A_198 = vector.shape_cast %add3A_193 : vector<16xf32> to vector<1x16xf32>
        tpu.vector_store %arg10[%swap3A_194, %swap3A_195], %swap3A_198 {strides = array<i32>} : memref<125x144xf32, #tpu.memory_space<vmem>>, vector<1x16xf32>,
        %get3A_199 = arith.index_cast %add3A_88 : i32 to index
        %get3A_200 = arith.constant 128 : index
        %get3A_201 = tpu.vector_load %arg10[%get3A_199, %get3A_200] {strides = array<i32>} : memref<125x144xf32, #tpu.memory_space<vmem>>, vector<1x16xf32>,
        %get3A_202 = vector.shape_cast %get3A_201 : vector<1x16xf32> to vector<16xf32>
        %get3A_203 = arith.index_cast %add3A_88 : i32 to index
        %get3A_204 = arith.constant 128 : index
        %get3A_205 = tpu.vector_load %arg11[%get3A_203, %get3A_204] {strides = array<i32>} : memref<125x144xf32, #tpu.memory_space<vmem>>, vector<1x16xf32>,
        %get3A_206 = vector.shape_cast %get3A_205 : vector<1x16xf32> to vector<16xf32>
        %add3A_207 = arith.addf %get3A_202, %get3A_206 : vector<16xf32>
        %swap3A_208 = arith.index_cast %add3A_88 : i32 to index
        %swap3A_209 = arith.constant 128 : index
        %swap3A_210 = tpu.vector_load %arg10[%swap3A_208, %swap3A_209] {strides = array<i32>} : memref<125x144xf32, #tpu.memory_space<vmem>>, vector<1x16xf32>,
        %swap3A_211 = vector.shape_cast %swap3A_210 : vector<1x16xf32> to vector<16xf32>
        %swap3A_212 = vector.shape_cast %add3A_207 : vector<16xf32> to vector<1x16xf32>
        tpu.vector_store %arg10[%swap3A_208, %swap3A_209], %swap3A_212 {strides = array<i32>} : memref<125x144xf32, #tpu.memory_space<vmem>>, vector<1x16xf32>,
        %mul3A_213 = arith.constant 5 : i32
        %mul3A_214 = arith.muli %scan3A_84, %mul3A_213 : i32
        %add3A_215 = arith.constant 1 : i32
        %add3A_216 = arith.addi %mul3A_214, %add3A_215 : i32
        %get3A_217 = arith.index_cast %add3A_216 : i32 to index
        %get3A_218 = arith.constant 0 : index
        %get3A_219 = tpu.vector_load %arg10[%get3A_217, %get3A_218] {strides = array<i32>} : memref<125x144xf32, #tpu.memory_space<vmem>>, vector<1x16xf32>,
        %get3A_220 = vector.shape_cast %get3A_219 : vector<1x16xf32> to vector<16xf32>
        %get3A_221 = arith.index_cast %add3A_216 : i32 to index
        %get3A_222 = arith.constant 0 : index
        %get3A_223 = tpu.vector_load %arg11[%get3A_221, %get3A_222] {strides = array<i32>} : memref<125x144xf32, #tpu.memory_space<vmem>>, vector<1x16xf32>,
        %get3A_224 = vector.shape_cast %get3A_223 : vector<1x16xf32> to vector<16xf32>
        %add3A_225 = arith.addf %get3A_220, %get3A_224 : vector<16xf32>
        %swap3A_226 = arith.index_cast %add3A_216 : i32 to index
        %swap3A_227 = arith.constant 0 : index
        %swap3A_228 = tpu.vector_load %arg10[%swap3A_226, %swap3A_227] {strides = array<i32>} : memref<125x144xf32, #tpu.memory_space<vmem>>, vector<1x16xf32>,
        %swap3A_229 = vector.shape_cast %swap3A_228 : vector<1x16xf32> to vector<16xf32>
        %swap3A_230 = vector.shape_cast %add3A_225 : vector<16xf32> to vector<1x16xf32>
        tpu.vector_store %arg10[%swap3A_226, %swap3A_227], %swap3A_230 {strides = array<i32>} : memref<125x144xf32, #tpu.memory_space<vmem>>, vector<1x16xf32>,
        %get3A_231 = arith.index_cast %add3A_216 : i32 to index
        %get3A_232 = arith.constant 16 : index
        %get3A_233 = tpu.vector_load %arg10[%get3A_231, %get3A_232] {strides = array<i32>} : memref<125x144xf32, #tpu.memory_space<vmem>>, vector<1x16xf32>,
        %get3A_234 = vector.shape_cast %get3A_233 : vector<1x16xf32> to vector<16xf32>
        %get3A_235 = arith.index_cast %add3A_216 : i32 to index
        %get3A_236 = arith.constant 16 : index
        %get3A_237 = tpu.vector_load %arg11[%get3A_235, %get3A_236] {strides = array<i32>} : memref<125x144xf32, #tpu.memory_space<vmem>>, vector<1x16xf32>,
        %get3A_238 = vector.shape_cast %get3A_237 : vector<1x16xf32> to vector<16xf32>
        %add3A_239 = arith.addf %get3A_234, %get3A_238 : vector<16xf32>
        %swap3A_240 = arith.index_cast %add3A_216 : i32 to index
        %swap3A_241 = arith.constant 16 : index
        %swap3A_242 = tpu.vector_load %arg10[%swap3A_240, %swap3A_241] {strides = array<i32>} : memref<125x144xf32, #tpu.memory_space<vmem>>, vector<1x16xf32>,
        %swap3A_243 = vector.shape_cast %swap3A_242 : vector<1x16xf32> to vector<16xf32>
        %swap3A_244 = vector.shape_cast %add3A_239 : vector<16xf32> to vector<1x16xf32>
        tpu.vector_store %arg10[%swap3A_240, %swap3A_241], %swap3A_244 {strides = array<i32>} : memref<125x144xf32, #tpu.memory_space<vmem>>, vector<1x16xf32>,
        %get3A_245 = arith.index_cast %add3A_216 : i32 to index
        %get3A_246 = arith.constant 32 : index
        %get3A_247 = tpu.vector_load %arg10[%get3A_245, %get3A_246] {strides = array<i32>} : memref<125x144xf32, #tpu.memory_space<vmem>>, vector<1x16xf32>,
        %get3A_248 = vector.shape_cast %get3A_247 : vector<1x16xf32> to vector<16xf32>
        %get3A_249 = arith.index_cast %add3A_216 : i32 to index
        %get3A_250 = arith.constant 32 : index
        %get3A_251 = tpu.vector_load %arg11[%get3A_249, %get3A_250] {strides = array<i32>} : memref<125x144xf32, #tpu.memory_space<vmem>>, vector<1x16xf32>,
        %get3A_252 = vector.shape_cast %get3A_251 : vector<1x16xf32> to vector<16xf32>
        %add3A_253 = arith.addf %get3A_248, %get3A_252 : vector<16xf32>
        %swap3A_254 = arith.index_cast %add3A_216 : i32 to index
        %swap3A_255 = arith.constant 32 : index
        %swap3A_256 = tpu.vector_load %arg10[%swap3A_254, %swap3A_255] {strides = array<i32>} : memref<125x144xf32, #tpu.memory_space<vmem>>, vector<1x16xf32>,
        %swap3A_257 = vector.shape_cast %swap3A_256 : vector<1x16xf32> to vector<16xf32>
        %swap3A_258 = vector.shape_cast %add3A_253 : vector<16xf32> to vector<1x16xf32>
        tpu.vector_store %arg10[%swap3A_254, %swap3A_255], %swap3A_258 {strides = array<i32>} : memref<125x144xf32, #tpu.memory_space<vmem>>, vector<1x16xf32>,
        %get3A_259 = arith.index_cast %add3A_216 : i32 to index
        %get3A_260 = arith.constant 48 : index
        %get3A_261 = tpu.vector_load %arg10[%get3A_259, %get3A_260] {strides = array<i32>} : memref<125x144xf32, #tpu.memory_space<vmem>>, vector<1x16xf32>,
        %get3A_262 = vector.shape_cast %get3A_261 : vector<1x16xf32> to vector<16xf32>
        %get3A_263 = arith.index_cast %add3A_216 : i32 to index
        %get3A_264 = arith.constant 48 : index
        %get3A_265 = tpu.vector_load %arg11[%get3A_263, %get3A_264] {strides = array<i32>} : memref<125x144xf32, #tpu.memory_space<vmem>>, vector<1x16xf32>,
        %get3A_266 = vector.shape_cast %get3A_265 : vector<1x16xf32> to vector<16xf32>
        %add3A_267 = arith.addf %get3A_262, %get3A_266 : vector<16xf32>
        %swap3A_268 = arith.index_cast %add3A_216 : i32 to index
        %swap3A_269 = arith.constant 48 : index
        %swap3A_270 = tpu.vector_load %arg10[%swap3A_268, %swap3A_269] {strides = array<i32>} : memref<125x144xf32, #tpu.memory_space<vmem>>, vector<1x16xf32>,
        %swap3A_271 = vector.shape_cast %swap3A_270 : vector<1x16xf32> to vector<16xf32>
        %swap3A_272 = vector.shape_cast %add3A_267 : vector<16xf32> to vector<1x16xf32>
        tpu.vector_store %arg10[%swap3A_268, %swap3A_269], %swap3A_272 {strides = array<i32>} : memref<125x144xf32, #tpu.memory_space<vmem>>, vector<1x16xf32>,
        %get3A_273 = arith.index_cast %add3A_216 : i32 to index
        %get3A_274 = arith.constant 64 : index
        %get3A_275 = tpu.vector_load %arg10[%get3A_273, %get3A_274] {strides = array<i32>} : memref<125x144xf32, #tpu.memory_space<vmem>>, vector<1x16xf32>,
        %get3A_276 = vector.shape_cast %get3A_275 : vector<1x16xf32> to vector<16xf32>
        %get3A_277 = arith.index_cast %add3A_216 : i32 to index
        %get3A_278 = arith.constant 64 : index
        %get3A_279 = tpu.vector_load %arg11[%get3A_277, %get3A_278] {strides = array<i32>} : memref<125x144xf32, #tpu.memory_space<vmem>>, vector<1x16xf32>,
        %get3A_280 = vector.shape_cast %get3A_279 : vector<1x16xf32> to vector<16xf32>
        %add3A_281 = arith.addf %get3A_276, %get3A_280 : vector<16xf32>
        %swap3A_282 = arith.index_cast %add3A_216 : i32 to index
        %swap3A_283 = arith.constant 64 : index
        %swap3A_284 = tpu.vector_load %arg10[%swap3A_282, %swap3A_283] {strides = array<i32>} : memref<125x144xf32, #tpu.memory_space<vmem>>, vector<1x16xf32>,
        %swap3A_285 = vector.shape_cast %swap3A_284 : vector<1x16xf32> to vector<16xf32>
        %swap3A_286 = vector.shape_cast %add3A_281 : vector<16xf32> to vector<1x16xf32>
        tpu.vector_store %arg10[%swap3A_282, %swap3A_283], %swap3A_286 {strides = array<i32>} : memref<125x144xf32, #tpu.memory_space<vmem>>, vector<1x16xf32>,
        %get3A_287 = arith.index_cast %add3A_216 : i32 to index
        %get3A_288 = arith.constant 80 : index
        %get3A_289 = tpu.vector_load %arg10[%get3A_287, %get3A_288] {strides = array<i32>} : memref<125x144xf32, #tpu.memory_space<vmem>>, vector<1x16xf32>,
        %get3A_290 = vector.shape_cast %get3A_289 : vector<1x16xf32> to vector<16xf32>
        %get3A_291 = arith.index_cast %add3A_216 : i32 to index
        %get3A_292 = arith.constant 80 : index
        %get3A_293 = tpu.vector_load %arg11[%get3A_291, %get3A_292] {strides = array<i32>} : memref<125x144xf32, #tpu.memory_space<vmem>>, vector<1x16xf32>,
        %get3A_294 = vector.shape_cast %get3A_293 : vector<1x16xf32> to vector<16xf32>
        %add3A_295 = arith.addf %get3A_290, %get3A_294 : vector<16xf32>
        %swap3A_296 = arith.index_cast %add3A_216 : i32 to index
        %swap3A_297 = arith.constant 80 : index
        %swap3A_298 = tpu.vector_load %arg10[%swap3A_296, %swap3A_297] {strides = array<i32>} : memref<125x144xf32, #tpu.memory_space<vmem>>, vector<1x16xf32>,
        %swap3A_299 = vector.shape_cast %swap3A_298 : vector<1x16xf32> to vector<16xf32>
        %swap3A_300 = vector.shape_cast %add3A_295 : vector<16xf32> to vector<1x16xf32>
        tpu.vector_store %arg10[%swap3A_296, %swap3A_297], %swap3A_300 {strides = array<i32>} : memref<125x144xf32, #tpu.memory_space<vmem>>, vector<1x16xf32>,
        %get3A_301 = arith.index_cast %add3A_216 : i32 to index
        %get3A_302 = arith.constant 96 : index
        %get3A_303 = tpu.vector_load %arg10[%get3A_301, %get3A_302] {strides = array<i32>} : memref<125x144xf32, #tpu.memory_space<vmem>>, vector<1x16xf32>,
        %get3A_304 = vector.shape_cast %get3A_303 : vector<1x16xf32> to vector<16xf32>
        %get3A_305 = arith.index_cast %add3A_216 : i32 to index
        %get3A_306 = arith.constant 96 : index
        %get3A_307 = tpu.vector_load %arg11[%get3A_305, %get3A_306] {strides = array<i32>} : memref<125x144xf32, #tpu.memory_space<vmem>>, vector<1x16xf32>,
        %get3A_308 = vector.shape_cast %get3A_307 : vector<1x16xf32> to vector<16xf32>
        %add3A_309 = arith.addf %get3A_304, %get3A_308 : vector<16xf32>
        %swap3A_310 = arith.index_cast %add3A_216 : i32 to index
        %swap3A_311 = arith.constant 96 : index
        %swap3A_312 = tpu.vector_load %arg10[%swap3A_310, %swap3A_311] {strides = array<i32>} : memref<125x144xf32, #tpu.memory_space<vmem>>, vector<1x16xf32>,
        %swap3A_313 = vector.shape_cast %swap3A_312 : vector<1x16xf32> to vector<16xf32>
        %swap3A_314 = vector.shape_cast %add3A_309 : vector<16xf32> to vector<1x16xf32>
        tpu.vector_store %arg10[%swap3A_310, %swap3A_311], %swap3A_314 {strides = array<i32>} : memref<125x144xf32, #tpu.memory_space<vmem>>, vector<1x16xf32>,
        %get3A_315 = arith.index_cast %add3A_216 : i32 to index
        %get3A_316 = arith.constant 112 : index
        %get3A_317 = tpu.vector_load %arg10[%get3A_315, %get3A_316] {strides = array<i32>} : memref<125x144xf32, #tpu.memory_space<vmem>>, vector<1x16xf32>,
        %get3A_318 = vector.shape_cast %get3A_317 : vector<1x16xf32> to vector<16xf32>
        %get3A_319 = arith.index_cast %add3A_216 : i32 to index
        %get3A_320 = arith.constant 112 : index
        %get3A_321 = tpu.vector_load %arg11[%get3A_319, %get3A_320] {strides = array<i32>} : memref<125x144xf32, #tpu.memory_space<vmem>>, vector<1x16xf32>,
        %get3A_322 = vector.shape_cast %get3A_321 : vector<1x16xf32> to vector<16xf32>
        %add3A_323 = arith.addf %get3A_318, %get3A_322 : vector<16xf32>
        %swap3A_324 = arith.index_cast %add3A_216 : i32 to index
        %swap3A_325 = arith.constant 112 : index
        %swap3A_326 = tpu.vector_load %arg10[%swap3A_324, %swap3A_325] {strides = array<i32>} : memref<125x144xf32, #tpu.memory_space<vmem>>, vector<1x16xf32>,
        %swap3A_327 = vector.shape_cast %swap3A_326 : vector<1x16xf32> to vector<16xf32>
        %swap3A_328 = vector.shape_cast %add3A_323 : vector<16xf32> to vector<1x16xf32>
        tpu.vector_store %arg10[%swap3A_324, %swap3A_325], %swap3A_328 {strides = array<i32>} : memref<125x144xf32, #tpu.memory_space<vmem>>, vector<1x16xf32>,
        %get3A_329 = arith.index_cast %add3A_216 : i32 to index
        %get3A_330 = arith.constant 128 : index
        %get3A_331 = tpu.vector_load %arg10[%get3A_329, %get3A_330] {strides = array<i32>} : memref<125x144xf32, #tpu.memory_space<vmem>>, vector<1x16xf32>,
        %get3A_332 = vector.shape_cast %get3A_331 : vector<1x16xf32> to vector<16xf32>
        %get3A_333 = arith.index_cast %add3A_216 : i32 to index
        %get3A_334 = arith.constant 128 : index
        %get3A_335 = tpu.vector_load %arg11[%get3A_333, %get3A_334] {strides = array<i32>} : memref<125x144xf32, #tpu.memory_space<vmem>>, vector<1x16xf32>,
        %get3A_336 = vector.shape_cast %get3A_335 : vector<1x16xf32> to vector<16xf32>
        %add3A_337 = arith.addf %get3A_332, %get3A_336 : vector<16xf32>
        %swap3A_338 = arith.index_cast %add3A_216 : i32 to index
        %swap3A_339 = arith.constant 128 : index
        %swap3A_340 = tpu.vector_load %arg10[%swap3A_338, %swap3A_339] {strides = array<i32>} : memref<125x144xf32, #tpu.memory_space<vmem>>, vector<1x16xf32>,
        %swap3A_341 = vector.shape_cast %swap3A_340 : vector<1x16xf32> to vector<16xf32>
        %swap3A_342 = vector.shape_cast %add3A_337 : vector<16xf32> to vector<1x16xf32>
        tpu.vector_store %arg10[%swap3A_338, %swap3A_339], %swap3A_342 {strides = array<i32>} : memref<125x144xf32, #tpu.memory_space<vmem>>, vector<1x16xf32>,
        %mul3A_343 = arith.constant 5 : i32
        %mul3A_344 = arith.muli %scan3A_84, %mul3A_343 : i32
        %add3A_345 = arith.constant 2 : i32
        %add3A_346 = arith.addi %mul3A_344, %add3A_345 : i32
        %get3A_347 = arith.index_cast %add3A_346 : i32 to index
        %get3A_348 = arith.constant 0 : index
        %get3A_349 = tpu.vector_load %arg10[%get3A_347, %get3A_348] {strides = array<i32>} : memref<125x144xf32, #tpu.memory_space<vmem>>, vector<1x16xf32>,
        %get3A_350 = vector.shape_cast %get3A_349 : vector<1x16xf32> to vector<16xf32>
        %get3A_351 = arith.index_cast %add3A_346 : i32 to index
        %get3A_352 = arith.constant 0 : index
        %get3A_353 = tpu.vector_load %arg11[%get3A_351, %get3A_352] {strides = array<i32>} : memref<125x144xf32, #tpu.memory_space<vmem>>, vector<1x16xf32>,
        %get3A_354 = vector.shape_cast %get3A_353 : vector<1x16xf32> to vector<16xf32>
        %add3A_355 = arith.addf %get3A_350, %get3A_354 : vector<16xf32>
        %swap3A_356 = arith.index_cast %add3A_346 : i32 to index
        %swap3A_357 = arith.constant 0 : index
        %swap3A_358 = tpu.vector_load %arg10[%swap3A_356, %swap3A_357] {strides = array<i32>} : memref<125x144xf32, #tpu.memory_space<vmem>>, vector<1x16xf32>,
        %swap3A_359 = vector.shape_cast %swap3A_358 : vector<1x16xf32> to vector<16xf32>
        %swap3A_360 = vector.shape_cast %add3A_355 : vector<16xf32> to vector<1x16xf32>
        tpu.vector_store %arg10[%swap3A_356, %swap3A_357], %swap3A_360 {strides = array<i32>} : memref<125x144xf32, #tpu.memory_space<vmem>>, vector<1x16xf32>,
        %get3A_361 = arith.index_cast %add3A_346 : i32 to index
        %get3A_362 = arith.constant 16 : index
        %get3A_363 = tpu.vector_load %arg10[%get3A_361, %get3A_362] {strides = array<i32>} : memref<125x144xf32, #tpu.memory_space<vmem>>, vector<1x16xf32>,
        %get3A_364 = vector.shape_cast %get3A_363 : vector<1x16xf32> to vector<16xf32>
        %get3A_365 = arith.index_cast %add3A_346 : i32 to index
        %get3A_366 = arith.constant 16 : index
        %get3A_367 = tpu.vector_load %arg11[%get3A_365, %get3A_366] {strides = array<i32>} : memref<125x144xf32, #tpu.memory_space<vmem>>, vector<1x16xf32>,
        %get3A_368 = vector.shape_cast %get3A_367 : vector<1x16xf32> to vector<16xf32>
        %add3A_369 = arith.addf %get3A_364, %get3A_368 : vector<16xf32>
        %swap3A_370 = arith.index_cast %add3A_346 : i32 to index
        %swap3A_371 = arith.constant 16 : index
        %swap3A_372 = tpu.vector_load %arg10[%swap3A_370, %swap3A_371] {strides = array<i32>} : memref<125x144xf32, #tpu.memory_space<vmem>>, vector<1x16xf32>,
        %swap3A_373 = vector.shape_cast %swap3A_372 : vector<1x16xf32> to vector<16xf32>
        %swap3A_374 = vector.shape_cast %add3A_369 : vector<16xf32> to vector<1x16xf32>
        tpu.vector_store %arg10[%swap3A_370, %swap3A_371], %swap3A_374 {strides = array<i32>} : memref<125x144xf32, #tpu.memory_space<vmem>>, vector<1x16xf32>,
        %get3A_375 = arith.index_cast %add3A_346 : i32 to index
        %get3A_376 = arith.constant 32 : index
        %get3A_377 = tpu.vector_load %arg10[%get3A_375, %get3A_376] {strides = array<i32>} : memref<125x144xf32, #tpu.memory_space<vmem>>, vector<1x16xf32>,
        %get3A_378 = vector.shape_cast %get3A_377 : vector<1x16xf32> to vector<16xf32>
        %get3A_379 = arith.index_cast %add3A_346 : i32 to index
        %get3A_380 = arith.constant 32 : index
        %get3A_381 = tpu.vector_load %arg11[%get3A_379, %get3A_380] {strides = array<i32>} : memref<125x144xf32, #tpu.memory_space<vmem>>, vector<1x16xf32>,
        %get3A_382 = vector.shape_cast %get3A_381 : vector<1x16xf32> to vector<16xf32>
        %add3A_383 = arith.addf %get3A_378, %get3A_382 : vector<16xf32>
        %swap3A_384 = arith.index_cast %add3A_346 : i32 to index
        %swap3A_385 = arith.constant 32 : index
        %swap3A_386 = tpu.vector_load %arg10[%swap3A_384, %swap3A_385] {strides = array<i32>} : memref<125x144xf32, #tpu.memory_space<vmem>>, vector<1x16xf32>,
        %swap3A_387 = vector.shape_cast %swap3A_386 : vector<1x16xf32> to vector<16xf32>
        %swap3A_388 = vector.shape_cast %add3A_383 : vector<16xf32> to vector<1x16xf32>
        tpu.vector_store %arg10[%swap3A_384, %swap3A_385], %swap3A_388 {strides = array<i32>} : memref<125x144xf32, #tpu.memory_space<vmem>>, vector<1x16xf32>,
        %get3A_389 = arith.index_cast %add3A_346 : i32 to index
        %get3A_390 = arith.constant 48 : index
        %get3A_391 = tpu.vector_load %arg10[%get3A_389, %get3A_390] {strides = array<i32>} : memref<125x144xf32, #tpu.memory_space<vmem>>, vector<1x16xf32>,
        %get3A_392 = vector.shape_cast %get3A_391 : vector<1x16xf32> to vector<16xf32>
        %get3A_393 = arith.index_cast %add3A_346 : i32 to index
        %get3A_394 = arith.constant 48 : index
        %get3A_395 = tpu.vector_load %arg11[%get3A_393, %get3A_394] {strides = array<i32>} : memref<125x144xf32, #tpu.memory_space<vmem>>, vector<1x16xf32>,
        %get3A_396 = vector.shape_cast %get3A_395 : vector<1x16xf32> to vector<16xf32>
        %add3A_397 = arith.addf %get3A_392, %get3A_396 : vector<16xf32>
        %swap3A_398 = arith.index_cast %add3A_346 : i32 to index
        %swap3A_399 = arith.constant 48 : index
        %swap3A_400 = tpu.vector_load %arg10[%swap3A_398, %swap3A_399] {strides = array<i32>} : memref<125x144xf32, #tpu.memory_space<vmem>>, vector<1x16xf32>,
        %swap3A_401 = vector.shape_cast %swap3A_400 : vector<1x16xf32> to vector<16xf32>
        %swap3A_402 = vector.shape_cast %add3A_397 : vector<16xf32> to vector<1x16xf32>
        tpu.vector_store %arg10[%swap3A_398, %swap3A_399], %swap3A_402 {strides = array<i32>} : memref<125x144xf32, #tpu.memory_space<vmem>>, vector<1x16xf32>,
        %get3A_403 = arith.index_cast %add3A_346 : i32 to index
        %get3A_404 = arith.constant 64 : index
        %get3A_405 = tpu.vector_load %arg10[%get3A_403, %get3A_404] {strides = array<i32>} : memref<125x144xf32, #tpu.memory_space<vmem>>, vector<1x16xf32>,
        %get3A_406 = vector.shape_cast %get3A_405 : vector<1x16xf32> to vector<16xf32>
        %get3A_407 = arith.index_cast %add3A_346 : i32 to index
        %get3A_408 = arith.constant 64 : index
        %get3A_409 = tpu.vector_load %arg11[%get3A_407, %get3A_408] {strides = array<i32>} : memref<125x144xf32, #tpu.memory_space<vmem>>, vector<1x16xf32>,
        %get3A_410 = vector.shape_cast %get3A_409 : vector<1x16xf32> to vector<16xf32>
        %add3A_411 = arith.addf %get3A_406, %get3A_410 : vector<16xf32>
        %swap3A_412 = arith.index_cast %add3A_346 : i32 to index
        %swap3A_413 = arith.constant 64 : index
        %swap3A_414 = tpu.vector_load %arg10[%swap3A_412, %swap3A_413] {strides = array<i32>} : memref<125x144xf32, #tpu.memory_space<vmem>>, vector<1x16xf32>,
        %swap3A_415 = vector.shape_cast %swap3A_414 : vector<1x16xf32> to vector<16xf32>
        %swap3A_416 = vector.shape_cast %add3A_411 : vector<16xf32> to vector<1x16xf32>
        tpu.vector_store %arg10[%swap3A_412, %swap3A_413], %swap3A_416 {strides = array<i32>} : memref<125x144xf32, #tpu.memory_space<vmem>>, vector<1x16xf32>,
        %get3A_417 = arith.index_cast %add3A_346 : i32 to index
        %get3A_418 = arith.constant 80 : index
        %get3A_419 = tpu.vector_load %arg10[%get3A_417, %get3A_418] {strides = array<i32>} : memref<125x144xf32, #tpu.memory_space<vmem>>, vector<1x16xf32>,
        %get3A_420 = vector.shape_cast %get3A_419 : vector<1x16xf32> to vector<16xf32>
        %get3A_421 = arith.index_cast %add3A_346 : i32 to index
        %get3A_422 = arith.constant 80 : index
        %get3A_423 = tpu.vector_load %arg11[%get3A_421, %get3A_422] {strides = array<i32>} : memref<125x144xf32, #tpu.memory_space<vmem>>, vector<1x16xf32>,
        %get3A_424 = vector.shape_cast %get3A_423 : vector<1x16xf32> to vector<16xf32>
        %add3A_425 = arith.addf %get3A_420, %get3A_424 : vector<16xf32>
        %swap3A_426 = arith.index_cast %add3A_346 : i32 to index
        %swap3A_427 = arith.constant 80 : index
        %swap3A_428 = tpu.vector_load %arg10[%swap3A_426, %swap3A_427] {strides = array<i32>} : memref<125x144xf32, #tpu.memory_space<vmem>>, vector<1x16xf32>,
        %swap3A_429 = vector.shape_cast %swap3A_428 : vector<1x16xf32> to vector<16xf32>
        %swap3A_430 = vector.shape_cast %add3A_425 : vector<16xf32> to vector<1x16xf32>
        tpu.vector_store %arg10[%swap3A_426, %swap3A_427], %swap3A_430 {strides = array<i32>} : memref<125x144xf32, #tpu.memory_space<vmem>>, vector<1x16xf32>,
        %get3A_431 = arith.index_cast %add3A_346 : i32 to index
        %get3A_432 = arith.constant 96 : index
        %get3A_433 = tpu.vector_load %arg10[%get3A_431, %get3A_432] {strides = array<i32>} : memref<125x144xf32, #tpu.memory_space<vmem>>, vector<1x16xf32>,
        %get3A_434 = vector.shape_cast %get3A_433 : vector<1x16xf32> to vector<16xf32>
        %get3A_435 = arith.index_cast %add3A_346 : i32 to index
        %get3A_436 = arith.constant 96 : index
        %get3A_437 = tpu.vector_load %arg11[%get3A_435, %get3A_436] {strides = array<i32>} : memref<125x144xf32, #tpu.memory_space<vmem>>, vector<1x16xf32>,
        %get3A_438 = vector.shape_cast %get3A_437 : vector<1x16xf32> to vector<16xf32>
        %add3A_439 = arith.addf %get3A_434, %get3A_438 : vector<16xf32>
        %swap3A_440 = arith.index_cast %add3A_346 : i32 to index
        %swap3A_441 = arith.constant 96 : index
        %swap3A_442 = tpu.vector_load %arg10[%swap3A_440, %swap3A_441] {strides = array<i32>} : memref<125x144xf32, #tpu.memory_space<vmem>>, vector<1x16xf32>,
        %swap3A_443 = vector.shape_cast %swap3A_442 : vector<1x16xf32> to vector<16xf32>
        %swap3A_444 = vector.shape_cast %add3A_439 : vector<16xf32> to vector<1x16xf32>
        tpu.vector_store %arg10[%swap3A_440, %swap3A_441], %swap3A_444 {strides = array<i32>} : memref<125x144xf32, #tpu.memory_space<vmem>>, vector<1x16xf32>,
        %get3A_445 = arith.index_cast %add3A_346 : i32 to index
        %get3A_446 = arith.constant 112 : index
        %get3A_447 = tpu.vector_load %arg10[%get3A_445, %get3A_446] {strides = array<i32>} : memref<125x144xf32, #tpu.memory_space<vmem>>, vector<1x16xf32>,
        %get3A_448 = vector.shape_cast %get3A_447 : vector<1x16xf32> to vector<16xf32>
        %get3A_449 = arith.index_cast %add3A_346 : i32 to index
        %get3A_450 = arith.constant 112 : index
        %get3A_451 = tpu.vector_load %arg11[%get3A_449, %get3A_450] {strides = array<i32>} : memref<125x144xf32, #tpu.memory_space<vmem>>, vector<1x16xf32>,
        %get3A_452 = vector.shape_cast %get3A_451 : vector<1x16xf32> to vector<16xf32>
        %add3A_453 = arith.addf %get3A_448, %get3A_452 : vector<16xf32>
        %swap3A_454 = arith.index_cast %add3A_346 : i32 to index
        %swap3A_455 = arith.constant 112 : index
        %swap3A_456 = tpu.vector_load %arg10[%swap3A_454, %swap3A_455] {strides = array<i32>} : memref<125x144xf32, #tpu.memory_space<vmem>>, vector<1x16xf32>,
        %swap3A_457 = vector.shape_cast %swap3A_456 : vector<1x16xf32> to vector<16xf32>
        %swap3A_458 = vector.shape_cast %add3A_453 : vector<16xf32> to vector<1x16xf32>
        tpu.vector_store %arg10[%swap3A_454, %swap3A_455], %swap3A_458 {strides = array<i32>} : memref<125x144xf32, #tpu.memory_space<vmem>>, vector<1x16xf32>,
        %get3A_459 = arith.index_cast %add3A_346 : i32 to index
        %get3A_460 = arith.constant 128 : index
        %get3A_461 = tpu.vector_load %arg10[%get3A_459, %get3A_460] {strides = array<i32>} : memref<125x144xf32, #tpu.memory_space<vmem>>, vector<1x16xf32>,
        %get3A_462 = vector.shape_cast %get3A_461 : vector<1x16xf32> to vector<16xf32>
        %get3A_463 = arith.index_cast %add3A_346 : i32 to index
        %get3A_464 = arith.constant 128 : index
        %get3A_465 = tpu.vector_load %arg11[%get3A_463, %get3A_464] {strides = array<i32>} : memref<125x144xf32, #tpu.memory_space<vmem>>, vector<1x16xf32>,
        %get3A_466 = vector.shape_cast %get3A_465 : vector<1x16xf32> to vector<16xf32>
        %add3A_467 = arith.addf %get3A_462, %get3A_466 : vector<16xf32>
        %swap3A_468 = arith.index_cast %add3A_346 : i32 to index
        %swap3A_469 = arith.constant 128 : index
        %swap3A_470 = tpu.vector_load %arg10[%swap3A_468, %swap3A_469] {strides = array<i32>} : memref<125x144xf32, #tpu.memory_space<vmem>>, vector<1x16xf32>,
        %swap3A_471 = vector.shape_cast %swap3A_470 : vector<1x16xf32> to vector<16xf32>
        %swap3A_472 = vector.shape_cast %add3A_467 : vector<16xf32> to vector<1x16xf32>
        tpu.vector_store %arg10[%swap3A_468, %swap3A_469], %swap3A_472 {strides = array<i32>} : memref<125x144xf32, #tpu.memory_space<vmem>>, vector<1x16xf32>,
        %mul3A_473 = arith.constant 5 : i32
        %mul3A_474 = arith.muli %scan3A_84, %mul3A_473 : i32
        %add3A_475 = arith.constant 3 : i32
        %add3A_476 = arith.addi %mul3A_474, %add3A_475 : i32
        %get3A_477 = arith.index_cast %add3A_476 : i32 to index
        %get3A_478 = arith.constant 0 : index
        %get3A_479 = tpu.vector_load %arg10[%get3A_477, %get3A_478] {strides = array<i32>} : memref<125x144xf32, #tpu.memory_space<vmem>>, vector<1x16xf32>,
        %get3A_480 = vector.shape_cast %get3A_479 : vector<1x16xf32> to vector<16xf32>
        %get3A_481 = arith.index_cast %add3A_476 : i32 to index
        %get3A_482 = arith.constant 0 : index
        %get3A_483 = tpu.vector_load %arg11[%get3A_481, %get3A_482] {strides = array<i32>} : memref<125x144xf32, #tpu.memory_space<vmem>>, vector<1x16xf32>,
        %get3A_484 = vector.shape_cast %get3A_483 : vector<1x16xf32> to vector<16xf32>
        %add3A_485 = arith.addf %get3A_480, %get3A_484 : vector<16xf32>
        %swap3A_486 = arith.index_cast %add3A_476 : i32 to index
        %swap3A_487 = arith.constant 0 : index
        %swap3A_488 = tpu.vector_load %arg10[%swap3A_486, %swap3A_487] {strides = array<i32>} : memref<125x144xf32, #tpu.memory_space<vmem>>, vector<1x16xf32>,
        %swap3A_489 = vector.shape_cast %swap3A_488 : vector<1x16xf32> to vector<16xf32>
        %swap3A_490 = vector.shape_cast %add3A_485 : vector<16xf32> to vector<1x16xf32>
        tpu.vector_store %arg10[%swap3A_486, %swap3A_487], %swap3A_490 {strides = array<i32>} : memref<125x144xf32, #tpu.memory_space<vmem>>, vector<1x16xf32>,
        %get3A_491 = arith.index_cast %add3A_476 : i32 to index
        %get3A_492 = arith.constant 16 : index
        %get3A_493 = tpu.vector_load %arg10[%get3A_491, %get3A_492] {strides = array<i32>} : memref<125x144xf32, #tpu.memory_space<vmem>>, vector<1x16xf32>,
        %get3A_494 = vector.shape_cast %get3A_493 : vector<1x16xf32> to vector<16xf32>
        %get3A_495 = arith.index_cast %add3A_476 : i32 to index
        %get3A_496 = arith.constant 16 : index
        %get3A_497 = tpu.vector_load %arg11[%get3A_495, %get3A_496] {strides = array<i32>} : memref<125x144xf32, #tpu.memory_space<vmem>>, vector<1x16xf32>,
        %get3A_498 = vector.shape_cast %get3A_497 : vector<1x16xf32> to vector<16xf32>
        %add3A_499 = arith.addf %get3A_494, %get3A_498 : vector<16xf32>
        %swap3A_500 = arith.index_cast %add3A_476 : i32 to index
        %swap3A_501 = arith.constant 16 : index
        %swap3A_502 = tpu.vector_load %arg10[%swap3A_500, %swap3A_501] {strides = array<i32>} : memref<125x144xf32, #tpu.memory_space<vmem>>, vector<1x16xf32>,
        %swap3A_503 = vector.shape_cast %swap3A_502 : vector<1x16xf32> to vector<16xf32>
        %swap3A_504 = vector.shape_cast %add3A_499 : vector<16xf32> to vector<1x16xf32>
        tpu.vector_store %arg10[%swap3A_500, %swap3A_501], %swap3A_504 {strides = array<i32>} : memref<125x144xf32, #tpu.memory_space<vmem>>, vector<1x16xf32>,
        %get3A_505 = arith.index_cast %add3A_476 : i32 to index
        %get3A_506 = arith.constant 32 : index
        %get3A_507 = tpu.vector_load %arg10[%get3A_505, %get3A_506] {strides = array<i32>} : memref<125x144xf32, #tpu.memory_space<vmem>>, vector<1x16xf32>,
        %get3A_508 = vector.shape_cast %get3A_507 : vector<1x16xf32> to vector<16xf32>
        %get3A_509 = arith.index_cast %add3A_476 : i32 to index
        %get3A_510 = arith.constant 32 : index
        %get3A_511 = tpu.vector_load %arg11[%get3A_509, %get3A_510] {strides = array<i32>} : memref<125x144xf32, #tpu.memory_space<vmem>>, vector<1x16xf32>,
        %get3A_512 = vector.shape_cast %get3A_511 : vector<1x16xf32> to vector<16xf32>
        %add3A_513 = arith.addf %get3A_508, %get3A_512 : vector<16xf32>
        %swap3A_514 = arith.index_cast %add3A_476 : i32 to index
        %swap3A_515 = arith.constant 32 : index
        %swap3A_516 = tpu.vector_load %arg10[%swap3A_514, %swap3A_515] {strides = array<i32>} : memref<125x144xf32, #tpu.memory_space<vmem>>, vector<1x16xf32>,
        %swap3A_517 = vector.shape_cast %swap3A_516 : vector<1x16xf32> to vector<16xf32>
        %swap3A_518 = vector.shape_cast %add3A_513 : vector<16xf32> to vector<1x16xf32>
        tpu.vector_store %arg10[%swap3A_514, %swap3A_515], %swap3A_518 {strides = array<i32>} : memref<125x144xf32, #tpu.memory_space<vmem>>, vector<1x16xf32>,
        %get3A_519 = arith.index_cast %add3A_476 : i32 to index
        %get3A_520 = arith.constant 48 : index
        %get3A_521 = tpu.vector_load %arg10[%get3A_519, %get3A_520] {strides = array<i32>} : memref<125x144xf32, #tpu.memory_space<vmem>>, vector<1x16xf32>,
        %get3A_522 = vector.shape_cast %get3A_521 : vector<1x16xf32> to vector<16xf32>
        %get3A_523 = arith.index_cast %add3A_476 : i32 to index
        %get3A_524 = arith.constant 48 : index
        %get3A_525 = tpu.vector_load %arg11[%get3A_523, %get3A_524] {strides = array<i32>} : memref<125x144xf32, #tpu.memory_space<vmem>>, vector<1x16xf32>,
        %get3A_526 = vector.shape_cast %get3A_525 : vector<1x16xf32> to vector<16xf32>
        %add3A_527 = arith.addf %get3A_522, %get3A_526 : vector<16xf32>
        %swap3A_528 = arith.index_cast %add3A_476 : i32 to index
        %swap3A_529 = arith.constant 48 : index
        %swap3A_530 = tpu.vector_load %arg10[%swap3A_528, %swap3A_529] {strides = array<i32>} : memref<125x144xf32, #tpu.memory_space<vmem>>, vector<1x16xf32>,
        %swap3A_531 = vector.shape_cast %swap3A_530 : vector<1x16xf32> to vector<16xf32>
        %swap3A_532 = vector.shape_cast %add3A_527 : vector<16xf32> to vector<1x16xf32>
        tpu.vector_store %arg10[%swap3A_528, %swap3A_529], %swap3A_532 {strides = array<i32>} : memref<125x144xf32, #tpu.memory_space<vmem>>, vector<1x16xf32>,
        %get3A_533 = arith.index_cast %add3A_476 : i32 to index
        %get3A_534 = arith.constant 64 : index
        %get3A_535 = tpu.vector_load %arg10[%get3A_533, %get3A_534] {strides = array<i32>} : memref<125x144xf32, #tpu.memory_space<vmem>>, vector<1x16xf32>,
        %get3A_536 = vector.shape_cast %get3A_535 : vector<1x16xf32> to vector<16xf32>
        %get3A_537 = arith.index_cast %add3A_476 : i32 to index
        %get3A_538 = arith.constant 64 : index
        %get3A_539 = tpu.vector_load %arg11[%get3A_537, %get3A_538] {strides = array<i32>} : memref<125x144xf32, #tpu.memory_space<vmem>>, vector<1x16xf32>,
        %get3A_540 = vector.shape_cast %get3A_539 : vector<1x16xf32> to vector<16xf32>
        %add3A_541 = arith.addf %get3A_536, %get3A_540 : vector<16xf32>
        %swap3A_542 = arith.index_cast %add3A_476 : i32 to index
        %swap3A_543 = arith.constant 64 : index
        %swap3A_544 = tpu.vector_load %arg10[%swap3A_542, %swap3A_543] {strides = array<i32>} : memref<125x144xf32, #tpu.memory_space<vmem>>, vector<1x16xf32>,
        %swap3A_545 = vector.shape_cast %swap3A_544 : vector<1x16xf32> to vector<16xf32>
        %swap3A_546 = vector.shape_cast %add3A_541 : vector<16xf32> to vector<1x16xf32>
        tpu.vector_store %arg10[%swap3A_542, %swap3A_543], %swap3A_546 {strides = array<i32>} : memref<125x144xf32, #tpu.memory_space<vmem>>, vector<1x16xf32>,
        %get3A_547 = arith.index_cast %add3A_476 : i32 to index
        %get3A_548 = arith.constant 80 : index
        %get3A_549 = tpu.vector_load %arg10[%get3A_547, %get3A_548] {strides = array<i32>} : memref<125x144xf32, #tpu.memory_space<vmem>>, vector<1x16xf32>,
        %get3A_550 = vector.shape_cast %get3A_549 : vector<1x16xf32> to vector<16xf32>
        %get3A_551 = arith.index_cast %add3A_476 : i32 to index
        %get3A_552 = arith.constant 80 : index
        %get3A_553 = tpu.vector_load %arg11[%get3A_551, %get3A_552] {strides = array<i32>} : memref<125x144xf32, #tpu.memory_space<vmem>>, vector<1x16xf32>,
        %get3A_554 = vector.shape_cast %get3A_553 : vector<1x16xf32> to vector<16xf32>
        %add3A_555 = arith.addf %get3A_550, %get3A_554 : vector<16xf32>
        %swap3A_556 = arith.index_cast %add3A_476 : i32 to index
        %swap3A_557 = arith.constant 80 : index
        %swap3A_558 = tpu.vector_load %arg10[%swap3A_556, %swap3A_557] {strides = array<i32>} : memref<125x144xf32, #tpu.memory_space<vmem>>, vector<1x16xf32>,
        %swap3A_559 = vector.shape_cast %swap3A_558 : vector<1x16xf32> to vector<16xf32>
        %swap3A_560 = vector.shape_cast %add3A_555 : vector<16xf32> to vector<1x16xf32>
        tpu.vector_store %arg10[%swap3A_556, %swap3A_557], %swap3A_560 {strides = array<i32>} : memref<125x144xf32, #tpu.memory_space<vmem>>, vector<1x16xf32>,
        %get3A_561 = arith.index_cast %add3A_476 : i32 to index
        %get3A_562 = arith.constant 96 : index
        %get3A_563 = tpu.vector_load %arg10[%get3A_561, %get3A_562] {strides = array<i32>} : memref<125x144xf32, #tpu.memory_space<vmem>>, vector<1x16xf32>,
        %get3A_564 = vector.shape_cast %get3A_563 : vector<1x16xf32> to vector<16xf32>
        %get3A_565 = arith.index_cast %add3A_476 : i32 to index
        %get3A_566 = arith.constant 96 : index
        %get3A_567 = tpu.vector_load %arg11[%get3A_565, %get3A_566] {strides = array<i32>} : memref<125x144xf32, #tpu.memory_space<vmem>>, vector<1x16xf32>,
        %get3A_568 = vector.shape_cast %get3A_567 : vector<1x16xf32> to vector<16xf32>
        %add3A_569 = arith.addf %get3A_564, %get3A_568 : vector<16xf32>
        %swap3A_570 = arith.index_cast %add3A_476 : i32 to index
        %swap3A_571 = arith.constant 96 : index
        %swap3A_572 = tpu.vector_load %arg10[%swap3A_570, %swap3A_571] {strides = array<i32>} : memref<125x144xf32, #tpu.memory_space<vmem>>, vector<1x16xf32>,
        %swap3A_573 = vector.shape_cast %swap3A_572 : vector<1x16xf32> to vector<16xf32>
        %swap3A_574 = vector.shape_cast %add3A_569 : vector<16xf32> to vector<1x16xf32>
        tpu.vector_store %arg10[%swap3A_570, %swap3A_571], %swap3A_574 {strides = array<i32>} : memref<125x144xf32, #tpu.memory_space<vmem>>, vector<1x16xf32>,
        %get3A_575 = arith.index_cast %add3A_476 : i32 to index
        %get3A_576 = arith.constant 112 : index
        %get3A_577 = tpu.vector_load %arg10[%get3A_575, %get3A_576] {strides = array<i32>} : memref<125x144xf32, #tpu.memory_space<vmem>>, vector<1x16xf32>,
        %get3A_578 = vector.shape_cast %get3A_577 : vector<1x16xf32> to vector<16xf32>
        %get3A_579 = arith.index_cast %add3A_476 : i32 to index
        %get3A_580 = arith.constant 112 : index
        %get3A_581 = tpu.vector_load %arg11[%get3A_579, %get3A_580] {strides = array<i32>} : memref<125x144xf32, #tpu.memory_space<vmem>>, vector<1x16xf32>,
        %get3A_582 = vector.shape_cast %get3A_581 : vector<1x16xf32> to vector<16xf32>
        %add3A_583 = arith.addf %get3A_578, %get3A_582 : vector<16xf32>
        %swap3A_584 = arith.index_cast %add3A_476 : i32 to index
        %swap3A_585 = arith.constant 112 : index
        %swap3A_586 = tpu.vector_load %arg10[%swap3A_584, %swap3A_585] {strides = array<i32>} : memref<125x144xf32, #tpu.memory_space<vmem>>, vector<1x16xf32>,
        %swap3A_587 = vector.shape_cast %swap3A_586 : vector<1x16xf32> to vector<16xf32>
        %swap3A_588 = vector.shape_cast %add3A_583 : vector<16xf32> to vector<1x16xf32>
        tpu.vector_store %arg10[%swap3A_584, %swap3A_585], %swap3A_588 {strides = array<i32>} : memref<125x144xf32, #tpu.memory_space<vmem>>, vector<1x16xf32>,
        %get3A_589 = arith.index_cast %add3A_476 : i32 to index
        %get3A_590 = arith.constant 128 : index
        %get3A_591 = tpu.vector_load %arg10[%get3A_589, %get3A_590] {strides = array<i32>} : memref<125x144xf32, #tpu.memory_space<vmem>>, vector<1x16xf32>,
        %get3A_592 = vector.shape_cast %get3A_591 : vector<1x16xf32> to vector<16xf32>
        %get3A_593 = arith.index_cast %add3A_476 : i32 to index
        %get3A_594 = arith.constant 128 : index
        %get3A_595 = tpu.vector_load %arg11[%get3A_593, %get3A_594] {strides = array<i32>} : memref<125x144xf32, #tpu.memory_space<vmem>>, vector<1x16xf32>,
        %get3A_596 = vector.shape_cast %get3A_595 : vector<1x16xf32> to vector<16xf32>
        %add3A_597 = arith.addf %get3A_592, %get3A_596 : vector<16xf32>
        %swap3A_598 = arith.index_cast %add3A_476 : i32 to index
        %swap3A_599 = arith.constant 128 : index
        %swap3A_600 = tpu.vector_load %arg10[%swap3A_598, %swap3A_599] {strides = array<i32>} : memref<125x144xf32, #tpu.memory_space<vmem>>, vector<1x16xf32>,
        %swap3A_601 = vector.shape_cast %swap3A_600 : vector<1x16xf32> to vector<16xf32>
        %swap3A_602 = vector.shape_cast %add3A_597 : vector<16xf32> to vector<1x16xf32>
        tpu.vector_store %arg10[%swap3A_598, %swap3A_599], %swap3A_602 {strides = array<i32>} : memref<125x144xf32, #tpu.memory_space<vmem>>, vector<1x16xf32>,
        %mul3A_603 = arith.constant 5 : i32
        %mul3A_604 = arith.muli %scan3A_84, %mul3A_603 : i32
        %add3A_605 = arith.constant 4 : i32
        %add3A_606 = arith.addi %mul3A_604, %add3A_605 : i32
        %get3A_607 = arith.index_cast %add3A_606 : i32 to index
        %get3A_608 = arith.constant 0 : index
        %get3A_609 = tpu.vector_load %arg10[%get3A_607, %get3A_608] {strides = array<i32>} : memref<125x144xf32, #tpu.memory_space<vmem>>, vector<1x16xf32>,
        %get3A_610 = vector.shape_cast %get3A_609 : vector<1x16xf32> to vector<16xf32>
        %get3A_611 = arith.index_cast %add3A_606 : i32 to index
        %get3A_612 = arith.constant 0 : index
        %get3A_613 = tpu.vector_load %arg11[%get3A_611, %get3A_612] {strides = array<i32>} : memref<125x144xf32, #tpu.memory_space<vmem>>, vector<1x16xf32>,
        %get3A_614 = vector.shape_cast %get3A_613 : vector<1x16xf32> to vector<16xf32>
        %add3A_615 = arith.addf %get3A_610, %get3A_614 : vector<16xf32>
        %swap3A_616 = arith.index_cast %add3A_606 : i32 to index
        %swap3A_617 = arith.constant 0 : index
        %swap3A_618 = tpu.vector_load %arg10[%swap3A_616, %swap3A_617] {strides = array<i32>} : memref<125x144xf32, #tpu.memory_space<vmem>>, vector<1x16xf32>,
        %swap3A_619 = vector.shape_cast %swap3A_618 : vector<1x16xf32> to vector<16xf32>
        %swap3A_620 = vector.shape_cast %add3A_615 : vector<16xf32> to vector<1x16xf32>
        tpu.vector_store %arg10[%swap3A_616, %swap3A_617], %swap3A_620 {strides = array<i32>} : memref<125x144xf32, #tpu.memory_space<vmem>>, vector<1x16xf32>,
        %get3A_621 = arith.index_cast %add3A_606 : i32 to index
        %get3A_622 = arith.constant 16 : index
        %get3A_623 = tpu.vector_load %arg10[%get3A_621, %get3A_622] {strides = array<i32>} : memref<125x144xf32, #tpu.memory_space<vmem>>, vector<1x16xf32>,
        %get3A_624 = vector.shape_cast %get3A_623 : vector<1x16xf32> to vector<16xf32>
        %get3A_625 = arith.index_cast %add3A_606 : i32 to index
        %get3A_626 = arith.constant 16 : index
        %get3A_627 = tpu.vector_load %arg11[%get3A_625, %get3A_626] {strides = array<i32>} : memref<125x144xf32, #tpu.memory_space<vmem>>, vector<1x16xf32>,
        %get3A_628 = vector.shape_cast %get3A_627 : vector<1x16xf32> to vector<16xf32>
        %add3A_629 = arith.addf %get3A_624, %get3A_628 : vector<16xf32>
        %swap3A_630 = arith.index_cast %add3A_606 : i32 to index
        %swap3A_631 = arith.constant 16 : index
        %swap3A_632 = tpu.vector_load %arg10[%swap3A_630, %swap3A_631] {strides = array<i32>} : memref<125x144xf32, #tpu.memory_space<vmem>>, vector<1x16xf32>,
        %swap3A_633 = vector.shape_cast %swap3A_632 : vector<1x16xf32> to vector<16xf32>
        %swap3A_634 = vector.shape_cast %add3A_629 : vector<16xf32> to vector<1x16xf32>
        tpu.vector_store %arg10[%swap3A_630, %swap3A_631], %swap3A_634 {strides = array<i32>} : memref<125x144xf32, #tpu.memory_space<vmem>>, vector<1x16xf32>,
        %get3A_635 = arith.index_cast %add3A_606 : i32 to index
        %get3A_636 = arith.constant 32 : index
        %get3A_637 = tpu.vector_load %arg10[%get3A_635, %get3A_636] {strides = array<i32>} : memref<125x144xf32, #tpu.memory_space<vmem>>, vector<1x16xf32>,
        %get3A_638 = vector.shape_cast %get3A_637 : vector<1x16xf32> to vector<16xf32>
        %get3A_639 = arith.index_cast %add3A_606 : i32 to index
        %get3A_640 = arith.constant 32 : index
        %get3A_641 = tpu.vector_load %arg11[%get3A_639, %get3A_640] {strides = array<i32>} : memref<125x144xf32, #tpu.memory_space<vmem>>, vector<1x16xf32>,
        %get3A_642 = vector.shape_cast %get3A_641 : vector<1x16xf32> to vector<16xf32>
        %add3A_643 = arith.addf %get3A_638, %get3A_642 : vector<16xf32>
        %swap3A_644 = arith.index_cast %add3A_606 : i32 to index
        %swap3A_645 = arith.constant 32 : index
        %swap3A_646 = tpu.vector_load %arg10[%swap3A_644, %swap3A_645] {strides = array<i32>} : memref<125x144xf32, #tpu.memory_space<vmem>>, vector<1x16xf32>,
        %swap3A_647 = vector.shape_cast %swap3A_646 : vector<1x16xf32> to vector<16xf32>
        %swap3A_648 = vector.shape_cast %add3A_643 : vector<16xf32> to vector<1x16xf32>
        tpu.vector_store %arg10[%swap3A_644, %swap3A_645], %swap3A_648 {strides = array<i32>} : memref<125x144xf32, #tpu.memory_space<vmem>>, vector<1x16xf32>,
        %get3A_649 = arith.index_cast %add3A_606 : i32 to index
        %get3A_650 = arith.constant 48 : index
        %get3A_651 = tpu.vector_load %arg10[%get3A_649, %get3A_650] {strides = array<i32>} : memref<125x144xf32, #tpu.memory_space<vmem>>, vector<1x16xf32>,
        %get3A_652 = vector.shape_cast %get3A_651 : vector<1x16xf32> to vector<16xf32>
        %get3A_653 = arith.index_cast %add3A_606 : i32 to index
        %get3A_654 = arith.constant 48 : index
        %get3A_655 = tpu.vector_load %arg11[%get3A_653, %get3A_654] {strides = array<i32>} : memref<125x144xf32, #tpu.memory_space<vmem>>, vector<1x16xf32>,
        %get3A_656 = vector.shape_cast %get3A_655 : vector<1x16xf32> to vector<16xf32>
        %add3A_657 = arith.addf %get3A_652, %get3A_656 : vector<16xf32>
        %swap3A_658 = arith.index_cast %add3A_606 : i32 to index
        %swap3A_659 = arith.constant 48 : index
        %swap3A_660 = tpu.vector_load %arg10[%swap3A_658, %swap3A_659] {strides = array<i32>} : memref<125x144xf32, #tpu.memory_space<vmem>>, vector<1x16xf32>,
        %swap3A_661 = vector.shape_cast %swap3A_660 : vector<1x16xf32> to vector<16xf32>
        %swap3A_662 = vector.shape_cast %add3A_657 : vector<16xf32> to vector<1x16xf32>
        tpu.vector_store %arg10[%swap3A_658, %swap3A_659], %swap3A_662 {strides = array<i32>} : memref<125x144xf32, #tpu.memory_space<vmem>>, vector<1x16xf32>,
        %get3A_663 = arith.index_cast %add3A_606 : i32 to index
        %get3A_664 = arith.constant 64 : index
        %get3A_665 = tpu.vector_load %arg10[%get3A_663, %get3A_664] {strides = array<i32>} : memref<125x144xf32, #tpu.memory_space<vmem>>, vector<1x16xf32>,
        %get3A_666 = vector.shape_cast %get3A_665 : vector<1x16xf32> to vector<16xf32>
        %get3A_667 = arith.index_cast %add3A_606 : i32 to index
        %get3A_668 = arith.constant 64 : index
        %get3A_669 = tpu.vector_load %arg11[%get3A_667, %get3A_668] {strides = array<i32>} : memref<125x144xf32, #tpu.memory_space<vmem>>, vector<1x16xf32>,
        %get3A_670 = vector.shape_cast %get3A_669 : vector<1x16xf32> to vector<16xf32>
        %add3A_671 = arith.addf %get3A_666, %get3A_670 : vector<16xf32>
        %swap3A_672 = arith.index_cast %add3A_606 : i32 to index
        %swap3A_673 = arith.constant 64 : index
        %swap3A_674 = tpu.vector_load %arg10[%swap3A_672, %swap3A_673] {strides = array<i32>} : memref<125x144xf32, #tpu.memory_space<vmem>>, vector<1x16xf32>,
        %swap3A_675 = vector.shape_cast %swap3A_674 : vector<1x16xf32> to vector<16xf32>
        %swap3A_676 = vector.shape_cast %add3A_671 : vector<16xf32> to vector<1x16xf32>
        tpu.vector_store %arg10[%swap3A_672, %swap3A_673], %swap3A_676 {strides = array<i32>} : memref<125x144xf32, #tpu.memory_space<vmem>>, vector<1x16xf32>,
        %get3A_677 = arith.index_cast %add3A_606 : i32 to index
        %get3A_678 = arith.constant 80 : index
        %get3A_679 = tpu.vector_load %arg10[%get3A_677, %get3A_678] {strides = array<i32>} : memref<125x144xf32, #tpu.memory_space<vmem>>, vector<1x16xf32>,
        %get3A_680 = vector.shape_cast %get3A_679 : vector<1x16xf32> to vector<16xf32>
        %get3A_681 = arith.index_cast %add3A_606 : i32 to index
        %get3A_682 = arith.constant 80 : index
        %get3A_683 = tpu.vector_load %arg11[%get3A_681, %get3A_682] {strides = array<i32>} : memref<125x144xf32, #tpu.memory_space<vmem>>, vector<1x16xf32>,
        %get3A_684 = vector.shape_cast %get3A_683 : vector<1x16xf32> to vector<16xf32>
        %add3A_685 = arith.addf %get3A_680, %get3A_684 : vector<16xf32>
        %swap3A_686 = arith.index_cast %add3A_606 : i32 to index
        %swap3A_687 = arith.constant 80 : index
        %swap3A_688 = tpu.vector_load %arg10[%swap3A_686, %swap3A_687] {strides = array<i32>} : memref<125x144xf32, #tpu.memory_space<vmem>>, vector<1x16xf32>,
        %swap3A_689 = vector.shape_cast %swap3A_688 : vector<1x16xf32> to vector<16xf32>
        %swap3A_690 = vector.shape_cast %add3A_685 : vector<16xf32> to vector<1x16xf32>
        tpu.vector_store %arg10[%swap3A_686, %swap3A_687], %swap3A_690 {strides = array<i32>} : memref<125x144xf32, #tpu.memory_space<vmem>>, vector<1x16xf32>,
        %get3A_691 = arith.index_cast %add3A_606 : i32 to index
        %get3A_692 = arith.constant 96 : index
        %get3A_693 = tpu.vector_load %arg10[%get3A_691, %get3A_692] {strides = array<i32>} : memref<125x144xf32, #tpu.memory_space<vmem>>, vector<1x16xf32>,
        %get3A_694 = vector.shape_cast %get3A_693 : vector<1x16xf32> to vector<16xf32>
        %get3A_695 = arith.index_cast %add3A_606 : i32 to index
        %get3A_696 = arith.constant 96 : index
        %get3A_697 = tpu.vector_load %arg11[%get3A_695, %get3A_696] {strides = array<i32>} : memref<125x144xf32, #tpu.memory_space<vmem>>, vector<1x16xf32>,
        %get3A_698 = vector.shape_cast %get3A_697 : vector<1x16xf32> to vector<16xf32>
        %add3A_699 = arith.addf %get3A_694, %get3A_698 : vector<16xf32>
        %swap3A_700 = arith.index_cast %add3A_606 : i32 to index
        %swap3A_701 = arith.constant 96 : index
        %swap3A_702 = tpu.vector_load %arg10[%swap3A_700, %swap3A_701] {strides = array<i32>} : memref<125x144xf32, #tpu.memory_space<vmem>>, vector<1x16xf32>,
        %swap3A_703 = vector.shape_cast %swap3A_702 : vector<1x16xf32> to vector<16xf32>
        %swap3A_704 = vector.shape_cast %add3A_699 : vector<16xf32> to vector<1x16xf32>
        tpu.vector_store %arg10[%swap3A_700, %swap3A_701], %swap3A_704 {strides = array<i32>} : memref<125x144xf32, #tpu.memory_space<vmem>>, vector<1x16xf32>,
        %get3A_705 = arith.index_cast %add3A_606 : i32 to index
        %get3A_706 = arith.constant 112 : index
        %get3A_707 = tpu.vector_load %arg10[%get3A_705, %get3A_706] {strides = array<i32>} : memref<125x144xf32, #tpu.memory_space<vmem>>, vector<1x16xf32>,
        %get3A_708 = vector.shape_cast %get3A_707 : vector<1x16xf32> to vector<16xf32>
        %get3A_709 = arith.index_cast %add3A_606 : i32 to index
        %get3A_710 = arith.constant 112 : index
        %get3A_711 = tpu.vector_load %arg11[%get3A_709, %get3A_710] {strides = array<i32>} : memref<125x144xf32, #tpu.memory_space<vmem>>, vector<1x16xf32>,
        %get3A_712 = vector.shape_cast %get3A_711 : vector<1x16xf32> to vector<16xf32>
        %add3A_713 = arith.addf %get3A_708, %get3A_712 : vector<16xf32>
        %swap3A_714 = arith.index_cast %add3A_606 : i32 to index
        %swap3A_715 = arith.constant 112 : index
        %swap3A_716 = tpu.vector_load %arg10[%swap3A_714, %swap3A_715] {strides = array<i32>} : memref<125x144xf32, #tpu.memory_space<vmem>>, vector<1x16xf32>,
        %swap3A_717 = vector.shape_cast %swap3A_716 : vector<1x16xf32> to vector<16xf32>
        %swap3A_718 = vector.shape_cast %add3A_713 : vector<16xf32> to vector<1x16xf32>
        tpu.vector_store %arg10[%swap3A_714, %swap3A_715], %swap3A_718 {strides = array<i32>} : memref<125x144xf32, #tpu.memory_space<vmem>>, vector<1x16xf32>,
        %get3A_719 = arith.index_cast %add3A_606 : i32 to index
        %get3A_720 = arith.constant 128 : index
        %get3A_721 = tpu.vector_load %arg10[%get3A_719, %get3A_720] {strides = array<i32>} : memref<125x144xf32, #tpu.memory_space<vmem>>, vector<1x16xf32>,
        %get3A_722 = vector.shape_cast %get3A_721 : vector<1x16xf32> to vector<16xf32>
        %get3A_723 = arith.index_cast %add3A_606 : i32 to index
        %get3A_724 = arith.constant 128 : index
        %get3A_725 = tpu.vector_load %arg11[%get3A_723, %get3A_724] {strides = array<i32>} : memref<125x144xf32, #tpu.memory_space<vmem>>, vector<1x16xf32>,
        %get3A_726 = vector.shape_cast %get3A_725 : vector<1x16xf32> to vector<16xf32>
        %add3A_727 = arith.addf %get3A_722, %get3A_726 : vector<16xf32>
        %swap3A_728 = arith.index_cast %add3A_606 : i32 to index
        %swap3A_729 = arith.constant 128 : index
        %swap3A_730 = tpu.vector_load %arg10[%swap3A_728, %swap3A_729] {strides = array<i32>} : memref<125x144xf32, #tpu.memory_space<vmem>>, vector<1x16xf32>,
        %swap3A_731 = vector.shape_cast %swap3A_730 : vector<1x16xf32> to vector<16xf32>
        %swap3A_732 = vector.shape_cast %add3A_727 : vector<16xf32> to vector<1x16xf32>
        tpu.vector_store %arg10[%swap3A_728, %swap3A_729], %swap3A_732 {strides = array<i32>} : memref<125x144xf32, #tpu.memory_space<vmem>>, vector<1x16xf32>,
      }
      %scan3A_54 = arith.constant 25 : i32
      %mul3A_55 = arith.constant 125 : i32
      %mul3A_56 = arith.muli %mul3A_22, %mul3A_55 : i32
      %add3A_57 = arith.addi %mul3A_2, %mul3A_56 : i32
      "tpu.region"() ({
        %run_scoped3A = tpu.sem_alloc : memref<!tpu.dma_semaphore, #tpu.memory_space<semaphore_mem>>
        %dma_start3A_84 = arith.constant 0 : i32
        %dma_start3A_85 = arith.constant 0 : i32
        %dma_start3A_86 = tpu.memref_slice %arg10[%dma_start3A_84, %dma_start3A_85] : memref<125x144xf32, #tpu.memory_space<vmem>> -> memref<125x128xf32, #tpu.memory_space<vmem>>
        %dma_start3A_87 = arith.constant 0 : i32
        %dma_start3A_88 = tpu.memref_slice %arg6[%add3A_57, %dma_start3A_87] : memref<160000x128xf32, #tpu.memory_space<hbm>> -> memref<125x128xf32, #tpu.memory_space<hbm>>
        %dma_start3A_89 = arith.constant 0 : i32
        %dma_start3A_90 = tpu.memref_slice %arg6[%add3A_57, %dma_start3A_89] : memref<160000x128xf32, #tpu.memory_space<hbm>> -> memref<125x128xf32, #tpu.memory_space<hbm>>
        %dma_start3A_91 = arith.constant 0 : i32
        %dma_start3A_92 = arith.constant 0 : i32
        %dma_start3A_93 = tpu.memref_slice %arg10[%dma_start3A_91, %dma_start3A_92] : memref<125x144xf32, #tpu.memory_space<vmem>> -> memref<125x128xf32, #tpu.memory_space<vmem>>
        tpu.enqueue_dma source(%dma_start3A_93 : memref<125x128xf32, #tpu.memory_space<vmem>>) target(%dma_start3A_90 : memref<125x128xf32, #tpu.memory_space<hbm>>) target_semaphore(%run_scoped3A : memref<!tpu.dma_semaphore, #tpu.memory_space<semaphore_mem>>)
        %dma_wait3A_94 = arith.constant 0 : i32
        %dma_wait3A_95 = arith.constant 0 : i32
        %dma_wait3A_96 = tpu.memref_slice %arg10[%dma_wait3A_94, %dma_wait3A_95] : memref<125x144xf32, #tpu.memory_space<vmem>> -> memref<125x128xf32, #tpu.memory_space<vmem>>
        %dma_wait3A_97 = arith.constant 0 : i32
        %dma_wait3A_98 = tpu.memref_slice %arg6[%add3A_57, %dma_wait3A_97] : memref<160000x128xf32, #tpu.memory_space<hbm>> -> memref<125x128xf32, #tpu.memory_space<hbm>>
        %dma_wait3A_99 = arith.constant 0 : i32
        %dma_wait3A_100 = tpu.memref_slice %arg6[%add3A_57, %dma_wait3A_99] : memref<160000x128xf32, #tpu.memory_space<hbm>> -> memref<125x128xf32, #tpu.memory_space<hbm>>
        %dma_wait3A_101 = arith.constant 0 : i32
        %dma_wait3A_102 = arith.constant 0 : i32
        %dma_wait3A_103 = tpu.memref_slice %arg10[%dma_wait3A_101, %dma_wait3A_102] : memref<125x144xf32, #tpu.memory_space<vmem>> -> memref<125x128xf32, #tpu.memory_space<vmem>>
        tpu.wait_dma2 semaphore(%run_scoped3A : memref<!tpu.dma_semaphore, #tpu.memory_space<semaphore_mem>>) src(%dma_wait3A_103 : memref<125x128xf32, #tpu.memory_space<vmem>>) dst(%dma_wait3A_100 : memref<125x128xf32, #tpu.memory_space<hbm>>)
        tpu.yield
      }) : () -> ()
      "tpu.region"() ({
        %run_scoped3A = tpu.sem_alloc : memref<!tpu.dma_semaphore, #tpu.memory_space<semaphore_mem>>
        %dma_start3A_84 = arith.constant 0 : i32
        %dma_start3A_85 = arith.constant 128 : i32
        %dma_start3A_86 = tpu.memref_slice %arg10[%dma_start3A_84, %dma_start3A_85] : memref<125x144xf32, #tpu.memory_space<vmem>> -> memref<125x16xf32, #tpu.memory_space<vmem>>
        %dma_start3A_87 = arith.constant 0 : i32
        %dma_start3A_88 = tpu.memref_slice %arg7[%add3A_57, %dma_start3A_87] : memref<160000x16xf32, #tpu.memory_space<hbm>> -> memref<125x16xf32, #tpu.memory_space<hbm>>
        %dma_start3A_89 = arith.constant 0 : i32
        %dma_start3A_90 = tpu.memref_slice %arg7[%add3A_57, %dma_start3A_89] : memref<160000x16xf32, #tpu.memory_space<hbm>> -> memref<125x16xf32, #tpu.memory_space<hbm>>
        %dma_start3A_91 = arith.constant 0 : i32
        %dma_start3A_92 = arith.constant 128 : i32
        %dma_start3A_93 = tpu.memref_slice %arg10[%dma_start3A_91, %dma_start3A_92] : memref<125x144xf32, #tpu.memory_space<vmem>> -> memref<125x16xf32, #tpu.memory_space<vmem>>
        tpu.enqueue_dma source(%dma_start3A_93 : memref<125x16xf32, #tpu.memory_space<vmem>>) target(%dma_start3A_90 : memref<125x16xf32, #tpu.memory_space<hbm>>) target_semaphore(%run_scoped3A : memref<!tpu.dma_semaphore, #tpu.memory_space<semaphore_mem>>)
        %dma_wait3A_94 = arith.constant 0 : i32
        %dma_wait3A_95 = arith.constant 128 : i32
        %dma_wait3A_96 = tpu.memref_slice %arg10[%dma_wait3A_94, %dma_wait3A_95] : memref<125x144xf32, #tpu.memory_space<vmem>> -> memref<125x16xf32, #tpu.memory_space<vmem>>
        %dma_wait3A_97 = arith.constant 0 : i32
        %dma_wait3A_98 = tpu.memref_slice %arg7[%add3A_57, %dma_wait3A_97] : memref<160000x16xf32, #tpu.memory_space<hbm>> -> memref<125x16xf32, #tpu.memory_space<hbm>>
        %dma_wait3A_99 = arith.constant 0 : i32
        %dma_wait3A_100 = tpu.memref_slice %arg7[%add3A_57, %dma_wait3A_99] : memref<160000x16xf32, #tpu.memory_space<hbm>> -> memref<125x16xf32, #tpu.memory_space<hbm>>
        %dma_wait3A_101 = arith.constant 0 : i32
        %dma_wait3A_102 = arith.constant 128 : i32
        %dma_wait3A_103 = tpu.memref_slice %arg10[%dma_wait3A_101, %dma_wait3A_102] : memref<125x144xf32, #tpu.memory_space<vmem>> -> memref<125x16xf32, #tpu.memory_space<vmem>>
        tpu.wait_dma2 semaphore(%run_scoped3A : memref<!tpu.dma_semaphore, #tpu.memory_space<semaphore_mem>>) src(%dma_wait3A_103 : memref<125x16xf32, #tpu.memory_space<vmem>>) dst(%dma_wait3A_100 : memref<125x16xf32, #tpu.memory_space<hbm>>)
        tpu.yield
      }) : () -> ()
      %lt3A = arith.constant 19 : i32
      %lt3A_58 = arith.cmpi slt, %scan3A_20, %lt3A : i32
      %convert_element_type3A = arith.extui %lt3A_58 : i1 to i32
      %cond3A = arith.constant 0 : i32
      %cond3A_59 = arith.cmpi ne, %convert_element_type3A, %cond3A : i32
      scf.if %cond3A_59 {
        %add3A_84 = arith.constant 2 : i32
        %add3A_85 = arith.addi %mul3A_22, %add3A_84 : i32
        %dma_start3A_86 = arith.constant 0 : i32
        %dma_start3A_87 = tpu.memref_slice %arg8[%add3A_85, %dma_start3A_86] : memref<40x125xi32, #tpu.memory_space<vmem>> -> memref<1x125xi32, #tpu.memory_space<vmem>>
        %dma_start3A_88 = tpu.memref_squeeze %dma_start3A_87 : memref<1x125xi32, #tpu.memory_space<vmem>> -> memref<125xi32, #tpu.memory_space<vmem>>
        %dma_start3A_89 = arith.constant 0 : i32
        %dma_start3A_90 = arith.constant 0 : i32
        %dma_start3A_91 = tpu.memref_slice %arg2[%dma_start3A_89, %dma_start3A_90] : memref<10000x144xf32, #tpu.memory_space<hbm>> -> memref<10000x144xf32, #tpu.memory_space<hbm>>
        tpu.enqueue_indirect_dma source(%dma_start3A_91 : memref<10000x144xf32, #tpu.memory_space<hbm>>) target(%arg10 : memref<125x144xf32, #tpu.memory_space<vmem>>) offsets(%dma_start3A_88 : memref<125xi32, #tpu.memory_space<vmem>>) semaphore(%arg14 : memref<!tpu.dma_semaphore, #tpu.memory_space<semaphore_mem>>)
        %dma_start3A_92 = arith.constant 0 : i32
        %dma_start3A_93 = tpu.memref_slice %arg9[%add3A_85, %dma_start3A_92] : memref<40x125xi32, #tpu.memory_space<vmem>> -> memref<1x125xi32, #tpu.memory_space<vmem>>
        %dma_start3A_94 = tpu.memref_squeeze %dma_start3A_93 : memref<1x125xi32, #tpu.memory_space<vmem>> -> memref<125xi32, #tpu.memory_space<vmem>>
        %dma_start3A_95 = arith.constant 0 : i32
        %dma_start3A_96 = arith.constant 0 : i32
        %dma_start3A_97 = tpu.memref_slice %arg3[%dma_start3A_95, %dma_start3A_96] : memref<10000x144xf32, #tpu.memory_space<hbm>> -> memref<10000x144xf32, #tpu.memory_space<hbm>>
        tpu.enqueue_indirect_dma source(%dma_start3A_97 : memref<10000x144xf32, #tpu.memory_space<hbm>>) target(%arg11 : memref<125x144xf32, #tpu.memory_space<vmem>>) offsets(%dma_start3A_94 : memref<125xi32, #tpu.memory_space<vmem>>) semaphore(%arg14 : memref<!tpu.dma_semaphore, #tpu.memory_space<semaphore_mem>>)
      } else {
      }
      %dma_wait3A_60 = arith.constant 0 : i32
      %dma_wait3A_61 = arith.constant 0 : i32
      %dma_wait3A_62 = tpu.memref_slice %arg8[%dma_wait3A_60, %dma_wait3A_61] : memref<40x125xi32, #tpu.memory_space<vmem>> -> memref<1x125xi32, #tpu.memory_space<vmem>>
      %dma_wait3A_63 = tpu.memref_squeeze %dma_wait3A_62 : memref<1x125xi32, #tpu.memory_space<vmem>> -> memref<125xi32, #tpu.memory_space<vmem>>
      %dma_wait3A_64 = arith.constant 0 : i32
      %dma_wait3A_65 = arith.constant 0 : i32
      %dma_wait3A_66 = tpu.memref_slice %arg2[%dma_wait3A_64, %dma_wait3A_65] : memref<10000x144xf32, #tpu.memory_space<hbm>> -> memref<10000x144xf32, #tpu.memory_space<hbm>>
      tpu.wait_indirect_dma semaphore(%arg15 : memref<!tpu.dma_semaphore, #tpu.memory_space<semaphore_mem>>) src(%dma_wait3A_66 : memref<10000x144xf32, #tpu.memory_space<hbm>>) dst(%arg12 : memref<125x144xf32, #tpu.memory_space<vmem>>)
      %dma_wait3A_67 = arith.constant 0 : i32
      %dma_wait3A_68 = arith.constant 0 : i32
      %dma_wait3A_69 = tpu.memref_slice %arg9[%dma_wait3A_67, %dma_wait3A_68] : memref<40x125xi32, #tpu.memory_space<vmem>> -> memref<1x125xi32, #tpu.memory_space<vmem>>
      %dma_wait3A_70 = tpu.memref_squeeze %dma_wait3A_69 : memref<1x125xi32, #tpu.memory_space<vmem>> -> memref<125xi32, #tpu.memory_space<vmem>>
      %dma_wait3A_71 = arith.constant 0 : i32
      %dma_wait3A_72 = arith.constant 0 : i32
      %dma_wait3A_73 = tpu.memref_slice %arg3[%dma_wait3A_71, %dma_wait3A_72] : memref<10000x144xf32, #tpu.memory_space<hbm>> -> memref<10000x144xf32, #tpu.memory_space<hbm>>
      tpu.wait_indirect_dma semaphore(%arg15 : memref<!tpu.dma_semaphore, #tpu.memory_space<semaphore_mem>>) src(%dma_wait3A_73 : memref<10000x144xf32, #tpu.memory_space<hbm>>) dst(%arg13 : memref<125x144xf32, #tpu.memory_space<vmem>>)
      %add3A_74 = arith.constant 1 : i32
      %add3A_75 = arith.addi %mul3A_22, %add3A_74 : i32
      %scan3A_76 = arith.constant 0 : i32
      %scan3A_77 = arith.constant 25 : i32
      %scan3A_78 = arith.addi %scan3A_76, %scan3A_77 : i32
      %scan3A_79 = arith.constant 1 : i32
      scf.for %scan3A_84 = %scan3A_76 to %scan3A_78 step %scan3A_79  : i32 {
        %mul3A_85 = arith.constant 5 : i32
        %mul3A_86 = arith.muli %scan3A_84, %mul3A_85 : i32
        %add3A_87 = arith.constant 0 : i32
        %add3A_88 = arith.addi %mul3A_86, %add3A_87 : i32
        %get3A = arith.index_cast %add3A_88 : i32 to index
        %get3A_89 = arith.constant 0 : index
        %get3A_90 = tpu.vector_load %arg12[%get3A, %get3A_89] {strides = array<i32>} : memref<125x144xf32, #tpu.memory_space<vmem>>, vector<1x16xf32>,
        %get3A_91 = vector.shape_cast %get3A_90 : vector<1x16xf32> to vector<16xf32>
        %get3A_92 = arith.index_cast %add3A_88 : i32 to index
        %get3A_93 = arith.constant 0 : index
        %get3A_94 = tpu.vector_load %arg13[%get3A_92, %get3A_93] {strides = array<i32>} : memref<125x144xf32, #tpu.memory_space<vmem>>, vector<1x16xf32>,
        %get3A_95 = vector.shape_cast %get3A_94 : vector<1x16xf32> to vector<16xf32>
        %add3A_96 = arith.addf %get3A_91, %get3A_95 : vector<16xf32>
        %swap3A = arith.index_cast %add3A_88 : i32 to index
        %swap3A_97 = arith.constant 0 : index
        %swap3A_98 = tpu.vector_load %arg12[%swap3A, %swap3A_97] {strides = array<i32>} : memref<125x144xf32, #tpu.memory_space<vmem>>, vector<1x16xf32>,
        %swap3A_99 = vector.shape_cast %swap3A_98 : vector<1x16xf32> to vector<16xf32>
        %swap3A_100 = vector.shape_cast %add3A_96 : vector<16xf32> to vector<1x16xf32>
        tpu.vector_store %arg12[%swap3A, %swap3A_97], %swap3A_100 {strides = array<i32>} : memref<125x144xf32, #tpu.memory_space<vmem>>, vector<1x16xf32>,
        %get3A_101 = arith.index_cast %add3A_88 : i32 to index
        %get3A_102 = arith.constant 16 : index
        %get3A_103 = tpu.vector_load %arg12[%get3A_101, %get3A_102] {strides = array<i32>} : memref<125x144xf32, #tpu.memory_space<vmem>>, vector<1x16xf32>,
        %get3A_104 = vector.shape_cast %get3A_103 : vector<1x16xf32> to vector<16xf32>
        %get3A_105 = arith.index_cast %add3A_88 : i32 to index
        %get3A_106 = arith.constant 16 : index
        %get3A_107 = tpu.vector_load %arg13[%get3A_105, %get3A_106] {strides = array<i32>} : memref<125x144xf32, #tpu.memory_space<vmem>>, vector<1x16xf32>,
        %get3A_108 = vector.shape_cast %get3A_107 : vector<1x16xf32> to vector<16xf32>
        %add3A_109 = arith.addf %get3A_104, %get3A_108 : vector<16xf32>
        %swap3A_110 = arith.index_cast %add3A_88 : i32 to index
        %swap3A_111 = arith.constant 16 : index
        %swap3A_112 = tpu.vector_load %arg12[%swap3A_110, %swap3A_111] {strides = array<i32>} : memref<125x144xf32, #tpu.memory_space<vmem>>, vector<1x16xf32>,
        %swap3A_113 = vector.shape_cast %swap3A_112 : vector<1x16xf32> to vector<16xf32>
        %swap3A_114 = vector.shape_cast %add3A_109 : vector<16xf32> to vector<1x16xf32>
        tpu.vector_store %arg12[%swap3A_110, %swap3A_111], %swap3A_114 {strides = array<i32>} : memref<125x144xf32, #tpu.memory_space<vmem>>, vector<1x16xf32>,
        %get3A_115 = arith.index_cast %add3A_88 : i32 to index
        %get3A_116 = arith.constant 32 : index
        %get3A_117 = tpu.vector_load %arg12[%get3A_115, %get3A_116] {strides = array<i32>} : memref<125x144xf32, #tpu.memory_space<vmem>>, vector<1x16xf32>,
        %get3A_118 = vector.shape_cast %get3A_117 : vector<1x16xf32> to vector<16xf32>
        %get3A_119 = arith.index_cast %add3A_88 : i32 to index
        %get3A_120 = arith.constant 32 : index
        %get3A_121 = tpu.vector_load %arg13[%get3A_119, %get3A_120] {strides = array<i32>} : memref<125x144xf32, #tpu.memory_space<vmem>>, vector<1x16xf32>,
        %get3A_122 = vector.shape_cast %get3A_121 : vector<1x16xf32> to vector<16xf32>
        %add3A_123 = arith.addf %get3A_118, %get3A_122 : vector<16xf32>
        %swap3A_124 = arith.index_cast %add3A_88 : i32 to index
        %swap3A_125 = arith.constant 32 : index
        %swap3A_126 = tpu.vector_load %arg12[%swap3A_124, %swap3A_125] {strides = array<i32>} : memref<125x144xf32, #tpu.memory_space<vmem>>, vector<1x16xf32>,
        %swap3A_127 = vector.shape_cast %swap3A_126 : vector<1x16xf32> to vector<16xf32>
        %swap3A_128 = vector.shape_cast %add3A_123 : vector<16xf32> to vector<1x16xf32>
        tpu.vector_store %arg12[%swap3A_124, %swap3A_125], %swap3A_128 {strides = array<i32>} : memref<125x144xf32, #tpu.memory_space<vmem>>, vector<1x16xf32>,
        %get3A_129 = arith.index_cast %add3A_88 : i32 to index
        %get3A_130 = arith.constant 48 : index
        %get3A_131 = tpu.vector_load %arg12[%get3A_129, %get3A_130] {strides = array<i32>} : memref<125x144xf32, #tpu.memory_space<vmem>>, vector<1x16xf32>,
        %get3A_132 = vector.shape_cast %get3A_131 : vector<1x16xf32> to vector<16xf32>
        %get3A_133 = arith.index_cast %add3A_88 : i32 to index
        %get3A_134 = arith.constant 48 : index
        %get3A_135 = tpu.vector_load %arg13[%get3A_133, %get3A_134] {strides = array<i32>} : memref<125x144xf32, #tpu.memory_space<vmem>>, vector<1x16xf32>,
        %get3A_136 = vector.shape_cast %get3A_135 : vector<1x16xf32> to vector<16xf32>
        %add3A_137 = arith.addf %get3A_132, %get3A_136 : vector<16xf32>
        %swap3A_138 = arith.index_cast %add3A_88 : i32 to index
        %swap3A_139 = arith.constant 48 : index
        %swap3A_140 = tpu.vector_load %arg12[%swap3A_138, %swap3A_139] {strides = array<i32>} : memref<125x144xf32, #tpu.memory_space<vmem>>, vector<1x16xf32>,
        %swap3A_141 = vector.shape_cast %swap3A_140 : vector<1x16xf32> to vector<16xf32>
        %swap3A_142 = vector.shape_cast %add3A_137 : vector<16xf32> to vector<1x16xf32>
        tpu.vector_store %arg12[%swap3A_138, %swap3A_139], %swap3A_142 {strides = array<i32>} : memref<125x144xf32, #tpu.memory_space<vmem>>, vector<1x16xf32>,
        %get3A_143 = arith.index_cast %add3A_88 : i32 to index
        %get3A_144 = arith.constant 64 : index
        %get3A_145 = tpu.vector_load %arg12[%get3A_143, %get3A_144] {strides = array<i32>} : memref<125x144xf32, #tpu.memory_space<vmem>>, vector<1x16xf32>,
        %get3A_146 = vector.shape_cast %get3A_145 : vector<1x16xf32> to vector<16xf32>
        %get3A_147 = arith.index_cast %add3A_88 : i32 to index
        %get3A_148 = arith.constant 64 : index
        %get3A_149 = tpu.vector_load %arg13[%get3A_147, %get3A_148] {strides = array<i32>} : memref<125x144xf32, #tpu.memory_space<vmem>>, vector<1x16xf32>,
        %get3A_150 = vector.shape_cast %get3A_149 : vector<1x16xf32> to vector<16xf32>
        %add3A_151 = arith.addf %get3A_146, %get3A_150 : vector<16xf32>
        %swap3A_152 = arith.index_cast %add3A_88 : i32 to index
        %swap3A_153 = arith.constant 64 : index
        %swap3A_154 = tpu.vector_load %arg12[%swap3A_152, %swap3A_153] {strides = array<i32>} : memref<125x144xf32, #tpu.memory_space<vmem>>, vector<1x16xf32>,
        %swap3A_155 = vector.shape_cast %swap3A_154 : vector<1x16xf32> to vector<16xf32>
        %swap3A_156 = vector.shape_cast %add3A_151 : vector<16xf32> to vector<1x16xf32>
        tpu.vector_store %arg12[%swap3A_152, %swap3A_153], %swap3A_156 {strides = array<i32>} : memref<125x144xf32, #tpu.memory_space<vmem>>, vector<1x16xf32>,
        %get3A_157 = arith.index_cast %add3A_88 : i32 to index
        %get3A_158 = arith.constant 80 : index
        %get3A_159 = tpu.vector_load %arg12[%get3A_157, %get3A_158] {strides = array<i32>} : memref<125x144xf32, #tpu.memory_space<vmem>>, vector<1x16xf32>,
        %get3A_160 = vector.shape_cast %get3A_159 : vector<1x16xf32> to vector<16xf32>
        %get3A_161 = arith.index_cast %add3A_88 : i32 to index
        %get3A_162 = arith.constant 80 : index
        %get3A_163 = tpu.vector_load %arg13[%get3A_161, %get3A_162] {strides = array<i32>} : memref<125x144xf32, #tpu.memory_space<vmem>>, vector<1x16xf32>,
        %get3A_164 = vector.shape_cast %get3A_163 : vector<1x16xf32> to vector<16xf32>
        %add3A_165 = arith.addf %get3A_160, %get3A_164 : vector<16xf32>
        %swap3A_166 = arith.index_cast %add3A_88 : i32 to index
        %swap3A_167 = arith.constant 80 : index
        %swap3A_168 = tpu.vector_load %arg12[%swap3A_166, %swap3A_167] {strides = array<i32>} : memref<125x144xf32, #tpu.memory_space<vmem>>, vector<1x16xf32>,
        %swap3A_169 = vector.shape_cast %swap3A_168 : vector<1x16xf32> to vector<16xf32>
        %swap3A_170 = vector.shape_cast %add3A_165 : vector<16xf32> to vector<1x16xf32>
        tpu.vector_store %arg12[%swap3A_166, %swap3A_167], %swap3A_170 {strides = array<i32>} : memref<125x144xf32, #tpu.memory_space<vmem>>, vector<1x16xf32>,
        %get3A_171 = arith.index_cast %add3A_88 : i32 to index
        %get3A_172 = arith.constant 96 : index
        %get3A_173 = tpu.vector_load %arg12[%get3A_171, %get3A_172] {strides = array<i32>} : memref<125x144xf32, #tpu.memory_space<vmem>>, vector<1x16xf32>,
        %get3A_174 = vector.shape_cast %get3A_173 : vector<1x16xf32> to vector<16xf32>
        %get3A_175 = arith.index_cast %add3A_88 : i32 to index
        %get3A_176 = arith.constant 96 : index
        %get3A_177 = tpu.vector_load %arg13[%get3A_175, %get3A_176] {strides = array<i32>} : memref<125x144xf32, #tpu.memory_space<vmem>>, vector<1x16xf32>,
        %get3A_178 = vector.shape_cast %get3A_177 : vector<1x16xf32> to vector<16xf32>
        %add3A_179 = arith.addf %get3A_174, %get3A_178 : vector<16xf32>
        %swap3A_180 = arith.index_cast %add3A_88 : i32 to index
        %swap3A_181 = arith.constant 96 : index
        %swap3A_182 = tpu.vector_load %arg12[%swap3A_180, %swap3A_181] {strides = array<i32>} : memref<125x144xf32, #tpu.memory_space<vmem>>, vector<1x16xf32>,
        %swap3A_183 = vector.shape_cast %swap3A_182 : vector<1x16xf32> to vector<16xf32>
        %swap3A_184 = vector.shape_cast %add3A_179 : vector<16xf32> to vector<1x16xf32>
        tpu.vector_store %arg12[%swap3A_180, %swap3A_181], %swap3A_184 {strides = array<i32>} : memref<125x144xf32, #tpu.memory_space<vmem>>, vector<1x16xf32>,
        %get3A_185 = arith.index_cast %add3A_88 : i32 to index
        %get3A_186 = arith.constant 112 : index
        %get3A_187 = tpu.vector_load %arg12[%get3A_185, %get3A_186] {strides = array<i32>} : memref<125x144xf32, #tpu.memory_space<vmem>>, vector<1x16xf32>,
        %get3A_188 = vector.shape_cast %get3A_187 : vector<1x16xf32> to vector<16xf32>
        %get3A_189 = arith.index_cast %add3A_88 : i32 to index
        %get3A_190 = arith.constant 112 : index
        %get3A_191 = tpu.vector_load %arg13[%get3A_189, %get3A_190] {strides = array<i32>} : memref<125x144xf32, #tpu.memory_space<vmem>>, vector<1x16xf32>,
        %get3A_192 = vector.shape_cast %get3A_191 : vector<1x16xf32> to vector<16xf32>
        %add3A_193 = arith.addf %get3A_188, %get3A_192 : vector<16xf32>
        %swap3A_194 = arith.index_cast %add3A_88 : i32 to index
        %swap3A_195 = arith.constant 112 : index
        %swap3A_196 = tpu.vector_load %arg12[%swap3A_194, %swap3A_195] {strides = array<i32>} : memref<125x144xf32, #tpu.memory_space<vmem>>, vector<1x16xf32>,
        %swap3A_197 = vector.shape_cast %swap3A_196 : vector<1x16xf32> to vector<16xf32>
        %swap3A_198 = vector.shape_cast %add3A_193 : vector<16xf32> to vector<1x16xf32>
        tpu.vector_store %arg12[%swap3A_194, %swap3A_195], %swap3A_198 {strides = array<i32>} : memref<125x144xf32, #tpu.memory_space<vmem>>, vector<1x16xf32>,
        %get3A_199 = arith.index_cast %add3A_88 : i32 to index
        %get3A_200 = arith.constant 128 : index
        %get3A_201 = tpu.vector_load %arg12[%get3A_199, %get3A_200] {strides = array<i32>} : memref<125x144xf32, #tpu.memory_space<vmem>>, vector<1x16xf32>,
        %get3A_202 = vector.shape_cast %get3A_201 : vector<1x16xf32> to vector<16xf32>
        %get3A_203 = arith.index_cast %add3A_88 : i32 to index
        %get3A_204 = arith.constant 128 : index
        %get3A_205 = tpu.vector_load %arg13[%get3A_203, %get3A_204] {strides = array<i32>} : memref<125x144xf32, #tpu.memory_space<vmem>>, vector<1x16xf32>,
        %get3A_206 = vector.shape_cast %get3A_205 : vector<1x16xf32> to vector<16xf32>
        %add3A_207 = arith.addf %get3A_202, %get3A_206 : vector<16xf32>
        %swap3A_208 = arith.index_cast %add3A_88 : i32 to index
        %swap3A_209 = arith.constant 128 : index
        %swap3A_210 = tpu.vector_load %arg12[%swap3A_208, %swap3A_209] {strides = array<i32>} : memref<125x144xf32, #tpu.memory_space<vmem>>, vector<1x16xf32>,
        %swap3A_211 = vector.shape_cast %swap3A_210 : vector<1x16xf32> to vector<16xf32>
        %swap3A_212 = vector.shape_cast %add3A_207 : vector<16xf32> to vector<1x16xf32>
        tpu.vector_store %arg12[%swap3A_208, %swap3A_209], %swap3A_212 {strides = array<i32>} : memref<125x144xf32, #tpu.memory_space<vmem>>, vector<1x16xf32>,
        %mul3A_213 = arith.constant 5 : i32
        %mul3A_214 = arith.muli %scan3A_84, %mul3A_213 : i32
        %add3A_215 = arith.constant 1 : i32
        %add3A_216 = arith.addi %mul3A_214, %add3A_215 : i32
        %get3A_217 = arith.index_cast %add3A_216 : i32 to index
        %get3A_218 = arith.constant 0 : index
        %get3A_219 = tpu.vector_load %arg12[%get3A_217, %get3A_218] {strides = array<i32>} : memref<125x144xf32, #tpu.memory_space<vmem>>, vector<1x16xf32>,
        %get3A_220 = vector.shape_cast %get3A_219 : vector<1x16xf32> to vector<16xf32>
        %get3A_221 = arith.index_cast %add3A_216 : i32 to index
        %get3A_222 = arith.constant 0 : index
        %get3A_223 = tpu.vector_load %arg13[%get3A_221, %get3A_222] {strides = array<i32>} : memref<125x144xf32, #tpu.memory_space<vmem>>, vector<1x16xf32>,
        %get3A_224 = vector.shape_cast %get3A_223 : vector<1x16xf32> to vector<16xf32>
        %add3A_225 = arith.addf %get3A_220, %get3A_224 : vector<16xf32>
        %swap3A_226 = arith.index_cast %add3A_216 : i32 to index
        %swap3A_227 = arith.constant 0 : index
        %swap3A_228 = tpu.vector_load %arg12[%swap3A_226, %swap3A_227] {strides = array<i32>} : memref<125x144xf32, #tpu.memory_space<vmem>>, vector<1x16xf32>,
        %swap3A_229 = vector.shape_cast %swap3A_228 : vector<1x16xf32> to vector<16xf32>
        %swap3A_230 = vector.shape_cast %add3A_225 : vector<16xf32> to vector<1x16xf32>
        tpu.vector_store %arg12[%swap3A_226, %swap3A_227], %swap3A_230 {strides = array<i32>} : memref<125x144xf32, #tpu.memory_space<vmem>>, vector<1x16xf32>,
        %get3A_231 = arith.index_cast %add3A_216 : i32 to index
        %get3A_232 = arith.constant 16 : index
        %get3A_233 = tpu.vector_load %arg12[%get3A_231, %get3A_232] {strides = array<i32>} : memref<125x144xf32, #tpu.memory_space<vmem>>, vector<1x16xf32>,
        %get3A_234 = vector.shape_cast %get3A_233 : vector<1x16xf32> to vector<16xf32>
        %get3A_235 = arith.index_cast %add3A_216 : i32 to index
        %get3A_236 = arith.constant 16 : index
        %get3A_237 = tpu.vector_load %arg13[%get3A_235, %get3A_236] {strides = array<i32>} : memref<125x144xf32, #tpu.memory_space<vmem>>, vector<1x16xf32>,
        %get3A_238 = vector.shape_cast %get3A_237 : vector<1x16xf32> to vector<16xf32>
        %add3A_239 = arith.addf %get3A_234, %get3A_238 : vector<16xf32>
        %swap3A_240 = arith.index_cast %add3A_216 : i32 to index
        %swap3A_241 = arith.constant 16 : index
        %swap3A_242 = tpu.vector_load %arg12[%swap3A_240, %swap3A_241] {strides = array<i32>} : memref<125x144xf32, #tpu.memory_space<vmem>>, vector<1x16xf32>,
        %swap3A_243 = vector.shape_cast %swap3A_242 : vector<1x16xf32> to vector<16xf32>
        %swap3A_244 = vector.shape_cast %add3A_239 : vector<16xf32> to vector<1x16xf32>
        tpu.vector_store %arg12[%swap3A_240, %swap3A_241], %swap3A_244 {strides = array<i32>} : memref<125x144xf32, #tpu.memory_space<vmem>>, vector<1x16xf32>,
        %get3A_245 = arith.index_cast %add3A_216 : i32 to index
        %get3A_246 = arith.constant 32 : index
        %get3A_247 = tpu.vector_load %arg12[%get3A_245, %get3A_246] {strides = array<i32>} : memref<125x144xf32, #tpu.memory_space<vmem>>, vector<1x16xf32>,
        %get3A_248 = vector.shape_cast %get3A_247 : vector<1x16xf32> to vector<16xf32>
        %get3A_249 = arith.index_cast %add3A_216 : i32 to index
        %get3A_250 = arith.constant 32 : index
        %get3A_251 = tpu.vector_load %arg13[%get3A_249, %get3A_250] {strides = array<i32>} : memref<125x144xf32, #tpu.memory_space<vmem>>, vector<1x16xf32>,
        %get3A_252 = vector.shape_cast %get3A_251 : vector<1x16xf32> to vector<16xf32>
        %add3A_253 = arith.addf %get3A_248, %get3A_252 : vector<16xf32>
        %swap3A_254 = arith.index_cast %add3A_216 : i32 to index
        %swap3A_255 = arith.constant 32 : index
        %swap3A_256 = tpu.vector_load %arg12[%swap3A_254, %swap3A_255] {strides = array<i32>} : memref<125x144xf32, #tpu.memory_space<vmem>>, vector<1x16xf32>,
        %swap3A_257 = vector.shape_cast %swap3A_256 : vector<1x16xf32> to vector<16xf32>
        %swap3A_258 = vector.shape_cast %add3A_253 : vector<16xf32> to vector<1x16xf32>
        tpu.vector_store %arg12[%swap3A_254, %swap3A_255], %swap3A_258 {strides = array<i32>} : memref<125x144xf32, #tpu.memory_space<vmem>>, vector<1x16xf32>,
        %get3A_259 = arith.index_cast %add3A_216 : i32 to index
        %get3A_260 = arith.constant 48 : index
        %get3A_261 = tpu.vector_load %arg12[%get3A_259, %get3A_260] {strides = array<i32>} : memref<125x144xf32, #tpu.memory_space<vmem>>, vector<1x16xf32>,
        %get3A_262 = vector.shape_cast %get3A_261 : vector<1x16xf32> to vector<16xf32>
        %get3A_263 = arith.index_cast %add3A_216 : i32 to index
        %get3A_264 = arith.constant 48 : index
        %get3A_265 = tpu.vector_load %arg13[%get3A_263, %get3A_264] {strides = array<i32>} : memref<125x144xf32, #tpu.memory_space<vmem>>, vector<1x16xf32>,
        %get3A_266 = vector.shape_cast %get3A_265 : vector<1x16xf32> to vector<16xf32>
        %add3A_267 = arith.addf %get3A_262, %get3A_266 : vector<16xf32>
        %swap3A_268 = arith.index_cast %add3A_216 : i32 to index
        %swap3A_269 = arith.constant 48 : index
        %swap3A_270 = tpu.vector_load %arg12[%swap3A_268, %swap3A_269] {strides = array<i32>} : memref<125x144xf32, #tpu.memory_space<vmem>>, vector<1x16xf32>,
        %swap3A_271 = vector.shape_cast %swap3A_270 : vector<1x16xf32> to vector<16xf32>
        %swap3A_272 = vector.shape_cast %add3A_267 : vector<16xf32> to vector<1x16xf32>
        tpu.vector_store %arg12[%swap3A_268, %swap3A_269], %swap3A_272 {strides = array<i32>} : memref<125x144xf32, #tpu.memory_space<vmem>>, vector<1x16xf32>,
        %get3A_273 = arith.index_cast %add3A_216 : i32 to index
        %get3A_274 = arith.constant 64 : index
        %get3A_275 = tpu.vector_load %arg12[%get3A_273, %get3A_274] {strides = array<i32>} : memref<125x144xf32, #tpu.memory_space<vmem>>, vector<1x16xf32>,
        %get3A_276 = vector.shape_cast %get3A_275 : vector<1x16xf32> to vector<16xf32>
        %get3A_277 = arith.index_cast %add3A_216 : i32 to index
        %get3A_278 = arith.constant 64 : index
        %get3A_279 = tpu.vector_load %arg13[%get3A_277, %get3A_278] {strides = array<i32>} : memref<125x144xf32, #tpu.memory_space<vmem>>, vector<1x16xf32>,
        %get3A_280 = vector.shape_cast %get3A_279 : vector<1x16xf32> to vector<16xf32>
        %add3A_281 = arith.addf %get3A_276, %get3A_280 : vector<16xf32>
        %swap3A_282 = arith.index_cast %add3A_216 : i32 to index
        %swap3A_283 = arith.constant 64 : index
        %swap3A_284 = tpu.vector_load %arg12[%swap3A_282, %swap3A_283] {strides = array<i32>} : memref<125x144xf32, #tpu.memory_space<vmem>>, vector<1x16xf32>,
        %swap3A_285 = vector.shape_cast %swap3A_284 : vector<1x16xf32> to vector<16xf32>
        %swap3A_286 = vector.shape_cast %add3A_281 : vector<16xf32> to vector<1x16xf32>
        tpu.vector_store %arg12[%swap3A_282, %swap3A_283], %swap3A_286 {strides = array<i32>} : memref<125x144xf32, #tpu.memory_space<vmem>>, vector<1x16xf32>,
        %get3A_287 = arith.index_cast %add3A_216 : i32 to index
        %get3A_288 = arith.constant 80 : index
        %get3A_289 = tpu.vector_load %arg12[%get3A_287, %get3A_288] {strides = array<i32>} : memref<125x144xf32, #tpu.memory_space<vmem>>, vector<1x16xf32>,
        %get3A_290 = vector.shape_cast %get3A_289 : vector<1x16xf32> to vector<16xf32>
        %get3A_291 = arith.index_cast %add3A_216 : i32 to index
        %get3A_292 = arith.constant 80 : index
        %get3A_293 = tpu.vector_load %arg13[%get3A_291, %get3A_292] {strides = array<i32>} : memref<125x144xf32, #tpu.memory_space<vmem>>, vector<1x16xf32>,
        %get3A_294 = vector.shape_cast %get3A_293 : vector<1x16xf32> to vector<16xf32>
        %add3A_295 = arith.addf %get3A_290, %get3A_294 : vector<16xf32>
        %swap3A_296 = arith.index_cast %add3A_216 : i32 to index
        %swap3A_297 = arith.constant 80 : index
        %swap3A_298 = tpu.vector_load %arg12[%swap3A_296, %swap3A_297] {strides = array<i32>} : memref<125x144xf32, #tpu.memory_space<vmem>>, vector<1x16xf32>,
        %swap3A_299 = vector.shape_cast %swap3A_298 : vector<1x16xf32> to vector<16xf32>
        %swap3A_300 = vector.shape_cast %add3A_295 : vector<16xf32> to vector<1x16xf32>
        tpu.vector_store %arg12[%swap3A_296, %swap3A_297], %swap3A_300 {strides = array<i32>} : memref<125x144xf32, #tpu.memory_space<vmem>>, vector<1x16xf32>,
        %get3A_301 = arith.index_cast %add3A_216 : i32 to index
        %get3A_302 = arith.constant 96 : index
        %get3A_303 = tpu.vector_load %arg12[%get3A_301, %get3A_302] {strides = array<i32>} : memref<125x144xf32, #tpu.memory_space<vmem>>, vector<1x16xf32>,
        %get3A_304 = vector.shape_cast %get3A_303 : vector<1x16xf32> to vector<16xf32>
        %get3A_305 = arith.index_cast %add3A_216 : i32 to index
        %get3A_306 = arith.constant 96 : index
        %get3A_307 = tpu.vector_load %arg13[%get3A_305, %get3A_306] {strides = array<i32>} : memref<125x144xf32, #tpu.memory_space<vmem>>, vector<1x16xf32>,
        %get3A_308 = vector.shape_cast %get3A_307 : vector<1x16xf32> to vector<16xf32>
        %add3A_309 = arith.addf %get3A_304, %get3A_308 : vector<16xf32>
        %swap3A_310 = arith.index_cast %add3A_216 : i32 to index
        %swap3A_311 = arith.constant 96 : index
        %swap3A_312 = tpu.vector_load %arg12[%swap3A_310, %swap3A_311] {strides = array<i32>} : memref<125x144xf32, #tpu.memory_space<vmem>>, vector<1x16xf32>,
        %swap3A_313 = vector.shape_cast %swap3A_312 : vector<1x16xf32> to vector<16xf32>
        %swap3A_314 = vector.shape_cast %add3A_309 : vector<16xf32> to vector<1x16xf32>
        tpu.vector_store %arg12[%swap3A_310, %swap3A_311], %swap3A_314 {strides = array<i32>} : memref<125x144xf32, #tpu.memory_space<vmem>>, vector<1x16xf32>,
        %get3A_315 = arith.index_cast %add3A_216 : i32 to index
        %get3A_316 = arith.constant 112 : index
        %get3A_317 = tpu.vector_load %arg12[%get3A_315, %get3A_316] {strides = array<i32>} : memref<125x144xf32, #tpu.memory_space<vmem>>, vector<1x16xf32>,
        %get3A_318 = vector.shape_cast %get3A_317 : vector<1x16xf32> to vector<16xf32>
        %get3A_319 = arith.index_cast %add3A_216 : i32 to index
        %get3A_320 = arith.constant 112 : index
        %get3A_321 = tpu.vector_load %arg13[%get3A_319, %get3A_320] {strides = array<i32>} : memref<125x144xf32, #tpu.memory_space<vmem>>, vector<1x16xf32>,
        %get3A_322 = vector.shape_cast %get3A_321 : vector<1x16xf32> to vector<16xf32>
        %add3A_323 = arith.addf %get3A_318, %get3A_322 : vector<16xf32>
        %swap3A_324 = arith.index_cast %add3A_216 : i32 to index
        %swap3A_325 = arith.constant 112 : index
        %swap3A_326 = tpu.vector_load %arg12[%swap3A_324, %swap3A_325] {strides = array<i32>} : memref<125x144xf32, #tpu.memory_space<vmem>>, vector<1x16xf32>,
        %swap3A_327 = vector.shape_cast %swap3A_326 : vector<1x16xf32> to vector<16xf32>
        %swap3A_328 = vector.shape_cast %add3A_323 : vector<16xf32> to vector<1x16xf32>
        tpu.vector_store %arg12[%swap3A_324, %swap3A_325], %swap3A_328 {strides = array<i32>} : memref<125x144xf32, #tpu.memory_space<vmem>>, vector<1x16xf32>,
        %get3A_329 = arith.index_cast %add3A_216 : i32 to index
        %get3A_330 = arith.constant 128 : index
        %get3A_331 = tpu.vector_load %arg12[%get3A_329, %get3A_330] {strides = array<i32>} : memref<125x144xf32, #tpu.memory_space<vmem>>, vector<1x16xf32>,
        %get3A_332 = vector.shape_cast %get3A_331 : vector<1x16xf32> to vector<16xf32>
        %get3A_333 = arith.index_cast %add3A_216 : i32 to index
        %get3A_334 = arith.constant 128 : index
        %get3A_335 = tpu.vector_load %arg13[%get3A_333, %get3A_334] {strides = array<i32>} : memref<125x144xf32, #tpu.memory_space<vmem>>, vector<1x16xf32>,
        %get3A_336 = vector.shape_cast %get3A_335 : vector<1x16xf32> to vector<16xf32>
        %add3A_337 = arith.addf %get3A_332, %get3A_336 : vector<16xf32>
        %swap3A_338 = arith.index_cast %add3A_216 : i32 to index
        %swap3A_339 = arith.constant 128 : index
        %swap3A_340 = tpu.vector_load %arg12[%swap3A_338, %swap3A_339] {strides = array<i32>} : memref<125x144xf32, #tpu.memory_space<vmem>>, vector<1x16xf32>,
        %swap3A_341 = vector.shape_cast %swap3A_340 : vector<1x16xf32> to vector<16xf32>
        %swap3A_342 = vector.shape_cast %add3A_337 : vector<16xf32> to vector<1x16xf32>
        tpu.vector_store %arg12[%swap3A_338, %swap3A_339], %swap3A_342 {strides = array<i32>} : memref<125x144xf32, #tpu.memory_space<vmem>>, vector<1x16xf32>,
        %mul3A_343 = arith.constant 5 : i32
        %mul3A_344 = arith.muli %scan3A_84, %mul3A_343 : i32
        %add3A_345 = arith.constant 2 : i32
        %add3A_346 = arith.addi %mul3A_344, %add3A_345 : i32
        %get3A_347 = arith.index_cast %add3A_346 : i32 to index
        %get3A_348 = arith.constant 0 : index
        %get3A_349 = tpu.vector_load %arg12[%get3A_347, %get3A_348] {strides = array<i32>} : memref<125x144xf32, #tpu.memory_space<vmem>>, vector<1x16xf32>,
        %get3A_350 = vector.shape_cast %get3A_349 : vector<1x16xf32> to vector<16xf32>
        %get3A_351 = arith.index_cast %add3A_346 : i32 to index
        %get3A_352 = arith.constant 0 : index
        %get3A_353 = tpu.vector_load %arg13[%get3A_351, %get3A_352] {strides = array<i32>} : memref<125x144xf32, #tpu.memory_space<vmem>>, vector<1x16xf32>,
        %get3A_354 = vector.shape_cast %get3A_353 : vector<1x16xf32> to vector<16xf32>
        %add3A_355 = arith.addf %get3A_350, %get3A_354 : vector<16xf32>
        %swap3A_356 = arith.index_cast %add3A_346 : i32 to index
        %swap3A_357 = arith.constant 0 : index
        %swap3A_358 = tpu.vector_load %arg12[%swap3A_356, %swap3A_357] {strides = array<i32>} : memref<125x144xf32, #tpu.memory_space<vmem>>, vector<1x16xf32>,
        %swap3A_359 = vector.shape_cast %swap3A_358 : vector<1x16xf32> to vector<16xf32>
        %swap3A_360 = vector.shape_cast %add3A_355 : vector<16xf32> to vector<1x16xf32>
        tpu.vector_store %arg12[%swap3A_356, %swap3A_357], %swap3A_360 {strides = array<i32>} : memref<125x144xf32, #tpu.memory_space<vmem>>, vector<1x16xf32>,
        %get3A_361 = arith.index_cast %add3A_346 : i32 to index
        %get3A_362 = arith.constant 16 : index
        %get3A_363 = tpu.vector_load %arg12[%get3A_361, %get3A_362] {strides = array<i32>} : memref<125x144xf32, #tpu.memory_space<vmem>>, vector<1x16xf32>,
        %get3A_364 = vector.shape_cast %get3A_363 : vector<1x16xf32> to vector<16xf32>
        %get3A_365 = arith.index_cast %add3A_346 : i32 to index
        %get3A_366 = arith.constant 16 : index
        %get3A_367 = tpu.vector_load %arg13[%get3A_365, %get3A_366] {strides = array<i32>} : memref<125x144xf32, #tpu.memory_space<vmem>>, vector<1x16xf32>,
        %get3A_368 = vector.shape_cast %get3A_367 : vector<1x16xf32> to vector<16xf32>
        %add3A_369 = arith.addf %get3A_364, %get3A_368 : vector<16xf32>
        %swap3A_370 = arith.index_cast %add3A_346 : i32 to index
        %swap3A_371 = arith.constant 16 : index
        %swap3A_372 = tpu.vector_load %arg12[%swap3A_370, %swap3A_371] {strides = array<i32>} : memref<125x144xf32, #tpu.memory_space<vmem>>, vector<1x16xf32>,
        %swap3A_373 = vector.shape_cast %swap3A_372 : vector<1x16xf32> to vector<16xf32>
        %swap3A_374 = vector.shape_cast %add3A_369 : vector<16xf32> to vector<1x16xf32>
        tpu.vector_store %arg12[%swap3A_370, %swap3A_371], %swap3A_374 {strides = array<i32>} : memref<125x144xf32, #tpu.memory_space<vmem>>, vector<1x16xf32>,
        %get3A_375 = arith.index_cast %add3A_346 : i32 to index
        %get3A_376 = arith.constant 32 : index
        %get3A_377 = tpu.vector_load %arg12[%get3A_375, %get3A_376] {strides = array<i32>} : memref<125x144xf32, #tpu.memory_space<vmem>>, vector<1x16xf32>,
        %get3A_378 = vector.shape_cast %get3A_377 : vector<1x16xf32> to vector<16xf32>
        %get3A_379 = arith.index_cast %add3A_346 : i32 to index
        %get3A_380 = arith.constant 32 : index
        %get3A_381 = tpu.vector_load %arg13[%get3A_379, %get3A_380] {strides = array<i32>} : memref<125x144xf32, #tpu.memory_space<vmem>>, vector<1x16xf32>,
        %get3A_382 = vector.shape_cast %get3A_381 : vector<1x16xf32> to vector<16xf32>
        %add3A_383 = arith.addf %get3A_378, %get3A_382 : vector<16xf32>
        %swap3A_384 = arith.index_cast %add3A_346 : i32 to index
        %swap3A_385 = arith.constant 32 : index
        %swap3A_386 = tpu.vector_load %arg12[%swap3A_384, %swap3A_385] {strides = array<i32>} : memref<125x144xf32, #tpu.memory_space<vmem>>, vector<1x16xf32>,
        %swap3A_387 = vector.shape_cast %swap3A_386 : vector<1x16xf32> to vector<16xf32>
        %swap3A_388 = vector.shape_cast %add3A_383 : vector<16xf32> to vector<1x16xf32>
        tpu.vector_store %arg12[%swap3A_384, %swap3A_385], %swap3A_388 {strides = array<i32>} : memref<125x144xf32, #tpu.memory_space<vmem>>, vector<1x16xf32>,
        %get3A_389 = arith.index_cast %add3A_346 : i32 to index
        %get3A_390 = arith.constant 48 : index
        %get3A_391 = tpu.vector_load %arg12[%get3A_389, %get3A_390] {strides = array<i32>} : memref<125x144xf32, #tpu.memory_space<vmem>>, vector<1x16xf32>,
        %get3A_392 = vector.shape_cast %get3A_391 : vector<1x16xf32> to vector<16xf32>
        %get3A_393 = arith.index_cast %add3A_346 : i32 to index
        %get3A_394 = arith.constant 48 : index
        %get3A_395 = tpu.vector_load %arg13[%get3A_393, %get3A_394] {strides = array<i32>} : memref<125x144xf32, #tpu.memory_space<vmem>>, vector<1x16xf32>,
        %get3A_396 = vector.shape_cast %get3A_395 : vector<1x16xf32> to vector<16xf32>
        %add3A_397 = arith.addf %get3A_392, %get3A_396 : vector<16xf32>
        %swap3A_398 = arith.index_cast %add3A_346 : i32 to index
        %swap3A_399 = arith.constant 48 : index
        %swap3A_400 = tpu.vector_load %arg12[%swap3A_398, %swap3A_399] {strides = array<i32>} : memref<125x144xf32, #tpu.memory_space<vmem>>, vector<1x16xf32>,
        %swap3A_401 = vector.shape_cast %swap3A_400 : vector<1x16xf32> to vector<16xf32>
        %swap3A_402 = vector.shape_cast %add3A_397 : vector<16xf32> to vector<1x16xf32>
        tpu.vector_store %arg12[%swap3A_398, %swap3A_399], %swap3A_402 {strides = array<i32>} : memref<125x144xf32, #tpu.memory_space<vmem>>, vector<1x16xf32>,
        %get3A_403 = arith.index_cast %add3A_346 : i32 to index
        %get3A_404 = arith.constant 64 : index
        %get3A_405 = tpu.vector_load %arg12[%get3A_403, %get3A_404] {strides = array<i32>} : memref<125x144xf32, #tpu.memory_space<vmem>>, vector<1x16xf32>,
        %get3A_406 = vector.shape_cast %get3A_405 : vector<1x16xf32> to vector<16xf32>
        %get3A_407 = arith.index_cast %add3A_346 : i32 to index
        %get3A_408 = arith.constant 64 : index
        %get3A_409 = tpu.vector_load %arg13[%get3A_407, %get3A_408] {strides = array<i32>} : memref<125x144xf32, #tpu.memory_space<vmem>>, vector<1x16xf32>,
        %get3A_410 = vector.shape_cast %get3A_409 : vector<1x16xf32> to vector<16xf32>
        %add3A_411 = arith.addf %get3A_406, %get3A_410 : vector<16xf32>
        %swap3A_412 = arith.index_cast %add3A_346 : i32 to index
        %swap3A_413 = arith.constant 64 : index
        %swap3A_414 = tpu.vector_load %arg12[%swap3A_412, %swap3A_413] {strides = array<i32>} : memref<125x144xf32, #tpu.memory_space<vmem>>, vector<1x16xf32>,
        %swap3A_415 = vector.shape_cast %swap3A_414 : vector<1x16xf32> to vector<16xf32>
        %swap3A_416 = vector.shape_cast %add3A_411 : vector<16xf32> to vector<1x16xf32>
        tpu.vector_store %arg12[%swap3A_412, %swap3A_413], %swap3A_416 {strides = array<i32>} : memref<125x144xf32, #tpu.memory_space<vmem>>, vector<1x16xf32>,
        %get3A_417 = arith.index_cast %add3A_346 : i32 to index
        %get3A_418 = arith.constant 80 : index
        %get3A_419 = tpu.vector_load %arg12[%get3A_417, %get3A_418] {strides = array<i32>} : memref<125x144xf32, #tpu.memory_space<vmem>>, vector<1x16xf32>,
        %get3A_420 = vector.shape_cast %get3A_419 : vector<1x16xf32> to vector<16xf32>
        %get3A_421 = arith.index_cast %add3A_346 : i32 to index
        %get3A_422 = arith.constant 80 : index
        %get3A_423 = tpu.vector_load %arg13[%get3A_421, %get3A_422] {strides = array<i32>} : memref<125x144xf32, #tpu.memory_space<vmem>>, vector<1x16xf32>,
        %get3A_424 = vector.shape_cast %get3A_423 : vector<1x16xf32> to vector<16xf32>
        %add3A_425 = arith.addf %get3A_420, %get3A_424 : vector<16xf32>
        %swap3A_426 = arith.index_cast %add3A_346 : i32 to index
        %swap3A_427 = arith.constant 80 : index
        %swap3A_428 = tpu.vector_load %arg12[%swap3A_426, %swap3A_427] {strides = array<i32>} : memref<125x144xf32, #tpu.memory_space<vmem>>, vector<1x16xf32>,
        %swap3A_429 = vector.shape_cast %swap3A_428 : vector<1x16xf32> to vector<16xf32>
        %swap3A_430 = vector.shape_cast %add3A_425 : vector<16xf32> to vector<1x16xf32>
        tpu.vector_store %arg12[%swap3A_426, %swap3A_427], %swap3A_430 {strides = array<i32>} : memref<125x144xf32, #tpu.memory_space<vmem>>, vector<1x16xf32>,
        %get3A_431 = arith.index_cast %add3A_346 : i32 to index
        %get3A_432 = arith.constant 96 : index
        %get3A_433 = tpu.vector_load %arg12[%get3A_431, %get3A_432] {strides = array<i32>} : memref<125x144xf32, #tpu.memory_space<vmem>>, vector<1x16xf32>,
        %get3A_434 = vector.shape_cast %get3A_433 : vector<1x16xf32> to vector<16xf32>
        %get3A_435 = arith.index_cast %add3A_346 : i32 to index
        %get3A_436 = arith.constant 96 : index
        %get3A_437 = tpu.vector_load %arg13[%get3A_435, %get3A_436] {strides = array<i32>} : memref<125x144xf32, #tpu.memory_space<vmem>>, vector<1x16xf32>,
        %get3A_438 = vector.shape_cast %get3A_437 : vector<1x16xf32> to vector<16xf32>
        %add3A_439 = arith.addf %get3A_434, %get3A_438 : vector<16xf32>
        %swap3A_440 = arith.index_cast %add3A_346 : i32 to index
        %swap3A_441 = arith.constant 96 : index
        %swap3A_442 = tpu.vector_load %arg12[%swap3A_440, %swap3A_441] {strides = array<i32>} : memref<125x144xf32, #tpu.memory_space<vmem>>, vector<1x16xf32>,
        %swap3A_443 = vector.shape_cast %swap3A_442 : vector<1x16xf32> to vector<16xf32>
        %swap3A_444 = vector.shape_cast %add3A_439 : vector<16xf32> to vector<1x16xf32>
        tpu.vector_store %arg12[%swap3A_440, %swap3A_441], %swap3A_444 {strides = array<i32>} : memref<125x144xf32, #tpu.memory_space<vmem>>, vector<1x16xf32>,
        %get3A_445 = arith.index_cast %add3A_346 : i32 to index
        %get3A_446 = arith.constant 112 : index
        %get3A_447 = tpu.vector_load %arg12[%get3A_445, %get3A_446] {strides = array<i32>} : memref<125x144xf32, #tpu.memory_space<vmem>>, vector<1x16xf32>,
        %get3A_448 = vector.shape_cast %get3A_447 : vector<1x16xf32> to vector<16xf32>
        %get3A_449 = arith.index_cast %add3A_346 : i32 to index
        %get3A_450 = arith.constant 112 : index
        %get3A_451 = tpu.vector_load %arg13[%get3A_449, %get3A_450] {strides = array<i32>} : memref<125x144xf32, #tpu.memory_space<vmem>>, vector<1x16xf32>,
        %get3A_452 = vector.shape_cast %get3A_451 : vector<1x16xf32> to vector<16xf32>
        %add3A_453 = arith.addf %get3A_448, %get3A_452 : vector<16xf32>
        %swap3A_454 = arith.index_cast %add3A_346 : i32 to index
        %swap3A_455 = arith.constant 112 : index
        %swap3A_456 = tpu.vector_load %arg12[%swap3A_454, %swap3A_455] {strides = array<i32>} : memref<125x144xf32, #tpu.memory_space<vmem>>, vector<1x16xf32>,
        %swap3A_457 = vector.shape_cast %swap3A_456 : vector<1x16xf32> to vector<16xf32>
        %swap3A_458 = vector.shape_cast %add3A_453 : vector<16xf32> to vector<1x16xf32>
        tpu.vector_store %arg12[%swap3A_454, %swap3A_455], %swap3A_458 {strides = array<i32>} : memref<125x144xf32, #tpu.memory_space<vmem>>, vector<1x16xf32>,
        %get3A_459 = arith.index_cast %add3A_346 : i32 to index
        %get3A_460 = arith.constant 128 : index
        %get3A_461 = tpu.vector_load %arg12[%get3A_459, %get3A_460] {strides = array<i32>} : memref<125x144xf32, #tpu.memory_space<vmem>>, vector<1x16xf32>,
        %get3A_462 = vector.shape_cast %get3A_461 : vector<1x16xf32> to vector<16xf32>
        %get3A_463 = arith.index_cast %add3A_346 : i32 to index
        %get3A_464 = arith.constant 128 : index
        %get3A_465 = tpu.vector_load %arg13[%get3A_463, %get3A_464] {strides = array<i32>} : memref<125x144xf32, #tpu.memory_space<vmem>>, vector<1x16xf32>,
        %get3A_466 = vector.shape_cast %get3A_465 : vector<1x16xf32> to vector<16xf32>
        %add3A_467 = arith.addf %get3A_462, %get3A_466 : vector<16xf32>
        %swap3A_468 = arith.index_cast %add3A_346 : i32 to index
        %swap3A_469 = arith.constant 128 : index
        %swap3A_470 = tpu.vector_load %arg12[%swap3A_468, %swap3A_469] {strides = array<i32>} : memref<125x144xf32, #tpu.memory_space<vmem>>, vector<1x16xf32>,
        %swap3A_471 = vector.shape_cast %swap3A_470 : vector<1x16xf32> to vector<16xf32>
        %swap3A_472 = vector.shape_cast %add3A_467 : vector<16xf32> to vector<1x16xf32>
        tpu.vector_store %arg12[%swap3A_468, %swap3A_469], %swap3A_472 {strides = array<i32>} : memref<125x144xf32, #tpu.memory_space<vmem>>, vector<1x16xf32>,
        %mul3A_473 = arith.constant 5 : i32
        %mul3A_474 = arith.muli %scan3A_84, %mul3A_473 : i32
        %add3A_475 = arith.constant 3 : i32
        %add3A_476 = arith.addi %mul3A_474, %add3A_475 : i32
        %get3A_477 = arith.index_cast %add3A_476 : i32 to index
        %get3A_478 = arith.constant 0 : index
        %get3A_479 = tpu.vector_load %arg12[%get3A_477, %get3A_478] {strides = array<i32>} : memref<125x144xf32, #tpu.memory_space<vmem>>, vector<1x16xf32>,
        %get3A_480 = vector.shape_cast %get3A_479 : vector<1x16xf32> to vector<16xf32>
        %get3A_481 = arith.index_cast %add3A_476 : i32 to index
        %get3A_482 = arith.constant 0 : index
        %get3A_483 = tpu.vector_load %arg13[%get3A_481, %get3A_482] {strides = array<i32>} : memref<125x144xf32, #tpu.memory_space<vmem>>, vector<1x16xf32>,
        %get3A_484 = vector.shape_cast %get3A_483 : vector<1x16xf32> to vector<16xf32>
        %add3A_485 = arith.addf %get3A_480, %get3A_484 : vector<16xf32>
        %swap3A_486 = arith.index_cast %add3A_476 : i32 to index
        %swap3A_487 = arith.constant 0 : index
        %swap3A_488 = tpu.vector_load %arg12[%swap3A_486, %swap3A_487] {strides = array<i32>} : memref<125x144xf32, #tpu.memory_space<vmem>>, vector<1x16xf32>,
        %swap3A_489 = vector.shape_cast %swap3A_488 : vector<1x16xf32> to vector<16xf32>
        %swap3A_490 = vector.shape_cast %add3A_485 : vector<16xf32> to vector<1x16xf32>
        tpu.vector_store %arg12[%swap3A_486, %swap3A_487], %swap3A_490 {strides = array<i32>} : memref<125x144xf32, #tpu.memory_space<vmem>>, vector<1x16xf32>,
        %get3A_491 = arith.index_cast %add3A_476 : i32 to index
        %get3A_492 = arith.constant 16 : index
        %get3A_493 = tpu.vector_load %arg12[%get3A_491, %get3A_492] {strides = array<i32>} : memref<125x144xf32, #tpu.memory_space<vmem>>, vector<1x16xf32>,
        %get3A_494 = vector.shape_cast %get3A_493 : vector<1x16xf32> to vector<16xf32>
        %get3A_495 = arith.index_cast %add3A_476 : i32 to index
        %get3A_496 = arith.constant 16 : index
        %get3A_497 = tpu.vector_load %arg13[%get3A_495, %get3A_496] {strides = array<i32>} : memref<125x144xf32, #tpu.memory_space<vmem>>, vector<1x16xf32>,
        %get3A_498 = vector.shape_cast %get3A_497 : vector<1x16xf32> to vector<16xf32>
        %add3A_499 = arith.addf %get3A_494, %get3A_498 : vector<16xf32>
        %swap3A_500 = arith.index_cast %add3A_476 : i32 to index
        %swap3A_501 = arith.constant 16 : index
        %swap3A_502 = tpu.vector_load %arg12[%swap3A_500, %swap3A_501] {strides = array<i32>} : memref<125x144xf32, #tpu.memory_space<vmem>>, vector<1x16xf32>,
        %swap3A_503 = vector.shape_cast %swap3A_502 : vector<1x16xf32> to vector<16xf32>
        %swap3A_504 = vector.shape_cast %add3A_499 : vector<16xf32> to vector<1x16xf32>
        tpu.vector_store %arg12[%swap3A_500, %swap3A_501], %swap3A_504 {strides = array<i32>} : memref<125x144xf32, #tpu.memory_space<vmem>>, vector<1x16xf32>,
        %get3A_505 = arith.index_cast %add3A_476 : i32 to index
        %get3A_506 = arith.constant 32 : index
        %get3A_507 = tpu.vector_load %arg12[%get3A_505, %get3A_506] {strides = array<i32>} : memref<125x144xf32, #tpu.memory_space<vmem>>, vector<1x16xf32>,
        %get3A_508 = vector.shape_cast %get3A_507 : vector<1x16xf32> to vector<16xf32>
        %get3A_509 = arith.index_cast %add3A_476 : i32 to index
        %get3A_510 = arith.constant 32 : index
        %get3A_511 = tpu.vector_load %arg13[%get3A_509, %get3A_510] {strides = array<i32>} : memref<125x144xf32, #tpu.memory_space<vmem>>, vector<1x16xf32>,
        %get3A_512 = vector.shape_cast %get3A_511 : vector<1x16xf32> to vector<16xf32>
        %add3A_513 = arith.addf %get3A_508, %get3A_512 : vector<16xf32>
        %swap3A_514 = arith.index_cast %add3A_476 : i32 to index
        %swap3A_515 = arith.constant 32 : index
        %swap3A_516 = tpu.vector_load %arg12[%swap3A_514, %swap3A_515] {strides = array<i32>} : memref<125x144xf32, #tpu.memory_space<vmem>>, vector<1x16xf32>,
        %swap3A_517 = vector.shape_cast %swap3A_516 : vector<1x16xf32> to vector<16xf32>
        %swap3A_518 = vector.shape_cast %add3A_513 : vector<16xf32> to vector<1x16xf32>
        tpu.vector_store %arg12[%swap3A_514, %swap3A_515], %swap3A_518 {strides = array<i32>} : memref<125x144xf32, #tpu.memory_space<vmem>>, vector<1x16xf32>,
        %get3A_519 = arith.index_cast %add3A_476 : i32 to index
        %get3A_520 = arith.constant 48 : index
        %get3A_521 = tpu.vector_load %arg12[%get3A_519, %get3A_520] {strides = array<i32>} : memref<125x144xf32, #tpu.memory_space<vmem>>, vector<1x16xf32>,
        %get3A_522 = vector.shape_cast %get3A_521 : vector<1x16xf32> to vector<16xf32>
        %get3A_523 = arith.index_cast %add3A_476 : i32 to index
        %get3A_524 = arith.constant 48 : index
        %get3A_525 = tpu.vector_load %arg13[%get3A_523, %get3A_524] {strides = array<i32>} : memref<125x144xf32, #tpu.memory_space<vmem>>, vector<1x16xf32>,
        %get3A_526 = vector.shape_cast %get3A_525 : vector<1x16xf32> to vector<16xf32>
        %add3A_527 = arith.addf %get3A_522, %get3A_526 : vector<16xf32>
        %swap3A_528 = arith.index_cast %add3A_476 : i32 to index
        %swap3A_529 = arith.constant 48 : index
        %swap3A_530 = tpu.vector_load %arg12[%swap3A_528, %swap3A_529] {strides = array<i32>} : memref<125x144xf32, #tpu.memory_space<vmem>>, vector<1x16xf32>,
        %swap3A_531 = vector.shape_cast %swap3A_530 : vector<1x16xf32> to vector<16xf32>
        %swap3A_532 = vector.shape_cast %add3A_527 : vector<16xf32> to vector<1x16xf32>
        tpu.vector_store %arg12[%swap3A_528, %swap3A_529], %swap3A_532 {strides = array<i32>} : memref<125x144xf32, #tpu.memory_space<vmem>>, vector<1x16xf32>,
        %get3A_533 = arith.index_cast %add3A_476 : i32 to index
        %get3A_534 = arith.constant 64 : index
        %get3A_535 = tpu.vector_load %arg12[%get3A_533, %get3A_534] {strides = array<i32>} : memref<125x144xf32, #tpu.memory_space<vmem>>, vector<1x16xf32>,
        %get3A_536 = vector.shape_cast %get3A_535 : vector<1x16xf32> to vector<16xf32>
        %get3A_537 = arith.index_cast %add3A_476 : i32 to index
        %get3A_538 = arith.constant 64 : index
        %get3A_539 = tpu.vector_load %arg13[%get3A_537, %get3A_538] {strides = array<i32>} : memref<125x144xf32, #tpu.memory_space<vmem>>, vector<1x16xf32>,
        %get3A_540 = vector.shape_cast %get3A_539 : vector<1x16xf32> to vector<16xf32>
        %add3A_541 = arith.addf %get3A_536, %get3A_540 : vector<16xf32>
        %swap3A_542 = arith.index_cast %add3A_476 : i32 to index
        %swap3A_543 = arith.constant 64 : index
        %swap3A_544 = tpu.vector_load %arg12[%swap3A_542, %swap3A_543] {strides = array<i32>} : memref<125x144xf32, #tpu.memory_space<vmem>>, vector<1x16xf32>,
        %swap3A_545 = vector.shape_cast %swap3A_544 : vector<1x16xf32> to vector<16xf32>
        %swap3A_546 = vector.shape_cast %add3A_541 : vector<16xf32> to vector<1x16xf32>
        tpu.vector_store %arg12[%swap3A_542, %swap3A_543], %swap3A_546 {strides = array<i32>} : memref<125x144xf32, #tpu.memory_space<vmem>>, vector<1x16xf32>,
        %get3A_547 = arith.index_cast %add3A_476 : i32 to index
        %get3A_548 = arith.constant 80 : index
        %get3A_549 = tpu.vector_load %arg12[%get3A_547, %get3A_548] {strides = array<i32>} : memref<125x144xf32, #tpu.memory_space<vmem>>, vector<1x16xf32>,
        %get3A_550 = vector.shape_cast %get3A_549 : vector<1x16xf32> to vector<16xf32>
        %get3A_551 = arith.index_cast %add3A_476 : i32 to index
        %get3A_552 = arith.constant 80 : index
        %get3A_553 = tpu.vector_load %arg13[%get3A_551, %get3A_552] {strides = array<i32>} : memref<125x144xf32, #tpu.memory_space<vmem>>, vector<1x16xf32>,
        %get3A_554 = vector.shape_cast %get3A_553 : vector<1x16xf32> to vector<16xf32>
        %add3A_555 = arith.addf %get3A_550, %get3A_554 : vector<16xf32>
        %swap3A_556 = arith.index_cast %add3A_476 : i32 to index
        %swap3A_557 = arith.constant 80 : index
        %swap3A_558 = tpu.vector_load %arg12[%swap3A_556, %swap3A_557] {strides = array<i32>} : memref<125x144xf32, #tpu.memory_space<vmem>>, vector<1x16xf32>,
        %swap3A_559 = vector.shape_cast %swap3A_558 : vector<1x16xf32> to vector<16xf32>
        %swap3A_560 = vector.shape_cast %add3A_555 : vector<16xf32> to vector<1x16xf32>
        tpu.vector_store %arg12[%swap3A_556, %swap3A_557], %swap3A_560 {strides = array<i32>} : memref<125x144xf32, #tpu.memory_space<vmem>>, vector<1x16xf32>,
        %get3A_561 = arith.index_cast %add3A_476 : i32 to index
        %get3A_562 = arith.constant 96 : index
        %get3A_563 = tpu.vector_load %arg12[%get3A_561, %get3A_562] {strides = array<i32>} : memref<125x144xf32, #tpu.memory_space<vmem>>, vector<1x16xf32>,
        %get3A_564 = vector.shape_cast %get3A_563 : vector<1x16xf32> to vector<16xf32>
        %get3A_565 = arith.index_cast %add3A_476 : i32 to index
        %get3A_566 = arith.constant 96 : index
        %get3A_567 = tpu.vector_load %arg13[%get3A_565, %get3A_566] {strides = array<i32>} : memref<125x144xf32, #tpu.memory_space<vmem>>, vector<1x16xf32>,
        %get3A_568 = vector.shape_cast %get3A_567 : vector<1x16xf32> to vector<16xf32>
        %add3A_569 = arith.addf %get3A_564, %get3A_568 : vector<16xf32>
        %swap3A_570 = arith.index_cast %add3A_476 : i32 to index
        %swap3A_571 = arith.constant 96 : index
        %swap3A_572 = tpu.vector_load %arg12[%swap3A_570, %swap3A_571] {strides = array<i32>} : memref<125x144xf32, #tpu.memory_space<vmem>>, vector<1x16xf32>,
        %swap3A_573 = vector.shape_cast %swap3A_572 : vector<1x16xf32> to vector<16xf32>
        %swap3A_574 = vector.shape_cast %add3A_569 : vector<16xf32> to vector<1x16xf32>
        tpu.vector_store %arg12[%swap3A_570, %swap3A_571], %swap3A_574 {strides = array<i32>} : memref<125x144xf32, #tpu.memory_space<vmem>>, vector<1x16xf32>,
        %get3A_575 = arith.index_cast %add3A_476 : i32 to index
        %get3A_576 = arith.constant 112 : index
        %get3A_577 = tpu.vector_load %arg12[%get3A_575, %get3A_576] {strides = array<i32>} : memref<125x144xf32, #tpu.memory_space<vmem>>, vector<1x16xf32>,
        %get3A_578 = vector.shape_cast %get3A_577 : vector<1x16xf32> to vector<16xf32>
        %get3A_579 = arith.index_cast %add3A_476 : i32 to index
        %get3A_580 = arith.constant 112 : index
        %get3A_581 = tpu.vector_load %arg13[%get3A_579, %get3A_580] {strides = array<i32>} : memref<125x144xf32, #tpu.memory_space<vmem>>, vector<1x16xf32>,
        %get3A_582 = vector.shape_cast %get3A_581 : vector<1x16xf32> to vector<16xf32>
        %add3A_583 = arith.addf %get3A_578, %get3A_582 : vector<16xf32>
        %swap3A_584 = arith.index_cast %add3A_476 : i32 to index
        %swap3A_585 = arith.constant 112 : index
        %swap3A_586 = tpu.vector_load %arg12[%swap3A_584, %swap3A_585] {strides = array<i32>} : memref<125x144xf32, #tpu.memory_space<vmem>>, vector<1x16xf32>,
        %swap3A_587 = vector.shape_cast %swap3A_586 : vector<1x16xf32> to vector<16xf32>
        %swap3A_588 = vector.shape_cast %add3A_583 : vector<16xf32> to vector<1x16xf32>
        tpu.vector_store %arg12[%swap3A_584, %swap3A_585], %swap3A_588 {strides = array<i32>} : memref<125x144xf32, #tpu.memory_space<vmem>>, vector<1x16xf32>,
        %get3A_589 = arith.index_cast %add3A_476 : i32 to index
        %get3A_590 = arith.constant 128 : index
        %get3A_591 = tpu.vector_load %arg12[%get3A_589, %get3A_590] {strides = array<i32>} : memref<125x144xf32, #tpu.memory_space<vmem>>, vector<1x16xf32>,
        %get3A_592 = vector.shape_cast %get3A_591 : vector<1x16xf32> to vector<16xf32>
        %get3A_593 = arith.index_cast %add3A_476 : i32 to index
        %get3A_594 = arith.constant 128 : index
        %get3A_595 = tpu.vector_load %arg13[%get3A_593, %get3A_594] {strides = array<i32>} : memref<125x144xf32, #tpu.memory_space<vmem>>, vector<1x16xf32>,
        %get3A_596 = vector.shape_cast %get3A_595 : vector<1x16xf32> to vector<16xf32>
        %add3A_597 = arith.addf %get3A_592, %get3A_596 : vector<16xf32>
        %swap3A_598 = arith.index_cast %add3A_476 : i32 to index
        %swap3A_599 = arith.constant 128 : index
        %swap3A_600 = tpu.vector_load %arg12[%swap3A_598, %swap3A_599] {strides = array<i32>} : memref<125x144xf32, #tpu.memory_space<vmem>>, vector<1x16xf32>,
        %swap3A_601 = vector.shape_cast %swap3A_600 : vector<1x16xf32> to vector<16xf32>
        %swap3A_602 = vector.shape_cast %add3A_597 : vector<16xf32> to vector<1x16xf32>
        tpu.vector_store %arg12[%swap3A_598, %swap3A_599], %swap3A_602 {strides = array<i32>} : memref<125x144xf32, #tpu.memory_space<vmem>>, vector<1x16xf32>,
        %mul3A_603 = arith.constant 5 : i32
        %mul3A_604 = arith.muli %scan3A_84, %mul3A_603 : i32
        %add3A_605 = arith.constant 4 : i32
        %add3A_606 = arith.addi %mul3A_604, %add3A_605 : i32
        %get3A_607 = arith.index_cast %add3A_606 : i32 to index
        %get3A_608 = arith.constant 0 : index
        %get3A_609 = tpu.vector_load %arg12[%get3A_607, %get3A_608] {strides = array<i32>} : memref<125x144xf32, #tpu.memory_space<vmem>>, vector<1x16xf32>,
        %get3A_610 = vector.shape_cast %get3A_609 : vector<1x16xf32> to vector<16xf32>
        %get3A_611 = arith.index_cast %add3A_606 : i32 to index
        %get3A_612 = arith.constant 0 : index
        %get3A_613 = tpu.vector_load %arg13[%get3A_611, %get3A_612] {strides = array<i32>} : memref<125x144xf32, #tpu.memory_space<vmem>>, vector<1x16xf32>,
        %get3A_614 = vector.shape_cast %get3A_613 : vector<1x16xf32> to vector<16xf32>
        %add3A_615 = arith.addf %get3A_610, %get3A_614 : vector<16xf32>
        %swap3A_616 = arith.index_cast %add3A_606 : i32 to index
        %swap3A_617 = arith.constant 0 : index
        %swap3A_618 = tpu.vector_load %arg12[%swap3A_616, %swap3A_617] {strides = array<i32>} : memref<125x144xf32, #tpu.memory_space<vmem>>, vector<1x16xf32>,
        %swap3A_619 = vector.shape_cast %swap3A_618 : vector<1x16xf32> to vector<16xf32>
        %swap3A_620 = vector.shape_cast %add3A_615 : vector<16xf32> to vector<1x16xf32>
        tpu.vector_store %arg12[%swap3A_616, %swap3A_617], %swap3A_620 {strides = array<i32>} : memref<125x144xf32, #tpu.memory_space<vmem>>, vector<1x16xf32>,
        %get3A_621 = arith.index_cast %add3A_606 : i32 to index
        %get3A_622 = arith.constant 16 : index
        %get3A_623 = tpu.vector_load %arg12[%get3A_621, %get3A_622] {strides = array<i32>} : memref<125x144xf32, #tpu.memory_space<vmem>>, vector<1x16xf32>,
        %get3A_624 = vector.shape_cast %get3A_623 : vector<1x16xf32> to vector<16xf32>
        %get3A_625 = arith.index_cast %add3A_606 : i32 to index
        %get3A_626 = arith.constant 16 : index
        %get3A_627 = tpu.vector_load %arg13[%get3A_625, %get3A_626] {strides = array<i32>} : memref<125x144xf32, #tpu.memory_space<vmem>>, vector<1x16xf32>,
        %get3A_628 = vector.shape_cast %get3A_627 : vector<1x16xf32> to vector<16xf32>
        %add3A_629 = arith.addf %get3A_624, %get3A_628 : vector<16xf32>
        %swap3A_630 = arith.index_cast %add3A_606 : i32 to index
        %swap3A_631 = arith.constant 16 : index
        %swap3A_632 = tpu.vector_load %arg12[%swap3A_630, %swap3A_631] {strides = array<i32>} : memref<125x144xf32, #tpu.memory_space<vmem>>, vector<1x16xf32>,
        %swap3A_633 = vector.shape_cast %swap3A_632 : vector<1x16xf32> to vector<16xf32>
        %swap3A_634 = vector.shape_cast %add3A_629 : vector<16xf32> to vector<1x16xf32>
        tpu.vector_store %arg12[%swap3A_630, %swap3A_631], %swap3A_634 {strides = array<i32>} : memref<125x144xf32, #tpu.memory_space<vmem>>, vector<1x16xf32>,
        %get3A_635 = arith.index_cast %add3A_606 : i32 to index
        %get3A_636 = arith.constant 32 : index
        %get3A_637 = tpu.vector_load %arg12[%get3A_635, %get3A_636] {strides = array<i32>} : memref<125x144xf32, #tpu.memory_space<vmem>>, vector<1x16xf32>,
        %get3A_638 = vector.shape_cast %get3A_637 : vector<1x16xf32> to vector<16xf32>
        %get3A_639 = arith.index_cast %add3A_606 : i32 to index
        %get3A_640 = arith.constant 32 : index
        %get3A_641 = tpu.vector_load %arg13[%get3A_639, %get3A_640] {strides = array<i32>} : memref<125x144xf32, #tpu.memory_space<vmem>>, vector<1x16xf32>,
        %get3A_642 = vector.shape_cast %get3A_641 : vector<1x16xf32> to vector<16xf32>
        %add3A_643 = arith.addf %get3A_638, %get3A_642 : vector<16xf32>
        %swap3A_644 = arith.index_cast %add3A_606 : i32 to index
        %swap3A_645 = arith.constant 32 : index
        %swap3A_646 = tpu.vector_load %arg12[%swap3A_644, %swap3A_645] {strides = array<i32>} : memref<125x144xf32, #tpu.memory_space<vmem>>, vector<1x16xf32>,
        %swap3A_647 = vector.shape_cast %swap3A_646 : vector<1x16xf32> to vector<16xf32>
        %swap3A_648 = vector.shape_cast %add3A_643 : vector<16xf32> to vector<1x16xf32>
        tpu.vector_store %arg12[%swap3A_644, %swap3A_645], %swap3A_648 {strides = array<i32>} : memref<125x144xf32, #tpu.memory_space<vmem>>, vector<1x16xf32>,
        %get3A_649 = arith.index_cast %add3A_606 : i32 to index
        %get3A_650 = arith.constant 48 : index
        %get3A_651 = tpu.vector_load %arg12[%get3A_649, %get3A_650] {strides = array<i32>} : memref<125x144xf32, #tpu.memory_space<vmem>>, vector<1x16xf32>,
        %get3A_652 = vector.shape_cast %get3A_651 : vector<1x16xf32> to vector<16xf32>
        %get3A_653 = arith.index_cast %add3A_606 : i32 to index
        %get3A_654 = arith.constant 48 : index
        %get3A_655 = tpu.vector_load %arg13[%get3A_653, %get3A_654] {strides = array<i32>} : memref<125x144xf32, #tpu.memory_space<vmem>>, vector<1x16xf32>,
        %get3A_656 = vector.shape_cast %get3A_655 : vector<1x16xf32> to vector<16xf32>
        %add3A_657 = arith.addf %get3A_652, %get3A_656 : vector<16xf32>
        %swap3A_658 = arith.index_cast %add3A_606 : i32 to index
        %swap3A_659 = arith.constant 48 : index
        %swap3A_660 = tpu.vector_load %arg12[%swap3A_658, %swap3A_659] {strides = array<i32>} : memref<125x144xf32, #tpu.memory_space<vmem>>, vector<1x16xf32>,
        %swap3A_661 = vector.shape_cast %swap3A_660 : vector<1x16xf32> to vector<16xf32>
        %swap3A_662 = vector.shape_cast %add3A_657 : vector<16xf32> to vector<1x16xf32>
        tpu.vector_store %arg12[%swap3A_658, %swap3A_659], %swap3A_662 {strides = array<i32>} : memref<125x144xf32, #tpu.memory_space<vmem>>, vector<1x16xf32>,
        %get3A_663 = arith.index_cast %add3A_606 : i32 to index
        %get3A_664 = arith.constant 64 : index
        %get3A_665 = tpu.vector_load %arg12[%get3A_663, %get3A_664] {strides = array<i32>} : memref<125x144xf32, #tpu.memory_space<vmem>>, vector<1x16xf32>,
        %get3A_666 = vector.shape_cast %get3A_665 : vector<1x16xf32> to vector<16xf32>
        %get3A_667 = arith.index_cast %add3A_606 : i32 to index
        %get3A_668 = arith.constant 64 : index
        %get3A_669 = tpu.vector_load %arg13[%get3A_667, %get3A_668] {strides = array<i32>} : memref<125x144xf32, #tpu.memory_space<vmem>>, vector<1x16xf32>,
        %get3A_670 = vector.shape_cast %get3A_669 : vector<1x16xf32> to vector<16xf32>
        %add3A_671 = arith.addf %get3A_666, %get3A_670 : vector<16xf32>
        %swap3A_672 = arith.index_cast %add3A_606 : i32 to index
        %swap3A_673 = arith.constant 64 : index
        %swap3A_674 = tpu.vector_load %arg12[%swap3A_672, %swap3A_673] {strides = array<i32>} : memref<125x144xf32, #tpu.memory_space<vmem>>, vector<1x16xf32>,
        %swap3A_675 = vector.shape_cast %swap3A_674 : vector<1x16xf32> to vector<16xf32>
        %swap3A_676 = vector.shape_cast %add3A_671 : vector<16xf32> to vector<1x16xf32>
        tpu.vector_store %arg12[%swap3A_672, %swap3A_673], %swap3A_676 {strides = array<i32>} : memref<125x144xf32, #tpu.memory_space<vmem>>, vector<1x16xf32>,
        %get3A_677 = arith.index_cast %add3A_606 : i32 to index
        %get3A_678 = arith.constant 80 : index
        %get3A_679 = tpu.vector_load %arg12[%get3A_677, %get3A_678] {strides = array<i32>} : memref<125x144xf32, #tpu.memory_space<vmem>>, vector<1x16xf32>,
        %get3A_680 = vector.shape_cast %get3A_679 : vector<1x16xf32> to vector<16xf32>
        %get3A_681 = arith.index_cast %add3A_606 : i32 to index
        %get3A_682 = arith.constant 80 : index
        %get3A_683 = tpu.vector_load %arg13[%get3A_681, %get3A_682] {strides = array<i32>} : memref<125x144xf32, #tpu.memory_space<vmem>>, vector<1x16xf32>,
        %get3A_684 = vector.shape_cast %get3A_683 : vector<1x16xf32> to vector<16xf32>
        %add3A_685 = arith.addf %get3A_680, %get3A_684 : vector<16xf32>
        %swap3A_686 = arith.index_cast %add3A_606 : i32 to index
        %swap3A_687 = arith.constant 80 : index
        %swap3A_688 = tpu.vector_load %arg12[%swap3A_686, %swap3A_687] {strides = array<i32>} : memref<125x144xf32, #tpu.memory_space<vmem>>, vector<1x16xf32>,
        %swap3A_689 = vector.shape_cast %swap3A_688 : vector<1x16xf32> to vector<16xf32>
        %swap3A_690 = vector.shape_cast %add3A_685 : vector<16xf32> to vector<1x16xf32>
        tpu.vector_store %arg12[%swap3A_686, %swap3A_687], %swap3A_690 {strides = array<i32>} : memref<125x144xf32, #tpu.memory_space<vmem>>, vector<1x16xf32>,
        %get3A_691 = arith.index_cast %add3A_606 : i32 to index
        %get3A_692 = arith.constant 96 : index
        %get3A_693 = tpu.vector_load %arg12[%get3A_691, %get3A_692] {strides = array<i32>} : memref<125x144xf32, #tpu.memory_space<vmem>>, vector<1x16xf32>,
        %get3A_694 = vector.shape_cast %get3A_693 : vector<1x16xf32> to vector<16xf32>
        %get3A_695 = arith.index_cast %add3A_606 : i32 to index
        %get3A_696 = arith.constant 96 : index
        %get3A_697 = tpu.vector_load %arg13[%get3A_695, %get3A_696] {strides = array<i32>} : memref<125x144xf32, #tpu.memory_space<vmem>>, vector<1x16xf32>,
        %get3A_698 = vector.shape_cast %get3A_697 : vector<1x16xf32> to vector<16xf32>
        %add3A_699 = arith.addf %get3A_694, %get3A_698 : vector<16xf32>
        %swap3A_700 = arith.index_cast %add3A_606 : i32 to index
        %swap3A_701 = arith.constant 96 : index
        %swap3A_702 = tpu.vector_load %arg12[%swap3A_700, %swap3A_701] {strides = array<i32>} : memref<125x144xf32, #tpu.memory_space<vmem>>, vector<1x16xf32>,
        %swap3A_703 = vector.shape_cast %swap3A_702 : vector<1x16xf32> to vector<16xf32>
        %swap3A_704 = vector.shape_cast %add3A_699 : vector<16xf32> to vector<1x16xf32>
        tpu.vector_store %arg12[%swap3A_700, %swap3A_701], %swap3A_704 {strides = array<i32>} : memref<125x144xf32, #tpu.memory_space<vmem>>, vector<1x16xf32>,
        %get3A_705 = arith.index_cast %add3A_606 : i32 to index
        %get3A_706 = arith.constant 112 : index
        %get3A_707 = tpu.vector_load %arg12[%get3A_705, %get3A_706] {strides = array<i32>} : memref<125x144xf32, #tpu.memory_space<vmem>>, vector<1x16xf32>,
        %get3A_708 = vector.shape_cast %get3A_707 : vector<1x16xf32> to vector<16xf32>
        %get3A_709 = arith.index_cast %add3A_606 : i32 to index
        %get3A_710 = arith.constant 112 : index
        %get3A_711 = tpu.vector_load %arg13[%get3A_709, %get3A_710] {strides = array<i32>} : memref<125x144xf32, #tpu.memory_space<vmem>>, vector<1x16xf32>,
        %get3A_712 = vector.shape_cast %get3A_711 : vector<1x16xf32> to vector<16xf32>
        %add3A_713 = arith.addf %get3A_708, %get3A_712 : vector<16xf32>
        %swap3A_714 = arith.index_cast %add3A_606 : i32 to index
        %swap3A_715 = arith.constant 112 : index
        %swap3A_716 = tpu.vector_load %arg12[%swap3A_714, %swap3A_715] {strides = array<i32>} : memref<125x144xf32, #tpu.memory_space<vmem>>, vector<1x16xf32>,
        %swap3A_717 = vector.shape_cast %swap3A_716 : vector<1x16xf32> to vector<16xf32>
        %swap3A_718 = vector.shape_cast %add3A_713 : vector<16xf32> to vector<1x16xf32>
        tpu.vector_store %arg12[%swap3A_714, %swap3A_715], %swap3A_718 {strides = array<i32>} : memref<125x144xf32, #tpu.memory_space<vmem>>, vector<1x16xf32>,
        %get3A_719 = arith.index_cast %add3A_606 : i32 to index
        %get3A_720 = arith.constant 128 : index
        %get3A_721 = tpu.vector_load %arg12[%get3A_719, %get3A_720] {strides = array<i32>} : memref<125x144xf32, #tpu.memory_space<vmem>>, vector<1x16xf32>,
        %get3A_722 = vector.shape_cast %get3A_721 : vector<1x16xf32> to vector<16xf32>
        %get3A_723 = arith.index_cast %add3A_606 : i32 to index
        %get3A_724 = arith.constant 128 : index
        %get3A_725 = tpu.vector_load %arg13[%get3A_723, %get3A_724] {strides = array<i32>} : memref<125x144xf32, #tpu.memory_space<vmem>>, vector<1x16xf32>,
        %get3A_726 = vector.shape_cast %get3A_725 : vector<1x16xf32> to vector<16xf32>
        %add3A_727 = arith.addf %get3A_722, %get3A_726 : vector<16xf32>
        %swap3A_728 = arith.index_cast %add3A_606 : i32 to index
        %swap3A_729 = arith.constant 128 : index
        %swap3A_730 = tpu.vector_load %arg12[%swap3A_728, %swap3A_729] {strides = array<i32>} : memref<125x144xf32, #tpu.memory_space<vmem>>, vector<1x16xf32>,
        %swap3A_731 = vector.shape_cast %swap3A_730 : vector<1x16xf32> to vector<16xf32>
        %swap3A_732 = vector.shape_cast %add3A_727 : vector<16xf32> to vector<1x16xf32>
        tpu.vector_store %arg12[%swap3A_728, %swap3A_729], %swap3A_732 {strides = array<i32>} : memref<125x144xf32, #tpu.memory_space<vmem>>, vector<1x16xf32>,
      }
      %scan3A_80 = arith.constant 25 : i32
      %mul3A_81 = arith.constant 125 : i32
      %mul3A_82 = arith.muli %add3A_75, %mul3A_81 : i32
      %add3A_83 = arith.addi %mul3A_2, %mul3A_82 : i32
      "tpu.region"() ({
        %run_scoped3A = tpu.sem_alloc : memref<!tpu.dma_semaphore, #tpu.memory_space<semaphore_mem>>
        %dma_start3A_84 = arith.constant 0 : i32
        %dma_start3A_85 = arith.constant 0 : i32
        %dma_start3A_86 = tpu.memref_slice %arg12[%dma_start3A_84, %dma_start3A_85] : memref<125x144xf32, #tpu.memory_space<vmem>> -> memref<125x128xf32, #tpu.memory_space<vmem>>
        %dma_start3A_87 = arith.constant 0 : i32
        %dma_start3A_88 = tpu.memref_slice %arg6[%add3A_83, %dma_start3A_87] : memref<160000x128xf32, #tpu.memory_space<hbm>> -> memref<125x128xf32, #tpu.memory_space<hbm>>
        %dma_start3A_89 = arith.constant 0 : i32
        %dma_start3A_90 = tpu.memref_slice %arg6[%add3A_83, %dma_start3A_89] : memref<160000x128xf32, #tpu.memory_space<hbm>> -> memref<125x128xf32, #tpu.memory_space<hbm>>
        %dma_start3A_91 = arith.constant 0 : i32
        %dma_start3A_92 = arith.constant 0 : i32
        %dma_start3A_93 = tpu.memref_slice %arg12[%dma_start3A_91, %dma_start3A_92] : memref<125x144xf32, #tpu.memory_space<vmem>> -> memref<125x128xf32, #tpu.memory_space<vmem>>
        tpu.enqueue_dma source(%dma_start3A_93 : memref<125x128xf32, #tpu.memory_space<vmem>>) target(%dma_start3A_90 : memref<125x128xf32, #tpu.memory_space<hbm>>) target_semaphore(%run_scoped3A : memref<!tpu.dma_semaphore, #tpu.memory_space<semaphore_mem>>)
        %dma_wait3A_94 = arith.constant 0 : i32
        %dma_wait3A_95 = arith.constant 0 : i32
        %dma_wait3A_96 = tpu.memref_slice %arg12[%dma_wait3A_94, %dma_wait3A_95] : memref<125x144xf32, #tpu.memory_space<vmem>> -> memref<125x128xf32, #tpu.memory_space<vmem>>
        %dma_wait3A_97 = arith.constant 0 : i32
        %dma_wait3A_98 = tpu.memref_slice %arg6[%add3A_83, %dma_wait3A_97] : memref<160000x128xf32, #tpu.memory_space<hbm>> -> memref<125x128xf32, #tpu.memory_space<hbm>>
        %dma_wait3A_99 = arith.constant 0 : i32
        %dma_wait3A_100 = tpu.memref_slice %arg6[%add3A_83, %dma_wait3A_99] : memref<160000x128xf32, #tpu.memory_space<hbm>> -> memref<125x128xf32, #tpu.memory_space<hbm>>
        %dma_wait3A_101 = arith.constant 0 : i32
        %dma_wait3A_102 = arith.constant 0 : i32
        %dma_wait3A_103 = tpu.memref_slice %arg12[%dma_wait3A_101, %dma_wait3A_102] : memref<125x144xf32, #tpu.memory_space<vmem>> -> memref<125x128xf32, #tpu.memory_space<vmem>>
        tpu.wait_dma2 semaphore(%run_scoped3A : memref<!tpu.dma_semaphore, #tpu.memory_space<semaphore_mem>>) src(%dma_wait3A_103 : memref<125x128xf32, #tpu.memory_space<vmem>>) dst(%dma_wait3A_100 : memref<125x128xf32, #tpu.memory_space<hbm>>)
        tpu.yield
      }) : () -> ()
      "tpu.region"() ({
        %run_scoped3A = tpu.sem_alloc : memref<!tpu.dma_semaphore, #tpu.memory_space<semaphore_mem>>
        %dma_start3A_84 = arith.constant 0 : i32
        %dma_start3A_85 = arith.constant 128 : i32
        %dma_start3A_86 = tpu.memref_slice %arg12[%dma_start3A_84, %dma_start3A_85] : memref<125x144xf32, #tpu.memory_space<vmem>> -> memref<125x16xf32, #tpu.memory_space<vmem>>
        %dma_start3A_87 = arith.constant 0 : i32
        %dma_start3A_88 = tpu.memref_slice %arg7[%add3A_83, %dma_start3A_87] : memref<160000x16xf32, #tpu.memory_space<hbm>> -> memref<125x16xf32, #tpu.memory_space<hbm>>
        %dma_start3A_89 = arith.constant 0 : i32
        %dma_start3A_90 = tpu.memref_slice %arg7[%add3A_83, %dma_start3A_89] : memref<160000x16xf32, #tpu.memory_space<hbm>> -> memref<125x16xf32, #tpu.memory_space<hbm>>
        %dma_start3A_91 = arith.constant 0 : i32
        %dma_start3A_92 = arith.constant 128 : i32
        %dma_start3A_93 = tpu.memref_slice %arg12[%dma_start3A_91, %dma_start3A_92] : memref<125x144xf32, #tpu.memory_space<vmem>> -> memref<125x16xf32, #tpu.memory_space<vmem>>
        tpu.enqueue_dma source(%dma_start3A_93 : memref<125x16xf32, #tpu.memory_space<vmem>>) target(%dma_start3A_90 : memref<125x16xf32, #tpu.memory_space<hbm>>) target_semaphore(%run_scoped3A : memref<!tpu.dma_semaphore, #tpu.memory_space<semaphore_mem>>)
        %dma_wait3A_94 = arith.constant 0 : i32
        %dma_wait3A_95 = arith.constant 128 : i32
        %dma_wait3A_96 = tpu.memref_slice %arg12[%dma_wait3A_94, %dma_wait3A_95] : memref<125x144xf32, #tpu.memory_space<vmem>> -> memref<125x16xf32, #tpu.memory_space<vmem>>
        %dma_wait3A_97 = arith.constant 0 : i32
        %dma_wait3A_98 = tpu.memref_slice %arg7[%add3A_83, %dma_wait3A_97] : memref<160000x16xf32, #tpu.memory_space<hbm>> -> memref<125x16xf32, #tpu.memory_space<hbm>>
        %dma_wait3A_99 = arith.constant 0 : i32
        %dma_wait3A_100 = tpu.memref_slice %arg7[%add3A_83, %dma_wait3A_99] : memref<160000x16xf32, #tpu.memory_space<hbm>> -> memref<125x16xf32, #tpu.memory_space<hbm>>
        %dma_wait3A_101 = arith.constant 0 : i32
        %dma_wait3A_102 = arith.constant 128 : i32
        %dma_wait3A_103 = tpu.memref_slice %arg12[%dma_wait3A_101, %dma_wait3A_102] : memref<125x144xf32, #tpu.memory_space<vmem>> -> memref<125x16xf32, #tpu.memory_space<vmem>>
        tpu.wait_dma2 semaphore(%run_scoped3A : memref<!tpu.dma_semaphore, #tpu.memory_space<semaphore_mem>>) src(%dma_wait3A_103 : memref<125x16xf32, #tpu.memory_space<vmem>>) dst(%dma_wait3A_100 : memref<125x16xf32, #tpu.memory_space<hbm>>)
        tpu.yield
      }) : () -> ()
    }
    %scan3A_19 = arith.constant 20 : i32
    return
  }
}

#map = affine_map<(d0, d1) -> (0, 0)>
#map1 = affine_map<(d0, d1) -> (0, 0, 0)>
module attributes {stable_mosaic.version = 14 : i64} {
  func.func @_sc_scatter_k(%arg0: i32, %arg1: i32, %arg2: memref<160000x128xf32, #tpu.memory_space<hbm>>, %arg3: memref<160000x16xf32, #tpu.memory_space<hbm>>, %arg4: memref<32x50x100xi32, #tpu.memory_space<hbm>>, %arg5: memref<10000x128xf32, #tpu.memory_space<hbm>>, %arg6: memref<10000x16xf32, #tpu.memory_space<hbm>>, %arg7: memref<2x10000x128xf32, #tpu.memory_space<hbm>>, %arg8: memref<2x10000x16xf32, #tpu.memory_space<hbm>>, %arg9: memref<50x100xi32, #tpu.memory_space<vmem>>, %arg10: memref<100x128xf32, #tpu.memory_space<vmem>>, %arg11: memref<100x128xf32, #tpu.memory_space<vmem>>, %arg12: memref<100x16xf32, #tpu.memory_space<vmem>>, %arg13: memref<100x16xf32, #tpu.memory_space<vmem>>, %arg14: memref<10000x128xf32, #tpu.memory_space<vmem_shared>>, %arg15: memref<10000x16xf32, #tpu.memory_space<vmem_shared>>, %arg16: memref<!tpu.dma_semaphore, #tpu.memory_space<semaphore_mem>>, %arg17: memref<!tpu.dma_semaphore, #tpu.memory_space<semaphore_mem>>) attributes {dimension_semantics = [#tpu.dimension_semantics<core_parallel>, #tpu.dimension_semantics<subcore_parallel>], iteration_bounds = array<i64: 2, 16>, scalar_prefetch = 0 : i64, scratch_operands = 9 : i64, tpu.core_type = #tpu.core_type<sc_vector_subcore>, window_params = [{transform_indices = #map}, {transform_indices = #map}, {transform_indices = #map1}, {transform_indices = #map}, {transform_indices = #map}, {transform_indices = #map1}, {transform_indices = #map1}]} {
    %mul3A = arith.constant 2 : i32
    %mul3A_0 = arith.muli %arg1, %mul3A : i32
    %add3A = arith.addi %mul3A_0, %arg0 : i32
    %mul3A_1 = arith.constant 625 : i32
    %mul3A_2 = arith.muli %arg1, %mul3A_1 : i32
    "tpu.region"() ({
      %run_scoped3A = tpu.sem_alloc : memref<!tpu.dma_semaphore, #tpu.memory_space<semaphore_mem>>
      %dma_start3A_21 = arith.constant 0 : i32
      %dma_start3A_22 = tpu.memref_slice %arg14[%mul3A_2, %dma_start3A_21] : memref<10000x128xf32, #tpu.memory_space<vmem_shared>> -> memref<625x128xf32, #tpu.memory_space<vmem_shared>>
      %dma_start3A_23 = arith.constant 0 : i32
      %dma_start3A_24 = tpu.memref_slice %arg5[%mul3A_2, %dma_start3A_23] : memref<10000x128xf32, #tpu.memory_space<hbm>> -> memref<625x128xf32, #tpu.memory_space<hbm>>
      tpu.enqueue_dma source(%dma_start3A_24 : memref<625x128xf32, #tpu.memory_space<hbm>>) target(%dma_start3A_22 : memref<625x128xf32, #tpu.memory_space<vmem_shared>>) target_semaphore(%run_scoped3A : memref<!tpu.dma_semaphore, #tpu.memory_space<semaphore_mem>>)
      %dma_wait3A = arith.constant 0 : i32
      %dma_wait3A_25 = tpu.memref_slice %arg14[%mul3A_2, %dma_wait3A] : memref<10000x128xf32, #tpu.memory_space<vmem_shared>> -> memref<625x128xf32, #tpu.memory_space<vmem_shared>>
      %dma_wait3A_26 = arith.constant 0 : i32
      %dma_wait3A_27 = tpu.memref_slice %arg5[%mul3A_2, %dma_wait3A_26] : memref<10000x128xf32, #tpu.memory_space<hbm>> -> memref<625x128xf32, #tpu.memory_space<hbm>>
      tpu.wait_dma2 semaphore(%run_scoped3A : memref<!tpu.dma_semaphore, #tpu.memory_space<semaphore_mem>>) src(%dma_wait3A_27 : memref<625x128xf32, #tpu.memory_space<hbm>>) dst(%dma_wait3A_25 : memref<625x128xf32, #tpu.memory_space<vmem_shared>>)
      tpu.yield
    }) : () -> ()
    "tpu.region"() ({
      %run_scoped3A = tpu.sem_alloc : memref<!tpu.dma_semaphore, #tpu.memory_space<semaphore_mem>>
      %dma_start3A_21 = arith.constant 0 : i32
      %dma_start3A_22 = tpu.memref_slice %arg15[%mul3A_2, %dma_start3A_21] : memref<10000x16xf32, #tpu.memory_space<vmem_shared>> -> memref<625x16xf32, #tpu.memory_space<vmem_shared>>
      %dma_start3A_23 = arith.constant 0 : i32
      %dma_start3A_24 = tpu.memref_slice %arg6[%mul3A_2, %dma_start3A_23] : memref<10000x16xf32, #tpu.memory_space<hbm>> -> memref<625x16xf32, #tpu.memory_space<hbm>>
      tpu.enqueue_dma source(%dma_start3A_24 : memref<625x16xf32, #tpu.memory_space<hbm>>) target(%dma_start3A_22 : memref<625x16xf32, #tpu.memory_space<vmem_shared>>) target_semaphore(%run_scoped3A : memref<!tpu.dma_semaphore, #tpu.memory_space<semaphore_mem>>)
      %dma_wait3A = arith.constant 0 : i32
      %dma_wait3A_25 = tpu.memref_slice %arg15[%mul3A_2, %dma_wait3A] : memref<10000x16xf32, #tpu.memory_space<vmem_shared>> -> memref<625x16xf32, #tpu.memory_space<vmem_shared>>
      %dma_wait3A_26 = arith.constant 0 : i32
      %dma_wait3A_27 = tpu.memref_slice %arg6[%mul3A_2, %dma_wait3A_26] : memref<10000x16xf32, #tpu.memory_space<hbm>> -> memref<625x16xf32, #tpu.memory_space<hbm>>
      tpu.wait_dma2 semaphore(%run_scoped3A : memref<!tpu.dma_semaphore, #tpu.memory_space<semaphore_mem>>) src(%dma_wait3A_27 : memref<625x16xf32, #tpu.memory_space<hbm>>) dst(%dma_wait3A_25 : memref<625x16xf32, #tpu.memory_space<vmem_shared>>)
      tpu.yield
    }) : () -> ()
    "tpu.region"() ({
      %run_scoped3A = tpu.sem_alloc : memref<!tpu.dma_semaphore, #tpu.memory_space<semaphore_mem>>
      %dma_start3A_21 = arith.constant 0 : i32
      %dma_start3A_22 = arith.constant 0 : i32
      %dma_start3A_23 = tpu.memref_slice %arg4[%add3A, %dma_start3A_21, %dma_start3A_22] : memref<32x50x100xi32, #tpu.memory_space<hbm>> -> memref<1x50x100xi32, #tpu.memory_space<hbm>>
      %dma_start3A_24 = tpu.memref_squeeze %dma_start3A_23 : memref<1x50x100xi32, #tpu.memory_space<hbm>> -> memref<50x100xi32, #tpu.memory_space<hbm>>
      %dma_start3A_25 = arith.constant 0 : i32
      %dma_start3A_26 = arith.constant 0 : i32
      %dma_start3A_27 = tpu.memref_slice %arg4[%add3A, %dma_start3A_25, %dma_start3A_26] : memref<32x50x100xi32, #tpu.memory_space<hbm>> -> memref<1x50x100xi32, #tpu.memory_space<hbm>>
      %dma_start3A_28 = tpu.memref_squeeze %dma_start3A_27 : memref<1x50x100xi32, #tpu.memory_space<hbm>> -> memref<50x100xi32, #tpu.memory_space<hbm>>
      tpu.enqueue_dma source(%dma_start3A_28 : memref<50x100xi32, #tpu.memory_space<hbm>>) target(%arg9 : memref<50x100xi32, #tpu.memory_space<vmem>>) target_semaphore(%run_scoped3A : memref<!tpu.dma_semaphore, #tpu.memory_space<semaphore_mem>>)
      %dma_wait3A = arith.constant 0 : i32
      %dma_wait3A_29 = arith.constant 0 : i32
      %dma_wait3A_30 = tpu.memref_slice %arg4[%add3A, %dma_wait3A, %dma_wait3A_29] : memref<32x50x100xi32, #tpu.memory_space<hbm>> -> memref<1x50x100xi32, #tpu.memory_space<hbm>>
      %dma_wait3A_31 = tpu.memref_squeeze %dma_wait3A_30 : memref<1x50x100xi32, #tpu.memory_space<hbm>> -> memref<50x100xi32, #tpu.memory_space<hbm>>
      %dma_wait3A_32 = arith.constant 0 : i32
      %dma_wait3A_33 = arith.constant 0 : i32
      %dma_wait3A_34 = tpu.memref_slice %arg4[%add3A, %dma_wait3A_32, %dma_wait3A_33] : memref<32x50x100xi32, #tpu.memory_space<hbm>> -> memref<1x50x100xi32, #tpu.memory_space<hbm>>
      %dma_wait3A_35 = tpu.memref_squeeze %dma_wait3A_34 : memref<1x50x100xi32, #tpu.memory_space<hbm>> -> memref<50x100xi32, #tpu.memory_space<hbm>>
      tpu.wait_dma2 semaphore(%run_scoped3A : memref<!tpu.dma_semaphore, #tpu.memory_space<semaphore_mem>>) src(%dma_wait3A_35 : memref<50x100xi32, #tpu.memory_space<hbm>>) dst(%arg9 : memref<50x100xi32, #tpu.memory_space<vmem>>)
      tpu.yield
    }) : () -> ()
    %barrier3A = arith.constant 0 : index
    tpu.barrier barrier_id(%barrier3A)
    %mul3A_3 = arith.constant 5000 : i32
    %mul3A_4 = arith.muli %add3A, %mul3A_3 : i32
    %add3A_5 = arith.constant 0 : i32
    %add3A_6 = arith.addi %mul3A_4, %add3A_5 : i32
    %dma_start3A = arith.constant 0 : i32
    %dma_start3A_7 = tpu.memref_slice %arg2[%add3A_6, %dma_start3A] : memref<160000x128xf32, #tpu.memory_space<hbm>> -> memref<100x128xf32, #tpu.memory_space<hbm>>
    %dma_start3A_8 = arith.constant 0 : i32
    %dma_start3A_9 = tpu.memref_slice %arg2[%add3A_6, %dma_start3A_8] : memref<160000x128xf32, #tpu.memory_space<hbm>> -> memref<100x128xf32, #tpu.memory_space<hbm>>
    tpu.enqueue_dma source(%dma_start3A_9 : memref<100x128xf32, #tpu.memory_space<hbm>>) target(%arg10 : memref<100x128xf32, #tpu.memory_space<vmem>>) target_semaphore(%arg16 : memref<!tpu.dma_semaphore, #tpu.memory_space<semaphore_mem>>)
    %add3A_10 = arith.constant 0 : i32
    %add3A_11 = arith.addi %mul3A_4, %add3A_10 : i32
    %dma_start3A_12 = arith.constant 0 : i32
    %dma_start3A_13 = tpu.memref_slice %arg3[%add3A_11, %dma_start3A_12] : memref<160000x16xf32, #tpu.memory_space<hbm>> -> memref<100x16xf32, #tpu.memory_space<hbm>>
    %dma_start3A_14 = arith.constant 0 : i32
    %dma_start3A_15 = tpu.memref_slice %arg3[%add3A_11, %dma_start3A_14] : memref<160000x16xf32, #tpu.memory_space<hbm>> -> memref<100x16xf32, #tpu.memory_space<hbm>>
    tpu.enqueue_dma source(%dma_start3A_15 : memref<100x16xf32, #tpu.memory_space<hbm>>) target(%arg12 : memref<100x16xf32, #tpu.memory_space<vmem>>) target_semaphore(%arg16 : memref<!tpu.dma_semaphore, #tpu.memory_space<semaphore_mem>>)
    %scan3A = arith.constant 0 : i32
    %scan3A_16 = arith.constant 25 : i32
    %scan3A_17 = arith.addi %scan3A, %scan3A_16 : i32
    %scan3A_18 = arith.constant 1 : i32
    scf.for %scan3A_21 = %scan3A to %scan3A_17 step %scan3A_18  : i32 {
      %mul3A_22 = arith.constant 2 : i32
      %mul3A_23 = arith.muli %mul3A_22, %scan3A_21 : i32
      %add3A_24 = arith.constant 1 : i32
      %add3A_25 = arith.addi %mul3A_23, %add3A_24 : i32
      %mul3A_26 = arith.constant 100 : i32
      %mul3A_27 = arith.muli %add3A_25, %mul3A_26 : i32
      %add3A_28 = arith.addi %mul3A_4, %mul3A_27 : i32
      %dma_start3A_29 = arith.constant 0 : i32
      %dma_start3A_30 = tpu.memref_slice %arg2[%add3A_28, %dma_start3A_29] : memref<160000x128xf32, #tpu.memory_space<hbm>> -> memref<100x128xf32, #tpu.memory_space<hbm>>
      %dma_start3A_31 = arith.constant 0 : i32
      %dma_start3A_32 = tpu.memref_slice %arg2[%add3A_28, %dma_start3A_31] : memref<160000x128xf32, #tpu.memory_space<hbm>> -> memref<100x128xf32, #tpu.memory_space<hbm>>
      tpu.enqueue_dma source(%dma_start3A_32 : memref<100x128xf32, #tpu.memory_space<hbm>>) target(%arg11 : memref<100x128xf32, #tpu.memory_space<vmem>>) target_semaphore(%arg17 : memref<!tpu.dma_semaphore, #tpu.memory_space<semaphore_mem>>)
      %mul3A_33 = arith.constant 100 : i32
      %mul3A_34 = arith.muli %add3A_25, %mul3A_33 : i32
      %add3A_35 = arith.addi %mul3A_4, %mul3A_34 : i32
      %dma_start3A_36 = arith.constant 0 : i32
      %dma_start3A_37 = tpu.memref_slice %arg3[%add3A_35, %dma_start3A_36] : memref<160000x16xf32, #tpu.memory_space<hbm>> -> memref<100x16xf32, #tpu.memory_space<hbm>>
      %dma_start3A_38 = arith.constant 0 : i32
      %dma_start3A_39 = tpu.memref_slice %arg3[%add3A_35, %dma_start3A_38] : memref<160000x16xf32, #tpu.memory_space<hbm>> -> memref<100x16xf32, #tpu.memory_space<hbm>>
      tpu.enqueue_dma source(%dma_start3A_39 : memref<100x16xf32, #tpu.memory_space<hbm>>) target(%arg13 : memref<100x16xf32, #tpu.memory_space<vmem>>) target_semaphore(%arg17 : memref<!tpu.dma_semaphore, #tpu.memory_space<semaphore_mem>>)
      %dma_wait3A = arith.constant 0 : i32
      %dma_wait3A_40 = arith.constant 0 : i32
      %dma_wait3A_41 = tpu.memref_slice %arg2[%dma_wait3A, %dma_wait3A_40] : memref<160000x128xf32, #tpu.memory_space<hbm>> -> memref<100x128xf32, #tpu.memory_space<hbm>>
      %dma_wait3A_42 = arith.constant 0 : i32
      %dma_wait3A_43 = arith.constant 0 : i32
      %dma_wait3A_44 = tpu.memref_slice %arg2[%dma_wait3A_42, %dma_wait3A_43] : memref<160000x128xf32, #tpu.memory_space<hbm>> -> memref<100x128xf32, #tpu.memory_space<hbm>>
      tpu.wait_dma2 semaphore(%arg16 : memref<!tpu.dma_semaphore, #tpu.memory_space<semaphore_mem>>) src(%dma_wait3A_44 : memref<100x128xf32, #tpu.memory_space<hbm>>) dst(%arg10 : memref<100x128xf32, #tpu.memory_space<vmem>>)
      %dma_wait3A_45 = arith.constant 0 : i32
      %dma_wait3A_46 = arith.constant 0 : i32
      %dma_wait3A_47 = tpu.memref_slice %arg3[%dma_wait3A_45, %dma_wait3A_46] : memref<160000x16xf32, #tpu.memory_space<hbm>> -> memref<100x16xf32, #tpu.memory_space<hbm>>
      %dma_wait3A_48 = arith.constant 0 : i32
      %dma_wait3A_49 = arith.constant 0 : i32
      %dma_wait3A_50 = tpu.memref_slice %arg3[%dma_wait3A_48, %dma_wait3A_49] : memref<160000x16xf32, #tpu.memory_space<hbm>> -> memref<100x16xf32, #tpu.memory_space<hbm>>
      tpu.wait_dma2 semaphore(%arg16 : memref<!tpu.dma_semaphore, #tpu.memory_space<semaphore_mem>>) src(%dma_wait3A_50 : memref<100x16xf32, #tpu.memory_space<hbm>>) dst(%arg12 : memref<100x16xf32, #tpu.memory_space<vmem>>)
      "tpu.region"() ({
        %run_scoped3A = tpu.sem_alloc : memref<!tpu.dma_semaphore, #tpu.memory_space<semaphore_mem>>
        %dma_start3A_69 = arith.constant 0 : i32
        %dma_start3A_70 = tpu.memref_slice %arg9[%mul3A_23, %dma_start3A_69] : memref<50x100xi32, #tpu.memory_space<vmem>> -> memref<1x100xi32, #tpu.memory_space<vmem>>
        %dma_start3A_71 = tpu.memref_squeeze %dma_start3A_70 : memref<1x100xi32, #tpu.memory_space<vmem>> -> memref<100xi32, #tpu.memory_space<vmem>>
        %dma_start3A_72 = arith.constant 0 : i32
        %dma_start3A_73 = arith.constant 0 : i32
        %dma_start3A_74 = tpu.memref_slice %arg14[%dma_start3A_72, %dma_start3A_73] : memref<10000x128xf32, #tpu.memory_space<vmem_shared>> -> memref<10000x128xf32, #tpu.memory_space<vmem_shared>>
        tpu.enqueue_indirect_dma source(%arg10 : memref<100x128xf32, #tpu.memory_space<vmem>>) target(%dma_start3A_74 : memref<10000x128xf32, #tpu.memory_space<vmem_shared>>) offsets(%dma_start3A_71 : memref<100xi32, #tpu.memory_space<vmem>>) semaphore(%run_scoped3A : memref<!tpu.dma_semaphore, #tpu.memory_space<semaphore_mem>>) {add = true}
        %dma_wait3A_75 = arith.constant 0 : i32
        %dma_wait3A_76 = tpu.memref_slice %arg9[%mul3A_23, %dma_wait3A_75] : memref<50x100xi32, #tpu.memory_space<vmem>> -> memref<1x100xi32, #tpu.memory_space<vmem>>
        %dma_wait3A_77 = tpu.memref_squeeze %dma_wait3A_76 : memref<1x100xi32, #tpu.memory_space<vmem>> -> memref<100xi32, #tpu.memory_space<vmem>>
        %dma_wait3A_78 = arith.constant 0 : i32
        %dma_wait3A_79 = arith.constant 0 : i32
        %dma_wait3A_80 = tpu.memref_slice %arg14[%dma_wait3A_78, %dma_wait3A_79] : memref<10000x128xf32, #tpu.memory_space<vmem_shared>> -> memref<10000x128xf32, #tpu.memory_space<vmem_shared>>
        tpu.wait_indirect_dma semaphore(%run_scoped3A : memref<!tpu.dma_semaphore, #tpu.memory_space<semaphore_mem>>) src(%arg10 : memref<100x128xf32, #tpu.memory_space<vmem>>) dst(%dma_wait3A_80 : memref<10000x128xf32, #tpu.memory_space<vmem_shared>>)
        tpu.yield
      }) : () -> ()
      "tpu.region"() ({
        %run_scoped3A = tpu.sem_alloc : memref<!tpu.dma_semaphore, #tpu.memory_space<semaphore_mem>>
        %dma_start3A_69 = arith.constant 0 : i32
        %dma_start3A_70 = tpu.memref_slice %arg9[%mul3A_23, %dma_start3A_69] : memref<50x100xi32, #tpu.memory_space<vmem>> -> memref<1x100xi32, #tpu.memory_space<vmem>>
        %dma_start3A_71 = tpu.memref_squeeze %dma_start3A_70 : memref<1x100xi32, #tpu.memory_space<vmem>> -> memref<100xi32, #tpu.memory_space<vmem>>
        %dma_start3A_72 = arith.constant 0 : i32
        %dma_start3A_73 = arith.constant 0 : i32
        %dma_start3A_74 = tpu.memref_slice %arg15[%dma_start3A_72, %dma_start3A_73] : memref<10000x16xf32, #tpu.memory_space<vmem_shared>> -> memref<10000x16xf32, #tpu.memory_space<vmem_shared>>
        tpu.enqueue_indirect_dma source(%arg12 : memref<100x16xf32, #tpu.memory_space<vmem>>) target(%dma_start3A_74 : memref<10000x16xf32, #tpu.memory_space<vmem_shared>>) offsets(%dma_start3A_71 : memref<100xi32, #tpu.memory_space<vmem>>) semaphore(%run_scoped3A : memref<!tpu.dma_semaphore, #tpu.memory_space<semaphore_mem>>) {add = true}
        %dma_wait3A_75 = arith.constant 0 : i32
        %dma_wait3A_76 = tpu.memref_slice %arg9[%mul3A_23, %dma_wait3A_75] : memref<50x100xi32, #tpu.memory_space<vmem>> -> memref<1x100xi32, #tpu.memory_space<vmem>>
        %dma_wait3A_77 = tpu.memref_squeeze %dma_wait3A_76 : memref<1x100xi32, #tpu.memory_space<vmem>> -> memref<100xi32, #tpu.memory_space<vmem>>
        %dma_wait3A_78 = arith.constant 0 : i32
        %dma_wait3A_79 = arith.constant 0 : i32
        %dma_wait3A_80 = tpu.memref_slice %arg15[%dma_wait3A_78, %dma_wait3A_79] : memref<10000x16xf32, #tpu.memory_space<vmem_shared>> -> memref<10000x16xf32, #tpu.memory_space<vmem_shared>>
        tpu.wait_indirect_dma semaphore(%run_scoped3A : memref<!tpu.dma_semaphore, #tpu.memory_space<semaphore_mem>>) src(%arg12 : memref<100x16xf32, #tpu.memory_space<vmem>>) dst(%dma_wait3A_80 : memref<10000x16xf32, #tpu.memory_space<vmem_shared>>)
        tpu.yield
      }) : () -> ()
      %lt3A = arith.constant 24 : i32
      %lt3A_51 = arith.cmpi slt, %scan3A_21, %lt3A : i32
      %convert_element_type3A = arith.extui %lt3A_51 : i1 to i32
      %cond3A = arith.constant 0 : i32
      %cond3A_52 = arith.cmpi ne, %convert_element_type3A, %cond3A : i32
      scf.if %cond3A_52 {
        %add3A_69 = arith.constant 2 : i32
        %add3A_70 = arith.addi %mul3A_23, %add3A_69 : i32
        %mul3A_71 = arith.constant 100 : i32
        %mul3A_72 = arith.muli %add3A_70, %mul3A_71 : i32
        %add3A_73 = arith.addi %mul3A_4, %mul3A_72 : i32
        %dma_start3A_74 = arith.constant 0 : i32
        %dma_start3A_75 = tpu.memref_slice %arg2[%add3A_73, %dma_start3A_74] : memref<160000x128xf32, #tpu.memory_space<hbm>> -> memref<100x128xf32, #tpu.memory_space<hbm>>
        %dma_start3A_76 = arith.constant 0 : i32
        %dma_start3A_77 = tpu.memref_slice %arg2[%add3A_73, %dma_start3A_76] : memref<160000x128xf32, #tpu.memory_space<hbm>> -> memref<100x128xf32, #tpu.memory_space<hbm>>
        tpu.enqueue_dma source(%dma_start3A_77 : memref<100x128xf32, #tpu.memory_space<hbm>>) target(%arg10 : memref<100x128xf32, #tpu.memory_space<vmem>>) target_semaphore(%arg16 : memref<!tpu.dma_semaphore, #tpu.memory_space<semaphore_mem>>)
        %mul3A_78 = arith.constant 100 : i32
        %mul3A_79 = arith.muli %add3A_70, %mul3A_78 : i32
        %add3A_80 = arith.addi %mul3A_4, %mul3A_79 : i32
        %dma_start3A_81 = arith.constant 0 : i32
        %dma_start3A_82 = tpu.memref_slice %arg3[%add3A_80, %dma_start3A_81] : memref<160000x16xf32, #tpu.memory_space<hbm>> -> memref<100x16xf32, #tpu.memory_space<hbm>>
        %dma_start3A_83 = arith.constant 0 : i32
        %dma_start3A_84 = tpu.memref_slice %arg3[%add3A_80, %dma_start3A_83] : memref<160000x16xf32, #tpu.memory_space<hbm>> -> memref<100x16xf32, #tpu.memory_space<hbm>>
        tpu.enqueue_dma source(%dma_start3A_84 : memref<100x16xf32, #tpu.memory_space<hbm>>) target(%arg12 : memref<100x16xf32, #tpu.memory_space<vmem>>) target_semaphore(%arg16 : memref<!tpu.dma_semaphore, #tpu.memory_space<semaphore_mem>>)
      } else {
      }
      %dma_wait3A_53 = arith.constant 0 : i32
      %dma_wait3A_54 = arith.constant 0 : i32
      %dma_wait3A_55 = tpu.memref_slice %arg2[%dma_wait3A_53, %dma_wait3A_54] : memref<160000x128xf32, #tpu.memory_space<hbm>> -> memref<100x128xf32, #tpu.memory_space<hbm>>
      %dma_wait3A_56 = arith.constant 0 : i32
      %dma_wait3A_57 = arith.constant 0 : i32
      %dma_wait3A_58 = tpu.memref_slice %arg2[%dma_wait3A_56, %dma_wait3A_57] : memref<160000x128xf32, #tpu.memory_space<hbm>> -> memref<100x128xf32, #tpu.memory_space<hbm>>
      tpu.wait_dma2 semaphore(%arg17 : memref<!tpu.dma_semaphore, #tpu.memory_space<semaphore_mem>>) src(%dma_wait3A_58 : memref<100x128xf32, #tpu.memory_space<hbm>>) dst(%arg11 : memref<100x128xf32, #tpu.memory_space<vmem>>)
      %dma_wait3A_59 = arith.constant 0 : i32
      %dma_wait3A_60 = arith.constant 0 : i32
      %dma_wait3A_61 = tpu.memref_slice %arg3[%dma_wait3A_59, %dma_wait3A_60] : memref<160000x16xf32, #tpu.memory_space<hbm>> -> memref<100x16xf32, #tpu.memory_space<hbm>>
      %dma_wait3A_62 = arith.constant 0 : i32
      %dma_wait3A_63 = arith.constant 0 : i32
      %dma_wait3A_64 = tpu.memref_slice %arg3[%dma_wait3A_62, %dma_wait3A_63] : memref<160000x16xf32, #tpu.memory_space<hbm>> -> memref<100x16xf32, #tpu.memory_space<hbm>>
      tpu.wait_dma2 semaphore(%arg17 : memref<!tpu.dma_semaphore, #tpu.memory_space<semaphore_mem>>) src(%dma_wait3A_64 : memref<100x16xf32, #tpu.memory_space<hbm>>) dst(%arg13 : memref<100x16xf32, #tpu.memory_space<vmem>>)
      %add3A_65 = arith.constant 1 : i32
      %add3A_66 = arith.addi %mul3A_23, %add3A_65 : i32
      "tpu.region"() ({
        %run_scoped3A = tpu.sem_alloc : memref<!tpu.dma_semaphore, #tpu.memory_space<semaphore_mem>>
        %dma_start3A_69 = arith.constant 0 : i32
        %dma_start3A_70 = tpu.memref_slice %arg9[%add3A_66, %dma_start3A_69] : memref<50x100xi32, #tpu.memory_space<vmem>> -> memref<1x100xi32, #tpu.memory_space<vmem>>
        %dma_start3A_71 = tpu.memref_squeeze %dma_start3A_70 : memref<1x100xi32, #tpu.memory_space<vmem>> -> memref<100xi32, #tpu.memory_space<vmem>>
        %dma_start3A_72 = arith.constant 0 : i32
        %dma_start3A_73 = arith.constant 0 : i32
        %dma_start3A_74 = tpu.memref_slice %arg14[%dma_start3A_72, %dma_start3A_73] : memref<10000x128xf32, #tpu.memory_space<vmem_shared>> -> memref<10000x128xf32, #tpu.memory_space<vmem_shared>>
        tpu.enqueue_indirect_dma source(%arg11 : memref<100x128xf32, #tpu.memory_space<vmem>>) target(%dma_start3A_74 : memref<10000x128xf32, #tpu.memory_space<vmem_shared>>) offsets(%dma_start3A_71 : memref<100xi32, #tpu.memory_space<vmem>>) semaphore(%run_scoped3A : memref<!tpu.dma_semaphore, #tpu.memory_space<semaphore_mem>>) {add = true}
        %dma_wait3A_75 = arith.constant 0 : i32
        %dma_wait3A_76 = tpu.memref_slice %arg9[%add3A_66, %dma_wait3A_75] : memref<50x100xi32, #tpu.memory_space<vmem>> -> memref<1x100xi32, #tpu.memory_space<vmem>>
        %dma_wait3A_77 = tpu.memref_squeeze %dma_wait3A_76 : memref<1x100xi32, #tpu.memory_space<vmem>> -> memref<100xi32, #tpu.memory_space<vmem>>
        %dma_wait3A_78 = arith.constant 0 : i32
        %dma_wait3A_79 = arith.constant 0 : i32
        %dma_wait3A_80 = tpu.memref_slice %arg14[%dma_wait3A_78, %dma_wait3A_79] : memref<10000x128xf32, #tpu.memory_space<vmem_shared>> -> memref<10000x128xf32, #tpu.memory_space<vmem_shared>>
        tpu.wait_indirect_dma semaphore(%run_scoped3A : memref<!tpu.dma_semaphore, #tpu.memory_space<semaphore_mem>>) src(%arg11 : memref<100x128xf32, #tpu.memory_space<vmem>>) dst(%dma_wait3A_80 : memref<10000x128xf32, #tpu.memory_space<vmem_shared>>)
        tpu.yield
      }) : () -> ()
      %add3A_67 = arith.constant 1 : i32
      %add3A_68 = arith.addi %mul3A_23, %add3A_67 : i32
      "tpu.region"() ({
        %run_scoped3A = tpu.sem_alloc : memref<!tpu.dma_semaphore, #tpu.memory_space<semaphore_mem>>
        %dma_start3A_69 = arith.constant 0 : i32
        %dma_start3A_70 = tpu.memref_slice %arg9[%add3A_68, %dma_start3A_69] : memref<50x100xi32, #tpu.memory_space<vmem>> -> memref<1x100xi32, #tpu.memory_space<vmem>>
        %dma_start3A_71 = tpu.memref_squeeze %dma_start3A_70 : memref<1x100xi32, #tpu.memory_space<vmem>> -> memref<100xi32, #tpu.memory_space<vmem>>
        %dma_start3A_72 = arith.constant 0 : i32
        %dma_start3A_73 = arith.constant 0 : i32
        %dma_start3A_74 = tpu.memref_slice %arg15[%dma_start3A_72, %dma_start3A_73] : memref<10000x16xf32, #tpu.memory_space<vmem_shared>> -> memref<10000x16xf32, #tpu.memory_space<vmem_shared>>
        tpu.enqueue_indirect_dma source(%arg13 : memref<100x16xf32, #tpu.memory_space<vmem>>) target(%dma_start3A_74 : memref<10000x16xf32, #tpu.memory_space<vmem_shared>>) offsets(%dma_start3A_71 : memref<100xi32, #tpu.memory_space<vmem>>) semaphore(%run_scoped3A : memref<!tpu.dma_semaphore, #tpu.memory_space<semaphore_mem>>) {add = true}
        %dma_wait3A_75 = arith.constant 0 : i32
        %dma_wait3A_76 = tpu.memref_slice %arg9[%add3A_68, %dma_wait3A_75] : memref<50x100xi32, #tpu.memory_space<vmem>> -> memref<1x100xi32, #tpu.memory_space<vmem>>
        %dma_wait3A_77 = tpu.memref_squeeze %dma_wait3A_76 : memref<1x100xi32, #tpu.memory_space<vmem>> -> memref<100xi32, #tpu.memory_space<vmem>>
        %dma_wait3A_78 = arith.constant 0 : i32
        %dma_wait3A_79 = arith.constant 0 : i32
        %dma_wait3A_80 = tpu.memref_slice %arg15[%dma_wait3A_78, %dma_wait3A_79] : memref<10000x16xf32, #tpu.memory_space<vmem_shared>> -> memref<10000x16xf32, #tpu.memory_space<vmem_shared>>
        tpu.wait_indirect_dma semaphore(%run_scoped3A : memref<!tpu.dma_semaphore, #tpu.memory_space<semaphore_mem>>) src(%arg13 : memref<100x16xf32, #tpu.memory_space<vmem>>) dst(%dma_wait3A_80 : memref<10000x16xf32, #tpu.memory_space<vmem_shared>>)
        tpu.yield
      }) : () -> ()
    }
    %scan3A_19 = arith.constant 25 : i32
    %barrier3A_20 = arith.constant 0 : index
    tpu.barrier barrier_id(%barrier3A_20)
    "tpu.region"() ({
      %run_scoped3A = tpu.sem_alloc : memref<!tpu.dma_semaphore, #tpu.memory_space<semaphore_mem>>
      %dma_start3A_21 = arith.constant 0 : i32
      %dma_start3A_22 = tpu.memref_slice %arg7[%arg0, %mul3A_2, %dma_start3A_21] : memref<2x10000x128xf32, #tpu.memory_space<hbm>> -> memref<1x625x128xf32, #tpu.memory_space<hbm>>
      %dma_start3A_23 = tpu.memref_squeeze %dma_start3A_22 : memref<1x625x128xf32, #tpu.memory_space<hbm>> -> memref<625x128xf32, #tpu.memory_space<hbm>>
      %dma_start3A_24 = arith.constant 0 : i32
      %dma_start3A_25 = tpu.memref_slice %arg14[%mul3A_2, %dma_start3A_24] : memref<10000x128xf32, #tpu.memory_space<vmem_shared>> -> memref<625x128xf32, #tpu.memory_space<vmem_shared>>
      tpu.enqueue_dma source(%dma_start3A_25 : memref<625x128xf32, #tpu.memory_space<vmem_shared>>) target(%dma_start3A_23 : memref<625x128xf32, #tpu.memory_space<hbm>>) target_semaphore(%run_scoped3A : memref<!tpu.dma_semaphore, #tpu.memory_space<semaphore_mem>>)
      %dma_wait3A = arith.constant 0 : i32
      %dma_wait3A_26 = tpu.memref_slice %arg7[%arg0, %mul3A_2, %dma_wait3A] : memref<2x10000x128xf32, #tpu.memory_space<hbm>> -> memref<1x625x128xf32, #tpu.memory_space<hbm>>
      %dma_wait3A_27 = tpu.memref_squeeze %dma_wait3A_26 : memref<1x625x128xf32, #tpu.memory_space<hbm>> -> memref<625x128xf32, #tpu.memory_space<hbm>>
      %dma_wait3A_28 = arith.constant 0 : i32
      %dma_wait3A_29 = tpu.memref_slice %arg14[%mul3A_2, %dma_wait3A_28] : memref<10000x128xf32, #tpu.memory_space<vmem_shared>> -> memref<625x128xf32, #tpu.memory_space<vmem_shared>>
      tpu.wait_dma2 semaphore(%run_scoped3A : memref<!tpu.dma_semaphore, #tpu.memory_space<semaphore_mem>>) src(%dma_wait3A_29 : memref<625x128xf32, #tpu.memory_space<vmem_shared>>) dst(%dma_wait3A_27 : memref<625x128xf32, #tpu.memory_space<hbm>>)
      tpu.yield
    }) : () -> ()
    "tpu.region"() ({
      %run_scoped3A = tpu.sem_alloc : memref<!tpu.dma_semaphore, #tpu.memory_space<semaphore_mem>>
      %dma_start3A_21 = arith.constant 0 : i32
      %dma_start3A_22 = tpu.memref_slice %arg8[%arg0, %mul3A_2, %dma_start3A_21] : memref<2x10000x16xf32, #tpu.memory_space<hbm>> -> memref<1x625x16xf32, #tpu.memory_space<hbm>>
      %dma_start3A_23 = tpu.memref_squeeze %dma_start3A_22 : memref<1x625x16xf32, #tpu.memory_space<hbm>> -> memref<625x16xf32, #tpu.memory_space<hbm>>
      %dma_start3A_24 = arith.constant 0 : i32
      %dma_start3A_25 = tpu.memref_slice %arg15[%mul3A_2, %dma_start3A_24] : memref<10000x16xf32, #tpu.memory_space<vmem_shared>> -> memref<625x16xf32, #tpu.memory_space<vmem_shared>>
      tpu.enqueue_dma source(%dma_start3A_25 : memref<625x16xf32, #tpu.memory_space<vmem_shared>>) target(%dma_start3A_23 : memref<625x16xf32, #tpu.memory_space<hbm>>) target_semaphore(%run_scoped3A : memref<!tpu.dma_semaphore, #tpu.memory_space<semaphore_mem>>)
      %dma_wait3A = arith.constant 0 : i32
      %dma_wait3A_26 = tpu.memref_slice %arg8[%arg0, %mul3A_2, %dma_wait3A] : memref<2x10000x16xf32, #tpu.memory_space<hbm>> -> memref<1x625x16xf32, #tpu.memory_space<hbm>>
      %dma_wait3A_27 = tpu.memref_squeeze %dma_wait3A_26 : memref<1x625x16xf32, #tpu.memory_space<hbm>> -> memref<625x16xf32, #tpu.memory_space<hbm>>
      %dma_wait3A_28 = arith.constant 0 : i32
      %dma_wait3A_29 = tpu.memref_slice %arg15[%mul3A_2, %dma_wait3A_28] : memref<10000x16xf32, #tpu.memory_space<vmem_shared>> -> memref<625x16xf32, #tpu.memory_space<vmem_shared>>
      tpu.wait_dma2 semaphore(%run_scoped3A : memref<!tpu.dma_semaphore, #tpu.memory_space<semaphore_mem>>) src(%dma_wait3A_29 : memref<625x16xf32, #tpu.memory_space<vmem_shared>>) dst(%dma_wait3A_27 : memref<625x16xf32, #tpu.memory_space<hbm>>)
      tpu.yield
    }) : () -> ()
    return
  }
}

module attributes {stable_mosaic.version = 14 : i64} {
  func.func @_s1_body(%arg0: i32, %arg1: memref<2000x1xf32, #tpu.memory_space<vmem>>, %arg2: memref<2000x1xi32, #tpu.memory_space<vmem>>, %arg3: memref<2000x16xf32, #tpu.memory_space<vmem>>, %arg4: memref<32x128xf32, #tpu.memory_space<vmem>>, %arg5: memref<128x128xf32, #tpu.memory_space<vmem>>, %arg6: memref<1x128xf32, #tpu.memory_space<vmem>>, %arg7: memref<128x128xf32, #tpu.memory_space<vmem>>, %arg8: memref<1x128xf32, #tpu.memory_space<vmem>>, %arg9: memref<128x128xf32, #tpu.memory_space<vmem>>, %arg10: memref<128x128xf32, #tpu.memory_space<vmem>>, %arg11: memref<2000x128xf32, #tpu.memory_space<vmem>>, %arg12: memref<2000x128xf32, #tpu.memory_space<vmem>>, %arg13: memref<2000x144xf32, #tpu.memory_space<vmem>>, %arg14: memref<2000x144xf32, #tpu.memory_space<vmem>>) attributes {dimension_semantics = [#tpu.dimension_semantics<arbitrary>], iteration_bounds = array<i64: 5>, scalar_prefetch = 0 : i64, scratch_operands = 0 : i64, tpu.core_type = #tpu.core_type<tc>, window_params = [{transform_indices = @transform_0, window_bounds = array<i64: 2000, 1>}, {transform_indices = @transform_1, window_bounds = array<i64: 2000, 1>}, {transform_indices = @transform_2, window_bounds = array<i64: 2000, 16>}, {pipeline_mode = #tpu.pipeline_mode<synchronous>, transform_indices = @transform_3, window_bounds = array<i64: 32, 128>}, {pipeline_mode = #tpu.pipeline_mode<synchronous>, transform_indices = @transform_4, window_bounds = array<i64: 128, 128>}, {pipeline_mode = #tpu.pipeline_mode<synchronous>, transform_indices = @transform_5, window_bounds = array<i64: 1, 128>}, {pipeline_mode = #tpu.pipeline_mode<synchronous>, transform_indices = @transform_6, window_bounds = array<i64: 128, 128>}, {pipeline_mode = #tpu.pipeline_mode<synchronous>, transform_indices = @transform_7, window_bounds = array<i64: 1, 128>}, {pipeline_mode = #tpu.pipeline_mode<synchronous>, transform_indices = @transform_8, window_bounds = array<i64: 128, 128>}, {pipeline_mode = #tpu.pipeline_mode<synchronous>, transform_indices = @transform_9, window_bounds = array<i64: 128, 128>}, {transform_indices = @transform_10, window_bounds = array<i64: 2000, 128>}, {transform_indices = @transform_11, window_bounds = array<i64: 2000, 128>}, {transform_indices = @transform_12, window_bounds = array<i64: 2000, 144>}, {transform_indices = @transform_13, window_bounds = array<i64: 2000, 144>}]} {
    %get3A = arith.constant 0 : index
    %get3A_0 = arith.constant 0 : index
    %get3A_1 = vector.load %arg1[%get3A, %get3A_0] : memref<2000x1xf32, #tpu.memory_space<vmem>>, vector<2000x1xf32>
    %iota3A = tpu.iota {dimensions = array<i32: 1>} : vector<2000x128xi32>
    %convert_element_type3A = arith.sitofp %iota3A : vector<2000x128xi32> to vector<2000x128xf32>
    %mul3A = arith.constant 0.00787401571 : f32
    %mul3A_2 = vector.broadcast %mul3A : f32 to vector<2000x128xf32>
    %mul3A_3 = arith.mulf %convert_element_type3A, %mul3A_2 : vector<2000x128xf32>
    %sub3A = vector.broadcast %get3A_1 : vector<2000x1xf32> to vector<2000x128xf32>
    %sub3A_4 = arith.subf %sub3A, %mul3A_3 : vector<2000x128xf32>
    %add3A = arith.constant 9.99999997E-7 : f32
    %add3A_5 = vector.broadcast %add3A : f32 to vector<2000x128xf32>
    %add3A_6 = arith.addf %sub3A_4, %add3A_5 : vector<2000x128xf32>
    %mul3A_7 = arith.constant -8.064500e+03 : f32
    %mul3A_8 = vector.broadcast %mul3A_7 : f32 to vector<2000x128xf32>
    %mul3A_9 = arith.mulf %mul3A_8, %add3A_6 : vector<2000x128xf32>
    %mul3A_10 = arith.mulf %mul3A_9, %add3A_6 : vector<2000x128xf32>
    %exp3A = math.exp %mul3A_10 : vector<2000x128xf32>
    %get3A_11 = arith.constant 0 : index
    %get3A_12 = arith.constant 0 : index
    %get3A_13 = vector.load %arg5[%get3A_11, %get3A_12] : memref<128x128xf32, #tpu.memory_space<vmem>>, vector<128x128xf32>
    %dot_general3A = arith.constant dense<0.000000e+00> : vector<2000x128xf32>
    %dot_general3A_14 = tpu.matmul %exp3A, %get3A_13, %dot_general3A {dimension_numbers = #tpu.dot_dimension_numbers<[1], [0], [0], [1], [0, 0, 1, 1], [], []>, transpose_lhs_hint = false} : vector<2000x128xf32>, vector<128x128xf32>, vector<2000x128xf32> -> vector<2000x128xf32>
    %get3A_15 = arith.constant 0 : index
    %get3A_16 = arith.constant 0 : index
    %get3A_17 = vector.load %arg6[%get3A_15, %get3A_16] : memref<1x128xf32, #tpu.memory_space<vmem>>, vector<1x128xf32>
    %add3A_18 = vector.broadcast %get3A_17 : vector<1x128xf32> to vector<2000x128xf32>
    %add3A_19 = arith.addf %dot_general3A_14, %add3A_18 : vector<2000x128xf32>
    %max3A = arith.constant 0.000000e+00 : f32
    %max3A_20 = vector.broadcast %max3A : f32 to vector<2000x128xf32>
    %max3A_21 = arith.maximumf %add3A_19, %max3A_20 : vector<2000x128xf32>
    %get3A_22 = arith.constant 0 : index
    %get3A_23 = arith.constant 0 : index
    %get3A_24 = vector.load %arg7[%get3A_22, %get3A_23] : memref<128x128xf32, #tpu.memory_space<vmem>>, vector<128x128xf32>
    %dot_general3A_25 = arith.constant dense<0.000000e+00> : vector<2000x128xf32>
    %dot_general3A_26 = tpu.matmul %max3A_21, %get3A_24, %dot_general3A_25 {dimension_numbers = #tpu.dot_dimension_numbers<[1], [0], [0], [1], [0, 0, 1, 1], [], []>, transpose_lhs_hint = false} : vector<2000x128xf32>, vector<128x128xf32>, vector<2000x128xf32> -> vector<2000x128xf32>
    %get3A_27 = arith.constant 0 : index
    %get3A_28 = arith.constant 0 : index
    %get3A_29 = vector.load %arg8[%get3A_27, %get3A_28] : memref<1x128xf32, #tpu.memory_space<vmem>>, vector<1x128xf32>
    %add3A_30 = vector.broadcast %get3A_29 : vector<1x128xf32> to vector<2000x128xf32>
    %add3A_31 = arith.addf %dot_general3A_26, %add3A_30 : vector<2000x128xf32>
    %iota3A_32 = tpu.iota {dimensions = array<i32: 1>} : vector<2000x32xi32>
    %get3A_33 = arith.constant 0 : index
    %get3A_34 = arith.constant 0 : index
    %get3A_35 = vector.load %arg2[%get3A_33, %get3A_34] : memref<2000x1xi32, #tpu.memory_space<vmem>>, vector<2000x1xi32>
    %eq3A = vector.broadcast %get3A_35 : vector<2000x1xi32> to vector<2000x32xi32>
    %eq3A_36 = arith.cmpi eq, %eq3A, %iota3A_32 : vector<2000x32xi32>
    %convert_element_type3A_37 = arith.extui %eq3A_36 : vector<2000x32xi1> to vector<2000x32xi32>
    %convert_element_type3A_38 = arith.sitofp %convert_element_type3A_37 : vector<2000x32xi32> to vector<2000x32xf32>
    %get3A_39 = arith.constant 0 : index
    %get3A_40 = arith.constant 0 : index
    %get3A_41 = vector.load %arg4[%get3A_39, %get3A_40] : memref<32x128xf32, #tpu.memory_space<vmem>>, vector<32x128xf32>
    %dot_general3A_42 = arith.constant dense<0.000000e+00> : vector<2000x128xf32>
    %dot_general3A_43 = tpu.matmul %convert_element_type3A_38, %get3A_41, %dot_general3A_42 {dimension_numbers = #tpu.dot_dimension_numbers<[1], [0], [0], [1], [0, 0, 1, 1], [], []>, transpose_lhs_hint = false} : vector<2000x32xf32>, vector<32x128xf32>, vector<2000x128xf32> -> vector<2000x128xf32>
    %add3A_44 = arith.addf %dot_general3A_43, %add3A_31 : vector<2000x128xf32>
    %swap3A = arith.constant 0 : index
    %swap3A_45 = arith.constant 0 : index
    %swap3A_46 = vector.load %arg11[%swap3A, %swap3A_45] : memref<2000x128xf32, #tpu.memory_space<vmem>>, vector<2000x128xf32>
    tpu.vector_store %arg11[%swap3A, %swap3A_45], %add3A_44 {strides = array<i32>} : memref<2000x128xf32, #tpu.memory_space<vmem>>, vector<2000x128xf32>,
    %swap3A_47 = arith.constant 0 : index
    %swap3A_48 = arith.constant 0 : index
    %swap3A_49 = vector.load %arg12[%swap3A_47, %swap3A_48] : memref<2000x128xf32, #tpu.memory_space<vmem>>, vector<2000x128xf32>
    tpu.vector_store %arg12[%swap3A_47, %swap3A_48], %dot_general3A_43 {strides = array<i32>} : memref<2000x128xf32, #tpu.memory_space<vmem>>, vector<2000x128xf32>,
    %get3A_50 = arith.constant 0 : index
    %get3A_51 = arith.constant 0 : index
    %get3A_52 = vector.load %arg3[%get3A_50, %get3A_51] : memref<2000x16xf32, #tpu.memory_space<vmem>>, vector<2000x16xf32>
    %get3A_53 = arith.constant 0 : index
    %get3A_54 = arith.constant 0 : index
    %get3A_55 = vector.load %arg9[%get3A_53, %get3A_54] : memref<128x128xf32, #tpu.memory_space<vmem>>, vector<128x128xf32>
    %dot_general3A_56 = arith.constant dense<0.000000e+00> : vector<2000x128xf32>
    %dot_general3A_57 = tpu.matmul %add3A_44, %get3A_55, %dot_general3A_56 {dimension_numbers = #tpu.dot_dimension_numbers<[1], [0], [0], [1], [0, 0, 1, 1], [], []>, transpose_lhs_hint = false} : vector<2000x128xf32>, vector<128x128xf32>, vector<2000x128xf32> -> vector<2000x128xf32>
    %concatenate3A = tpu.concatenate %dot_general3A_57, %get3A_52 in 1 : vector<2000x128xf32>, vector<2000x16xf32> -> vector<2000x144xf32>
    %swap3A_58 = arith.constant 0 : index
    %swap3A_59 = arith.constant 0 : index
    %swap3A_60 = vector.load %arg13[%swap3A_58, %swap3A_59] : memref<2000x144xf32, #tpu.memory_space<vmem>>, vector<2000x144xf32>
    tpu.vector_store %arg13[%swap3A_58, %swap3A_59], %concatenate3A {strides = array<i32>} : memref<2000x144xf32, #tpu.memory_space<vmem>>, vector<2000x144xf32>,
    %get3A_61 = arith.constant 0 : index
    %get3A_62 = arith.constant 0 : index
    %get3A_63 = vector.load %arg10[%get3A_61, %get3A_62] : memref<128x128xf32, #tpu.memory_space<vmem>>, vector<128x128xf32>
    %dot_general3A_64 = arith.constant dense<0.000000e+00> : vector<2000x128xf32>
    %dot_general3A_65 = tpu.matmul %add3A_44, %get3A_63, %dot_general3A_64 {dimension_numbers = #tpu.dot_dimension_numbers<[1], [0], [0], [1], [0, 0, 1, 1], [], []>, transpose_lhs_hint = false} : vector<2000x128xf32>, vector<128x128xf32>, vector<2000x128xf32> -> vector<2000x128xf32>
    %neg3A = arith.constant 0.000000e+00 : f32
    %neg3A_66 = vector.broadcast %neg3A : f32 to vector<2000x16xf32>
    %neg3A_67 = arith.subf %neg3A_66, %get3A_52 : vector<2000x16xf32>
    %concatenate3A_68 = tpu.concatenate %dot_general3A_65, %neg3A_67 in 1 : vector<2000x128xf32>, vector<2000x16xf32> -> vector<2000x144xf32>
    %swap3A_69 = arith.constant 0 : index
    %swap3A_70 = arith.constant 0 : index
    %swap3A_71 = vector.load %arg14[%swap3A_69, %swap3A_70] : memref<2000x144xf32, #tpu.memory_space<vmem>>, vector<2000x144xf32>
    tpu.vector_store %arg14[%swap3A_69, %swap3A_70], %concatenate3A_68 {strides = array<i32>} : memref<2000x144xf32, #tpu.memory_space<vmem>>, vector<2000x144xf32>,
    return
  }
  func.func @transform_0(%arg0: i32) -> (i32, i32) {
    %c0_i32 = arith.constant 0 : i32
    %c0_i32_0 = arith.constant 0 : i32
    return %arg0, %c0_i32 : i32, i32
  }
  func.func @transform_1(%arg0: i32) -> (i32, i32) {
    %c0_i32 = arith.constant 0 : i32
    %c0_i32_0 = arith.constant 0 : i32
    return %arg0, %c0_i32 : i32, i32
  }
  func.func @transform_2(%arg0: i32) -> (i32, i32) {
    %c0_i32 = arith.constant 0 : i32
    %c0_i32_0 = arith.constant 0 : i32
    return %arg0, %c0_i32 : i32, i32
  }
  func.func @transform_3(%arg0: i32) -> (i32, i32) {
    %c0_i32 = arith.constant 0 : i32
    %c0_i32_0 = arith.constant 0 : i32
    %c0_i32_1 = arith.constant 0 : i32
    return %c0_i32, %c0_i32_0 : i32, i32
  }
  func.func @transform_4(%arg0: i32) -> (i32, i32) {
    %c0_i32 = arith.constant 0 : i32
    %c0_i32_0 = arith.constant 0 : i32
    %c0_i32_1 = arith.constant 0 : i32
    return %c0_i32, %c0_i32_0 : i32, i32
  }
  func.func @transform_5(%arg0: i32) -> (i32, i32) {
    %c0_i32 = arith.constant 0 : i32
    %c0_i32_0 = arith.constant 0 : i32
    %c0_i32_1 = arith.constant 0 : i32
    return %c0_i32, %c0_i32_0 : i32, i32
  }
  func.func @transform_6(%arg0: i32) -> (i32, i32) {
    %c0_i32 = arith.constant 0 : i32
    %c0_i32_0 = arith.constant 0 : i32
    %c0_i32_1 = arith.constant 0 : i32
    return %c0_i32, %c0_i32_0 : i32, i32
  }
  func.func @transform_7(%arg0: i32) -> (i32, i32) {
    %c0_i32 = arith.constant 0 : i32
    %c0_i32_0 = arith.constant 0 : i32
    %c0_i32_1 = arith.constant 0 : i32
    return %c0_i32, %c0_i32_0 : i32, i32
  }
  func.func @transform_8(%arg0: i32) -> (i32, i32) {
    %c0_i32 = arith.constant 0 : i32
    %c0_i32_0 = arith.constant 0 : i32
    %c0_i32_1 = arith.constant 0 : i32
    return %c0_i32, %c0_i32_0 : i32, i32
  }
  func.func @transform_9(%arg0: i32) -> (i32, i32) {
    %c0_i32 = arith.constant 0 : i32
    %c0_i32_0 = arith.constant 0 : i32
    %c0_i32_1 = arith.constant 0 : i32
    return %c0_i32, %c0_i32_0 : i32, i32
  }
  func.func @transform_10(%arg0: i32) -> (i32, i32) {
    %c0_i32 = arith.constant 0 : i32
    %c0_i32_0 = arith.constant 0 : i32
    return %arg0, %c0_i32 : i32, i32
  }
  func.func @transform_11(%arg0: i32) -> (i32, i32) {
    %c0_i32 = arith.constant 0 : i32
    %c0_i32_0 = arith.constant 0 : i32
    return %arg0, %c0_i32 : i32, i32
  }
  func.func @transform_12(%arg0: i32) -> (i32, i32) {
    %c0_i32 = arith.constant 0 : i32
    %c0_i32_0 = arith.constant 0 : i32
    return %arg0, %c0_i32 : i32, i32
  }
  func.func @transform_13(%arg0: i32) -> (i32, i32) {
    %c0_i32 = arith.constant 0 : i32
    %c0_i32_0 = arith.constant 0 : i32
    return %arg0, %c0_i32 : i32, i32
  }
}

module attributes {stable_mosaic.version = 14 : i64} {
  func.func @_s3_body(%arg0: i32, %arg1: memref<4000x128xf32, #tpu.memory_space<vmem>>, %arg2: memref<4000x16xf32, #tpu.memory_space<vmem>>, %arg3: memref<16x128xf32, #tpu.memory_space<vmem>>, %arg4: memref<16x128xf32, #tpu.memory_space<vmem>>, %arg5: memref<128x128xf32, #tpu.memory_space<vmem>>, %arg6: memref<1x128xf32, #tpu.memory_space<vmem>>, %arg7: memref<128x128xf32, #tpu.memory_space<vmem>>, %arg8: memref<1x128xf32, #tpu.memory_space<vmem>>, %arg9: memref<128x128xf32, #tpu.memory_space<vmem>>, %arg10: memref<1x128xf32, #tpu.memory_space<vmem>>, %arg11: memref<1x128xf32, #tpu.memory_space<vmem>>, %arg12: memref<4000x128xf32, #tpu.memory_space<vmem>>, %arg13: memref<4000x16xf32, #tpu.memory_space<vmem>>) attributes {dimension_semantics = [#tpu.dimension_semantics<arbitrary>], iteration_bounds = array<i64: 40>, scalar_prefetch = 0 : i64, scratch_operands = 0 : i64, tpu.core_type = #tpu.core_type<tc>, window_params = [{transform_indices = @transform_0, window_bounds = array<i64: 4000, 128>}, {transform_indices = @transform_1, window_bounds = array<i64: 4000, 16>}, {pipeline_mode = #tpu.pipeline_mode<synchronous>, transform_indices = @transform_2, window_bounds = array<i64: 16, 128>}, {pipeline_mode = #tpu.pipeline_mode<synchronous>, transform_indices = @transform_3, window_bounds = array<i64: 16, 128>}, {pipeline_mode = #tpu.pipeline_mode<synchronous>, transform_indices = @transform_4, window_bounds = array<i64: 128, 128>}, {pipeline_mode = #tpu.pipeline_mode<synchronous>, transform_indices = @transform_5, window_bounds = array<i64: 1, 128>}, {pipeline_mode = #tpu.pipeline_mode<synchronous>, transform_indices = @transform_6, window_bounds = array<i64: 128, 128>}, {pipeline_mode = #tpu.pipeline_mode<synchronous>, transform_indices = @transform_7, window_bounds = array<i64: 1, 128>}, {pipeline_mode = #tpu.pipeline_mode<synchronous>, transform_indices = @transform_8, window_bounds = array<i64: 128, 128>}, {pipeline_mode = #tpu.pipeline_mode<synchronous>, transform_indices = @transform_9, window_bounds = array<i64: 1, 128>}, {pipeline_mode = #tpu.pipeline_mode<synchronous>, transform_indices = @transform_10, window_bounds = array<i64: 1, 128>}, {transform_indices = @transform_11, window_bounds = array<i64: 4000, 128>}, {transform_indices = @transform_12, window_bounds = array<i64: 4000, 16>}]} {
    %get3A = arith.constant 0 : index
    %get3A_0 = arith.constant 0 : index
    %get3A_1 = vector.load %arg2[%get3A, %get3A_0] : memref<4000x16xf32, #tpu.memory_space<vmem>>, vector<4000x16xf32>
    %get3A_2 = arith.constant 0 : index
    %get3A_3 = arith.constant 0 : index
    %get3A_4 = vector.load %arg3[%get3A_2, %get3A_3] : memref<16x128xf32, #tpu.memory_space<vmem>>, vector<16x128xf32>
    %dot_general3A = arith.constant dense<0.000000e+00> : vector<4000x128xf32>
    %dot_general3A_5 = tpu.matmul %get3A_1, %get3A_4, %dot_general3A {dimension_numbers = #tpu.dot_dimension_numbers<[1], [0], [0], [1], [0, 0, 1, 1], [], []>, transpose_lhs_hint = false} : vector<4000x16xf32>, vector<16x128xf32>, vector<4000x128xf32> -> vector<4000x128xf32>
    %get3A_6 = arith.constant 0 : index
    %get3A_7 = arith.constant 0 : index
    %get3A_8 = vector.load %arg4[%get3A_6, %get3A_7] : memref<16x128xf32, #tpu.memory_space<vmem>>, vector<16x128xf32>
    %dot_general3A_9 = arith.constant dense<0.000000e+00> : vector<4000x128xf32>
    %dot_general3A_10 = tpu.matmul %get3A_1, %get3A_8, %dot_general3A_9 {dimension_numbers = #tpu.dot_dimension_numbers<[1], [0], [0], [1], [0, 0, 1, 1], [], []>, transpose_lhs_hint = false} : vector<4000x16xf32>, vector<16x128xf32>, vector<4000x128xf32> -> vector<4000x128xf32>
    %mul3A = arith.mulf %dot_general3A_5, %dot_general3A_10 : vector<4000x128xf32>
    %get3A_11 = arith.constant 0 : index
    %get3A_12 = arith.constant 0 : index
    %get3A_13 = vector.load %arg5[%get3A_11, %get3A_12] : memref<128x128xf32, #tpu.memory_space<vmem>>, vector<128x128xf32>
    %dot_general3A_14 = arith.constant dense<0.000000e+00> : vector<4000x128xf32>
    %dot_general3A_15 = tpu.matmul %mul3A, %get3A_13, %dot_general3A_14 {dimension_numbers = #tpu.dot_dimension_numbers<[1], [0], [0], [1], [0, 0, 1, 1], [], []>, transpose_lhs_hint = false} : vector<4000x128xf32>, vector<128x128xf32>, vector<4000x128xf32> -> vector<4000x128xf32>
    %get3A_16 = arith.constant 0 : index
    %get3A_17 = arith.constant 0 : index
    %get3A_18 = vector.load %arg6[%get3A_16, %get3A_17] : memref<1x128xf32, #tpu.memory_space<vmem>>, vector<1x128xf32>
    %add3A = vector.broadcast %get3A_18 : vector<1x128xf32> to vector<4000x128xf32>
    %add3A_19 = arith.addf %dot_general3A_15, %add3A : vector<4000x128xf32>
    %neg3A = arith.constant 0.000000e+00 : f32
    %neg3A_20 = vector.broadcast %neg3A : f32 to vector<4000x128xf32>
    %neg3A_21 = arith.subf %neg3A_20, %add3A_19 : vector<4000x128xf32>
    %exp3A = math.exp %neg3A_21 : vector<4000x128xf32>
    %add3A_22 = arith.constant 1.000000e+00 : f32
    %add3A_23 = vector.broadcast %add3A_22 : f32 to vector<4000x128xf32>
    %add3A_24 = arith.addf %add3A_23, %exp3A : vector<4000x128xf32>
    %div3A = arith.divf %add3A_19, %add3A_24 : vector<4000x128xf32>
    %get3A_25 = arith.constant 0 : index
    %get3A_26 = arith.constant 0 : index
    %get3A_27 = vector.load %arg1[%get3A_25, %get3A_26] : memref<4000x128xf32, #tpu.memory_space<vmem>>, vector<4000x128xf32>
    %get3A_28 = arith.constant 0 : index
    %get3A_29 = arith.constant 0 : index
    %get3A_30 = vector.load %arg7[%get3A_28, %get3A_29] : memref<128x128xf32, #tpu.memory_space<vmem>>, vector<128x128xf32>
    %dot_general3A_31 = arith.constant dense<0.000000e+00> : vector<4000x128xf32>
    %dot_general3A_32 = tpu.matmul %div3A, %get3A_30, %dot_general3A_31 {dimension_numbers = #tpu.dot_dimension_numbers<[1], [0], [0], [1], [0, 0, 1, 1], [], []>, transpose_lhs_hint = false} : vector<4000x128xf32>, vector<128x128xf32>, vector<4000x128xf32> -> vector<4000x128xf32>
    %add3A_33 = arith.addf %get3A_27, %dot_general3A_32 : vector<4000x128xf32>
    %get3A_34 = arith.constant 0 : index
    %get3A_35 = arith.constant 0 : index
    %get3A_36 = vector.load %arg8[%get3A_34, %get3A_35] : memref<1x128xf32, #tpu.memory_space<vmem>>, vector<1x128xf32>
    %add3A_37 = vector.broadcast %get3A_36 : vector<1x128xf32> to vector<4000x128xf32>
    %add3A_38 = arith.addf %add3A_33, %add3A_37 : vector<4000x128xf32>
    %neg3A_39 = arith.constant 0.000000e+00 : f32
    %neg3A_40 = vector.broadcast %neg3A_39 : f32 to vector<4000x128xf32>
    %neg3A_41 = arith.subf %neg3A_40, %add3A_38 : vector<4000x128xf32>
    %exp3A_42 = math.exp %neg3A_41 : vector<4000x128xf32>
    %add3A_43 = arith.constant 1.000000e+00 : f32
    %add3A_44 = vector.broadcast %add3A_43 : f32 to vector<4000x128xf32>
    %add3A_45 = arith.addf %add3A_44, %exp3A_42 : vector<4000x128xf32>
    %div3A_46 = arith.divf %add3A_38, %add3A_45 : vector<4000x128xf32>
    %get3A_47 = arith.constant 0 : index
    %get3A_48 = arith.constant 0 : index
    %get3A_49 = vector.load %arg9[%get3A_47, %get3A_48] : memref<128x128xf32, #tpu.memory_space<vmem>>, vector<128x128xf32>
    %dot_general3A_50 = arith.constant dense<0.000000e+00> : vector<4000x128xf32>
    %dot_general3A_51 = tpu.matmul %div3A_46, %get3A_49, %dot_general3A_50 {dimension_numbers = #tpu.dot_dimension_numbers<[1], [0], [0], [1], [0, 0, 1, 1], [], []>, transpose_lhs_hint = false} : vector<4000x128xf32>, vector<128x128xf32>, vector<4000x128xf32> -> vector<4000x128xf32>
    %get3A_52 = arith.constant 0 : index
    %get3A_53 = arith.constant 0 : index
    %get3A_54 = vector.load %arg10[%get3A_52, %get3A_53] : memref<1x128xf32, #tpu.memory_space<vmem>>, vector<1x128xf32>
    %add3A_55 = vector.broadcast %get3A_54 : vector<1x128xf32> to vector<4000x128xf32>
    %add3A_56 = arith.addf %dot_general3A_51, %add3A_55 : vector<4000x128xf32>
    %neg3A_57 = arith.constant 0.000000e+00 : f32
    %neg3A_58 = vector.broadcast %neg3A_57 : f32 to vector<4000x128xf32>
    %neg3A_59 = arith.subf %neg3A_58, %add3A_56 : vector<4000x128xf32>
    %exp3A_60 = math.exp %neg3A_59 : vector<4000x128xf32>
    %add3A_61 = arith.constant 1.000000e+00 : f32
    %add3A_62 = vector.broadcast %add3A_61 : f32 to vector<4000x128xf32>
    %add3A_63 = arith.addf %add3A_62, %exp3A_60 : vector<4000x128xf32>
    %div3A_64 = arith.divf %add3A_56, %add3A_63 : vector<4000x128xf32>
    %get3A_65 = arith.constant 0 : index
    %get3A_66 = arith.constant 0 : index
    %get3A_67 = vector.load %arg11[%get3A_65, %get3A_66] : memref<1x128xf32, #tpu.memory_space<vmem>>, vector<1x128xf32>
    %mul3A_68 = vector.broadcast %get3A_67 : vector<1x128xf32> to vector<4000x128xf32>
    %mul3A_69 = arith.mulf %div3A_64, %mul3A_68 : vector<4000x128xf32>
    %reduce_sum3A = arith.constant dense<0.000000e+00> : vector<4000xf32>
    %reduce_sum3A_70 = vector.multi_reduction <add>, %mul3A_69, %reduce_sum3A [1] : vector<4000x128xf32> to vector<4000xf32>
    %broadcast_in_dim3A = vector.shape_cast %reduce_sum3A_70 : vector<4000xf32> to vector<4000x1xf32>
    %mul3A_71 = vector.broadcast %broadcast_in_dim3A : vector<4000x1xf32> to vector<4000x16xf32>
    %mul3A_72 = arith.mulf %get3A_1, %mul3A_71 : vector<4000x16xf32>
    %iota3A = tpu.iota {dimensions = array<i32: 1>} : vector<4000x16xi32>
    %swap3A = arith.constant 0 : index
    %swap3A_73 = arith.constant 0 : index
    %swap3A_74 = vector.load %arg12[%swap3A, %swap3A_73] : memref<4000x128xf32, #tpu.memory_space<vmem>>, vector<4000x128xf32>
    tpu.vector_store %arg12[%swap3A, %swap3A_73], %div3A_64 {strides = array<i32>} : memref<4000x128xf32, #tpu.memory_space<vmem>>, vector<4000x128xf32>,
    %eq3A = arith.constant 12 : i32
    %eq3A_75 = vector.broadcast %eq3A : i32 to vector<4000x16xi32>
    %eq3A_76 = arith.cmpi eq, %iota3A, %eq3A_75 : vector<4000x16xi32>
    %jit3A = arith.constant 1.000000e+00 : f32
    %broadcast_in_dim3A_77 = vector.broadcast %jit3A : f32 to vector<4000x16xf32>
    %select_n3A = arith.select %eq3A_76, %broadcast_in_dim3A_77, %mul3A_72 : vector<4000x16xi1>, vector<4000x16xf32>
    %swap3A_78 = arith.constant 0 : index
    %swap3A_79 = arith.constant 0 : index
    %swap3A_80 = vector.load %arg13[%swap3A_78, %swap3A_79] : memref<4000x16xf32, #tpu.memory_space<vmem>>, vector<4000x16xf32>
    tpu.vector_store %arg13[%swap3A_78, %swap3A_79], %select_n3A {strides = array<i32>} : memref<4000x16xf32, #tpu.memory_space<vmem>>, vector<4000x16xf32>,
    return
  }
  func.func @transform_0(%arg0: i32) -> (i32, i32) {
    %c0_i32 = arith.constant 0 : i32
    %c0_i32_0 = arith.constant 0 : i32
    return %arg0, %c0_i32 : i32, i32
  }
  func.func @transform_1(%arg0: i32) -> (i32, i32) {
    %c0_i32 = arith.constant 0 : i32
    %c0_i32_0 = arith.constant 0 : i32
    return %arg0, %c0_i32 : i32, i32
  }
  func.func @transform_2(%arg0: i32) -> (i32, i32) {
    %c0_i32 = arith.constant 0 : i32
    %c0_i32_0 = arith.constant 0 : i32
    %c0_i32_1 = arith.constant 0 : i32
    return %c0_i32, %c0_i32_0 : i32, i32
  }
  func.func @transform_3(%arg0: i32) -> (i32, i32) {
    %c0_i32 = arith.constant 0 : i32
    %c0_i32_0 = arith.constant 0 : i32
    %c0_i32_1 = arith.constant 0 : i32
    return %c0_i32, %c0_i32_0 : i32, i32
  }
  func.func @transform_4(%arg0: i32) -> (i32, i32) {
    %c0_i32 = arith.constant 0 : i32
    %c0_i32_0 = arith.constant 0 : i32
    %c0_i32_1 = arith.constant 0 : i32
    return %c0_i32, %c0_i32_0 : i32, i32
  }
  func.func @transform_5(%arg0: i32) -> (i32, i32) {
    %c0_i32 = arith.constant 0 : i32
    %c0_i32_0 = arith.constant 0 : i32
    %c0_i32_1 = arith.constant 0 : i32
    return %c0_i32, %c0_i32_0 : i32, i32
  }
  func.func @transform_6(%arg0: i32) -> (i32, i32) {
    %c0_i32 = arith.constant 0 : i32
    %c0_i32_0 = arith.constant 0 : i32
    %c0_i32_1 = arith.constant 0 : i32
    return %c0_i32, %c0_i32_0 : i32, i32
  }
  func.func @transform_7(%arg0: i32) -> (i32, i32) {
    %c0_i32 = arith.constant 0 : i32
    %c0_i32_0 = arith.constant 0 : i32
    %c0_i32_1 = arith.constant 0 : i32
    return %c0_i32, %c0_i32_0 : i32, i32
  }
  func.func @transform_8(%arg0: i32) -> (i32, i32) {
    %c0_i32 = arith.constant 0 : i32
    %c0_i32_0 = arith.constant 0 : i32
    %c0_i32_1 = arith.constant 0 : i32
    return %c0_i32, %c0_i32_0 : i32, i32
  }
  func.func @transform_9(%arg0: i32) -> (i32, i32) {
    %c0_i32 = arith.constant 0 : i32
    %c0_i32_0 = arith.constant 0 : i32
    %c0_i32_1 = arith.constant 0 : i32
    return %c0_i32, %c0_i32_0 : i32, i32
  }
  func.func @transform_10(%arg0: i32) -> (i32, i32) {
    %c0_i32 = arith.constant 0 : i32
    %c0_i32_0 = arith.constant 0 : i32
    %c0_i32_1 = arith.constant 0 : i32
    return %c0_i32, %c0_i32_0 : i32, i32
  }
  func.func @transform_11(%arg0: i32) -> (i32, i32) {
    %c0_i32 = arith.constant 0 : i32
    %c0_i32_0 = arith.constant 0 : i32
    return %arg0, %c0_i32 : i32, i32
  }
  func.func @transform_12(%arg0: i32) -> (i32, i32) {
    %c0_i32 = arith.constant 0 : i32
    %c0_i32_0 = arith.constant 0 : i32
    return %arg0, %c0_i32 : i32, i32
  }
}

module attributes {stable_mosaic.version = 14 : i64} {
  func.func @_s5_body(%arg0: i32, %arg1: memref<2000x128xf32, #tpu.memory_space<vmem>>, %arg2: memref<2000x128xf32, #tpu.memory_space<vmem>>, %arg3: memref<2000x16xf32, #tpu.memory_space<vmem>>, %arg4: memref<2x2000x128xf32, #tpu.memory_space<vmem>>, %arg5: memref<2x2000x16xf32, #tpu.memory_space<vmem>>, %arg6: memref<128x128xf32, #tpu.memory_space<vmem>>, %arg7: memref<128x128xf32, #tpu.memory_space<vmem>>, %arg8: memref<1x128xf32, #tpu.memory_space<vmem>>, %arg9: memref<128x128xf32, #tpu.memory_space<vmem>>, %arg10: memref<1x128xf32, #tpu.memory_space<vmem>>, %arg11: memref<128x128xf32, #tpu.memory_space<vmem>>, %arg12: memref<1x128xf32, #tpu.memory_space<vmem>>, %arg13: memref<128x128xf32, #tpu.memory_space<vmem>>, %arg14: memref<1x128xf32, #tpu.memory_space<vmem>>, %arg15: memref<128x128xf32, #tpu.memory_space<vmem>>, %arg16: memref<2000x128xf32, #tpu.memory_space<vmem>>, %arg17: memref<2000x16xf32, #tpu.memory_space<vmem>>) attributes {dimension_semantics = [#tpu.dimension_semantics<arbitrary>], iteration_bounds = array<i64: 5>, scalar_prefetch = 0 : i64, scratch_operands = 0 : i64, tpu.core_type = #tpu.core_type<tc>, window_params = [{transform_indices = @transform_0, window_bounds = array<i64: 2000, 128>}, {transform_indices = @transform_1, window_bounds = array<i64: 2000, 128>}, {transform_indices = @transform_2, window_bounds = array<i64: 2000, 16>}, {transform_indices = @transform_3, window_bounds = array<i64: 2, 2000, 128>}, {transform_indices = @transform_4, window_bounds = array<i64: 2, 2000, 16>}, {pipeline_mode = #tpu.pipeline_mode<synchronous>, transform_indices = @transform_5, window_bounds = array<i64: 128, 128>}, {pipeline_mode = #tpu.pipeline_mode<synchronous>, transform_indices = @transform_6, window_bounds = array<i64: 128, 128>}, {pipeline_mode = #tpu.pipeline_mode<synchronous>, transform_indices = @transform_7, window_bounds = array<i64: 1, 128>}, {pipeline_mode = #tpu.pipeline_mode<synchronous>, transform_indices = @transform_8, window_bounds = array<i64: 128, 128>}, {pipeline_mode = #tpu.pipeline_mode<synchronous>, transform_indices = @transform_9, window_bounds = array<i64: 1, 128>}, {pipeline_mode = #tpu.pipeline_mode<synchronous>, transform_indices = @transform_10, window_bounds = array<i64: 128, 128>}, {pipeline_mode = #tpu.pipeline_mode<synchronous>, transform_indices = @transform_11, window_bounds = array<i64: 1, 128>}, {pipeline_mode = #tpu.pipeline_mode<synchronous>, transform_indices = @transform_12, window_bounds = array<i64: 128, 128>}, {pipeline_mode = #tpu.pipeline_mode<synchronous>, transform_indices = @transform_13, window_bounds = array<i64: 1, 128>}, {pipeline_mode = #tpu.pipeline_mode<synchronous>, transform_indices = @transform_14, window_bounds = array<i64: 128, 128>}, {transform_indices = @transform_15, window_bounds = array<i64: 2000, 128>}, {transform_indices = @transform_16, window_bounds = array<i64: 2000, 16>}]} {
    %get3A = arith.constant 0 : index
    %get3A_0 = arith.constant 0 : index
    %get3A_1 = vector.load %arg1[%get3A, %get3A_0] : memref<2000x128xf32, #tpu.memory_space<vmem>>, vector<2000x128xf32>
    %get3A_2 = arith.constant 0 : index
    %get3A_3 = arith.constant 0 : index
    %get3A_4 = vector.load %arg2[%get3A_2, %get3A_3] : memref<2000x128xf32, #tpu.memory_space<vmem>>, vector<2000x128xf32>
    %get3A_5 = arith.constant 0 : index
    %get3A_6 = arith.constant 0 : index
    %get3A_7 = arith.constant 0 : index
    %get3A_8 = vector.load %arg4[%get3A_5, %get3A_6, %get3A_7] : memref<2x2000x128xf32, #tpu.memory_space<vmem>>, vector<2x2000x128xf32>
    %get3A_9 = arith.constant 0 : index
    %get3A_10 = arith.constant 0 : index
    %get3A_11 = arith.constant 0 : index
    %get3A_12 = vector.load %arg5[%get3A_9, %get3A_10, %get3A_11] : memref<2x2000x16xf32, #tpu.memory_space<vmem>>, vector<2x2000x16xf32>
    %slice3A = vector.extract_strided_slice %get3A_8 {offsets = [0, 0, 0], sizes = [1, 2000, 128], strides = [1, 1, 1]} : vector<2x2000x128xf32> to vector<1x2000x128xf32>
    %squeeze3A = vector.shape_cast %slice3A : vector<1x2000x128xf32> to vector<2000x128xf32>
    %slice3A_13 = vector.extract_strided_slice %get3A_8 {offsets = [1, 0, 0], sizes = [1, 2000, 128], strides = [1, 1, 1]} : vector<2x2000x128xf32> to vector<1x2000x128xf32>
    %squeeze3A_14 = vector.shape_cast %slice3A_13 : vector<1x2000x128xf32> to vector<2000x128xf32>
    %add3A = arith.addf %squeeze3A, %squeeze3A_14 : vector<2000x128xf32>
    %slice3A_15 = vector.extract_strided_slice %get3A_12 {offsets = [0, 0, 0], sizes = [1, 2000, 16], strides = [1, 1, 1]} : vector<2x2000x16xf32> to vector<1x2000x16xf32>
    %squeeze3A_16 = vector.shape_cast %slice3A_15 : vector<1x2000x16xf32> to vector<2000x16xf32>
    %slice3A_17 = vector.extract_strided_slice %get3A_12 {offsets = [1, 0, 0], sizes = [1, 2000, 16], strides = [1, 1, 1]} : vector<2x2000x16xf32> to vector<1x2000x16xf32>
    %squeeze3A_18 = vector.shape_cast %slice3A_17 : vector<1x2000x16xf32> to vector<2000x16xf32>
    %add3A_19 = arith.addf %squeeze3A_16, %squeeze3A_18 : vector<2000x16xf32>
    %get3A_20 = arith.constant 0 : index
    %get3A_21 = arith.constant 0 : index
    %get3A_22 = vector.load %arg6[%get3A_20, %get3A_21] : memref<128x128xf32, #tpu.memory_space<vmem>>, vector<128x128xf32>
    %dot_general3A = arith.constant dense<0.000000e+00> : vector<2000x128xf32>
    %dot_general3A_23 = tpu.matmul %get3A_1, %get3A_22, %dot_general3A {dimension_numbers = #tpu.dot_dimension_numbers<[1], [0], [0], [1], [0, 0, 1, 1], [], []>, transpose_lhs_hint = false} : vector<2000x128xf32>, vector<128x128xf32>, vector<2000x128xf32> -> vector<2000x128xf32>
    %get3A_24 = arith.constant 0 : index
    %get3A_25 = arith.constant 0 : index
    %get3A_26 = vector.load %arg7[%get3A_24, %get3A_25] : memref<128x128xf32, #tpu.memory_space<vmem>>, vector<128x128xf32>
    %dot_general3A_27 = arith.constant dense<0.000000e+00> : vector<2000x128xf32>
    %dot_general3A_28 = tpu.matmul %add3A, %get3A_26, %dot_general3A_27 {dimension_numbers = #tpu.dot_dimension_numbers<[1], [0], [0], [1], [0, 0, 1, 1], [], []>, transpose_lhs_hint = false} : vector<2000x128xf32>, vector<128x128xf32>, vector<2000x128xf32> -> vector<2000x128xf32>
    %add3A_29 = arith.addf %dot_general3A_23, %dot_general3A_28 : vector<2000x128xf32>
    %get3A_30 = arith.constant 0 : index
    %get3A_31 = arith.constant 0 : index
    %get3A_32 = vector.load %arg8[%get3A_30, %get3A_31] : memref<1x128xf32, #tpu.memory_space<vmem>>, vector<1x128xf32>
    %add3A_33 = vector.broadcast %get3A_32 : vector<1x128xf32> to vector<2000x128xf32>
    %add3A_34 = arith.addf %add3A_29, %add3A_33 : vector<2000x128xf32>
    %neg3A = arith.constant 0.000000e+00 : f32
    %neg3A_35 = vector.broadcast %neg3A : f32 to vector<2000x128xf32>
    %neg3A_36 = arith.subf %neg3A_35, %add3A_34 : vector<2000x128xf32>
    %exp3A = math.exp %neg3A_36 : vector<2000x128xf32>
    %add3A_37 = arith.constant 1.000000e+00 : f32
    %add3A_38 = vector.broadcast %add3A_37 : f32 to vector<2000x128xf32>
    %add3A_39 = arith.addf %add3A_38, %exp3A : vector<2000x128xf32>
    %div3A = arith.divf %add3A_34, %add3A_39 : vector<2000x128xf32>
    %get3A_40 = arith.constant 0 : index
    %get3A_41 = arith.constant 0 : index
    %get3A_42 = vector.load %arg9[%get3A_40, %get3A_41] : memref<128x128xf32, #tpu.memory_space<vmem>>, vector<128x128xf32>
    %dot_general3A_43 = arith.constant dense<0.000000e+00> : vector<2000x128xf32>
    %dot_general3A_44 = tpu.matmul %div3A, %get3A_42, %dot_general3A_43 {dimension_numbers = #tpu.dot_dimension_numbers<[1], [0], [0], [1], [0, 0, 1, 1], [], []>, transpose_lhs_hint = false} : vector<2000x128xf32>, vector<128x128xf32>, vector<2000x128xf32> -> vector<2000x128xf32>
    %add3A_45 = arith.addf %get3A_1, %dot_general3A_44 : vector<2000x128xf32>
    %get3A_46 = arith.constant 0 : index
    %get3A_47 = arith.constant 0 : index
    %get3A_48 = vector.load %arg10[%get3A_46, %get3A_47] : memref<1x128xf32, #tpu.memory_space<vmem>>, vector<1x128xf32>
    %add3A_49 = vector.broadcast %get3A_48 : vector<1x128xf32> to vector<2000x128xf32>
    %add3A_50 = arith.addf %add3A_45, %add3A_49 : vector<2000x128xf32>
    %slice3A_51 = vector.extract_strided_slice %add3A_19 {offsets = [0, 12], sizes = [2000, 1], strides = [1, 1]} : vector<2000x16xf32> to vector<2000x1xf32>
    %max3A = arith.constant 1.000000e+00 : f32
    %max3A_52 = vector.broadcast %max3A : f32 to vector<2000x1xf32>
    %max3A_53 = arith.maximumf %slice3A_51, %max3A_52 : vector<2000x1xf32>
    %iota3A = tpu.iota {dimensions = array<i32: 1>} : vector<2000x16xi32>
    %get3A_54 = arith.constant 0 : index
    %get3A_55 = arith.constant 0 : index
    %get3A_56 = vector.load %arg3[%get3A_54, %get3A_55] : memref<2000x16xf32, #tpu.memory_space<vmem>>, vector<2000x16xf32>
    %lt3A = arith.constant 12 : i32
    %lt3A_57 = vector.broadcast %lt3A : i32 to vector<2000x16xi32>
    %lt3A_58 = arith.cmpi slt, %iota3A, %lt3A_57 : vector<2000x16xi32>
    %div3A_59 = vector.broadcast %max3A_53 : vector<2000x1xf32> to vector<2000x16xf32>
    %div3A_60 = arith.divf %add3A_19, %div3A_59 : vector<2000x16xf32>
    %jit3A = arith.constant 0.000000e+00 : f32
    %broadcast_in_dim3A = vector.broadcast %jit3A : f32 to vector<2000x16xf32>
    %select_n3A = arith.select %lt3A_58, %div3A_60, %broadcast_in_dim3A : vector<2000x16xi1>, vector<2000x16xf32>
    %add3A_61 = arith.addf %get3A_56, %select_n3A : vector<2000x16xf32>
    %swap3A = arith.constant 0 : index
    %swap3A_62 = arith.constant 0 : index
    %swap3A_63 = vector.load %arg17[%swap3A, %swap3A_62] : memref<2000x16xf32, #tpu.memory_space<vmem>>, vector<2000x16xf32>
    tpu.vector_store %arg17[%swap3A, %swap3A_62], %add3A_61 {strides = array<i32>} : memref<2000x16xf32, #tpu.memory_space<vmem>>, vector<2000x16xf32>,
    %neg3A_64 = arith.constant 0.000000e+00 : f32
    %neg3A_65 = vector.broadcast %neg3A_64 : f32 to vector<2000x128xf32>
    %neg3A_66 = arith.subf %neg3A_65, %add3A_50 : vector<2000x128xf32>
    %exp3A_67 = math.exp %neg3A_66 : vector<2000x128xf32>
    %add3A_68 = arith.constant 1.000000e+00 : f32
    %add3A_69 = vector.broadcast %add3A_68 : f32 to vector<2000x128xf32>
    %add3A_70 = arith.addf %add3A_69, %exp3A_67 : vector<2000x128xf32>
    %div3A_71 = arith.divf %add3A_50, %add3A_70 : vector<2000x128xf32>
    %get3A_72 = arith.constant 0 : index
    %get3A_73 = arith.constant 0 : index
    %get3A_74 = vector.load %arg11[%get3A_72, %get3A_73] : memref<128x128xf32, #tpu.memory_space<vmem>>, vector<128x128xf32>
    %dot_general3A_75 = arith.constant dense<0.000000e+00> : vector<2000x128xf32>
    %dot_general3A_76 = tpu.matmul %div3A_71, %get3A_74, %dot_general3A_75 {dimension_numbers = #tpu.dot_dimension_numbers<[1], [0], [0], [1], [0, 0, 1, 1], [], []>, transpose_lhs_hint = false} : vector<2000x128xf32>, vector<128x128xf32>, vector<2000x128xf32> -> vector<2000x128xf32>
    %get3A_77 = arith.constant 0 : index
    %get3A_78 = arith.constant 0 : index
    %get3A_79 = vector.load %arg12[%get3A_77, %get3A_78] : memref<1x128xf32, #tpu.memory_space<vmem>>, vector<1x128xf32>
    %add3A_80 = vector.broadcast %get3A_79 : vector<1x128xf32> to vector<2000x128xf32>
    %add3A_81 = arith.addf %dot_general3A_76, %add3A_80 : vector<2000x128xf32>
    %logistic3A = arith.negf %add3A_81 : vector<2000x128xf32>
    %logistic3A_82 = math.exp %logistic3A : vector<2000x128xf32>
    %logistic3A_83 = arith.constant 1.000000e+00 : f32
    %logistic3A_84 = vector.broadcast %logistic3A_83 : f32 to vector<2000x128xf32>
    %logistic3A_85 = arith.addf %logistic3A_84, %logistic3A_82 : vector<2000x128xf32>
    %logistic3A_86 = arith.divf %logistic3A_84, %logistic3A_85 : vector<2000x128xf32>
    %mul3A = arith.mulf %get3A_4, %logistic3A_86 : vector<2000x128xf32>
    %neg3A_87 = arith.constant 0.000000e+00 : f32
    %neg3A_88 = vector.broadcast %neg3A_87 : f32 to vector<2000x128xf32>
    %neg3A_89 = arith.subf %neg3A_88, %mul3A : vector<2000x128xf32>
    %exp3A_90 = math.exp %neg3A_89 : vector<2000x128xf32>
    %add3A_91 = arith.constant 1.000000e+00 : f32
    %add3A_92 = vector.broadcast %add3A_91 : f32 to vector<2000x128xf32>
    %add3A_93 = arith.addf %add3A_92, %exp3A_90 : vector<2000x128xf32>
    %div3A_94 = arith.divf %mul3A, %add3A_93 : vector<2000x128xf32>
    %get3A_95 = arith.constant 0 : index
    %get3A_96 = arith.constant 0 : index
    %get3A_97 = vector.load %arg13[%get3A_95, %get3A_96] : memref<128x128xf32, #tpu.memory_space<vmem>>, vector<128x128xf32>
    %dot_general3A_98 = arith.constant dense<0.000000e+00> : vector<2000x128xf32>
    %dot_general3A_99 = tpu.matmul %div3A_94, %get3A_97, %dot_general3A_98 {dimension_numbers = #tpu.dot_dimension_numbers<[1], [0], [0], [1], [0, 0, 1, 1], [], []>, transpose_lhs_hint = false} : vector<2000x128xf32>, vector<128x128xf32>, vector<2000x128xf32> -> vector<2000x128xf32>
    %get3A_100 = arith.constant 0 : index
    %get3A_101 = arith.constant 0 : index
    %get3A_102 = vector.load %arg14[%get3A_100, %get3A_101] : memref<1x128xf32, #tpu.memory_space<vmem>>, vector<1x128xf32>
    %add3A_103 = vector.broadcast %get3A_102 : vector<1x128xf32> to vector<2000x128xf32>
    %add3A_104 = arith.addf %dot_general3A_99, %add3A_103 : vector<2000x128xf32>
    %neg3A_105 = arith.constant 0.000000e+00 : f32
    %neg3A_106 = vector.broadcast %neg3A_105 : f32 to vector<2000x128xf32>
    %neg3A_107 = arith.subf %neg3A_106, %add3A_104 : vector<2000x128xf32>
    %exp3A_108 = math.exp %neg3A_107 : vector<2000x128xf32>
    %add3A_109 = arith.constant 1.000000e+00 : f32
    %add3A_110 = vector.broadcast %add3A_109 : f32 to vector<2000x128xf32>
    %add3A_111 = arith.addf %add3A_110, %exp3A_108 : vector<2000x128xf32>
    %div3A_112 = arith.divf %add3A_104, %add3A_111 : vector<2000x128xf32>
    %get3A_113 = arith.constant 0 : index
    %get3A_114 = arith.constant 0 : index
    %get3A_115 = vector.load %arg15[%get3A_113, %get3A_114] : memref<128x128xf32, #tpu.memory_space<vmem>>, vector<128x128xf32>
    %dot_general3A_116 = arith.constant dense<0.000000e+00> : vector<2000x128xf32>
    %dot_general3A_117 = tpu.matmul %div3A_112, %get3A_115, %dot_general3A_116 {dimension_numbers = #tpu.dot_dimension_numbers<[1], [0], [0], [1], [0, 0, 1, 1], [], []>, transpose_lhs_hint = false} : vector<2000x128xf32>, vector<128x128xf32>, vector<2000x128xf32> -> vector<2000x128xf32>
    %swap3A_118 = arith.constant 0 : index
    %swap3A_119 = arith.constant 0 : index
    %swap3A_120 = vector.load %arg16[%swap3A_118, %swap3A_119] : memref<2000x128xf32, #tpu.memory_space<vmem>>, vector<2000x128xf32>
    tpu.vector_store %arg16[%swap3A_118, %swap3A_119], %dot_general3A_117 {strides = array<i32>} : memref<2000x128xf32, #tpu.memory_space<vmem>>, vector<2000x128xf32>,
    return
  }
  func.func @transform_0(%arg0: i32) -> (i32, i32) {
    %c0_i32 = arith.constant 0 : i32
    %c0_i32_0 = arith.constant 0 : i32
    return %arg0, %c0_i32 : i32, i32
  }
  func.func @transform_1(%arg0: i32) -> (i32, i32) {
    %c0_i32 = arith.constant 0 : i32
    %c0_i32_0 = arith.constant 0 : i32
    return %arg0, %c0_i32 : i32, i32
  }
  func.func @transform_2(%arg0: i32) -> (i32, i32) {
    %c0_i32 = arith.constant 0 : i32
    %c0_i32_0 = arith.constant 0 : i32
    return %arg0, %c0_i32 : i32, i32
  }
  func.func @transform_3(%arg0: i32) -> (i32, i32, i32) {
    %c0_i32 = arith.constant 0 : i32
    %c0_i32_0 = arith.constant 0 : i32
    %c0_i32_1 = arith.constant 0 : i32
    return %c0_i32, %arg0, %c0_i32_0 : i32, i32, i32
  }
  func.func @transform_4(%arg0: i32) -> (i32, i32, i32) {
    %c0_i32 = arith.constant 0 : i32
    %c0_i32_0 = arith.constant 0 : i32
    %c0_i32_1 = arith.constant 0 : i32
    return %c0_i32, %arg0, %c0_i32_0 : i32, i32, i32
  }
  func.func @transform_5(%arg0: i32) -> (i32, i32) {
    %c0_i32 = arith.constant 0 : i32
    %c0_i32_0 = arith.constant 0 : i32
    %c0_i32_1 = arith.constant 0 : i32
    return %c0_i32, %c0_i32_0 : i32, i32
  }
  func.func @transform_6(%arg0: i32) -> (i32, i32) {
    %c0_i32 = arith.constant 0 : i32
    %c0_i32_0 = arith.constant 0 : i32
    %c0_i32_1 = arith.constant 0 : i32
    return %c0_i32, %c0_i32_0 : i32, i32
  }
  func.func @transform_7(%arg0: i32) -> (i32, i32) {
    %c0_i32 = arith.constant 0 : i32
    %c0_i32_0 = arith.constant 0 : i32
    %c0_i32_1 = arith.constant 0 : i32
    return %c0_i32, %c0_i32_0 : i32, i32
  }
  func.func @transform_8(%arg0: i32) -> (i32, i32) {
    %c0_i32 = arith.constant 0 : i32
    %c0_i32_0 = arith.constant 0 : i32
    %c0_i32_1 = arith.constant 0 : i32
    return %c0_i32, %c0_i32_0 : i32, i32
  }
  func.func @transform_9(%arg0: i32) -> (i32, i32) {
    %c0_i32 = arith.constant 0 : i32
    %c0_i32_0 = arith.constant 0 : i32
    %c0_i32_1 = arith.constant 0 : i32
    return %c0_i32, %c0_i32_0 : i32, i32
  }
  func.func @transform_10(%arg0: i32) -> (i32, i32) {
    %c0_i32 = arith.constant 0 : i32
    %c0_i32_0 = arith.constant 0 : i32
    %c0_i32_1 = arith.constant 0 : i32
    return %c0_i32, %c0_i32_0 : i32, i32
  }
  func.func @transform_11(%arg0: i32) -> (i32, i32) {
    %c0_i32 = arith.constant 0 : i32
    %c0_i32_0 = arith.constant 0 : i32
    %c0_i32_1 = arith.constant 0 : i32
    return %c0_i32, %c0_i32_0 : i32, i32
  }
  func.func @transform_12(%arg0: i32) -> (i32, i32) {
    %c0_i32 = arith.constant 0 : i32
    %c0_i32_0 = arith.constant 0 : i32
    %c0_i32_1 = arith.constant 0 : i32
    return %c0_i32, %c0_i32_0 : i32, i32
  }
  func.func @transform_13(%arg0: i32) -> (i32, i32) {
    %c0_i32 = arith.constant 0 : i32
    %c0_i32_0 = arith.constant 0 : i32
    %c0_i32_1 = arith.constant 0 : i32
    return %c0_i32, %c0_i32_0 : i32, i32
  }
  func.func @transform_14(%arg0: i32) -> (i32, i32) {
    %c0_i32 = arith.constant 0 : i32
    %c0_i32_0 = arith.constant 0 : i32
    %c0_i32_1 = arith.constant 0 : i32
    return %c0_i32, %c0_i32_0 : i32, i32
  }
  func.func @transform_15(%arg0: i32) -> (i32, i32) {
    %c0_i32 = arith.constant 0 : i32
    %c0_i32_0 = arith.constant 0 : i32
    return %arg0, %c0_i32 : i32, i32
  }
  func.func @transform_16(%arg0: i32) -> (i32, i32) {
    %c0_i32 = arith.constant 0 : i32
    %c0_i32_0 = arith.constant 0 : i32
    return %arg0, %c0_i32 : i32, i32
  }
}

</mosaic_0001>

<sc_bundles>
// kernel: kernel.10.cloned.1.call-start
scs
__scs_entry_jumppad:
0x0: {  	(pc) =	sbr.rel $0x88, $3  }
0x1: {  	(tag) =	ssettag $0x0;
	lr =	simm.s32 $0x1  }
0x2: {  	[smem:$0x3F87] =	sst lr;
	_ =	strace $0xD0000000  }
0x3: {  	_ = 	snop  }
0x4: {  	_ = 	snop  }
0x5: {  	_ = 	snop  }
0x6: {  	_ = 	snop  }
0x7: {  	_ = 	snop  }
__scs_overlays_trampoline_lowered:
0x8: {  	[smem:$0x3F96] =	sst s0  }
0x9: {  	[smem:$0x3F97] =	sst s1  }
0xa: {  	[smem:$0x3F98] =	sst s2  }
0xb: {  	[smem:$0x3F99] =	sst s3  }
0xc: {  	[smem:$0x3F9A] =	sst s4  }
0xd: {  	[smem:$0x3F9B] =	sst s5  }
0xe: {  	[smem:$0x3F9C] =	sst s6  }
0xf: {  	[smem:$0x3F9D] =	sst s7  }
0x10: {  	[smem:$0x3F9E] =	sst s8  }
0x11: {  	[smem:$0x3F9F] =	sst s9;
	s0 =	simm.s32 @!p0 $0x0  }
0x12: {  	s1 =	sld [smem:$0x3F85];
	s0 =	simm.s32 @p0 $0x1  }
0x13: {  	[smem:$0x3FA0] =	sst s0;
	s0 =	simm.s32 @!p1 $0x0  }
0x14: {  	s2 =	sld [smem:$0x3F84];
	s0 =	simm.s32 @p1 $0x1  }
0x15: {  	[smem:$0x3FA1] =	sst s0;
	s0 =	simm.s32 @!p2 $0x0  }
0x16: {  	s3 =	sld [smem:$0x3FDB];
	s0 =	simm.s32 @p2 $0x1  }
0x17: {  	s4 =	simm.s32 $0x1BF5;
	[smem:$0x3FA3] =	sst s0  }
0x18: {  	s0 =	sld [smem:$0x3F86];
	_ =	swait.ge [sflag:s4], $0x0  }
0x19: {  	s7 =	sld [smem:$0x3F87]  }
0x1a: {  	s8 =	sadd.s32 $0xFFFFE003, lr  }
0x1b: {  	s9 =	sadd.s32 $0xFFFFFEF7, lr;
	s5 =	simm.s32 $0xFFFFFFFF;
	p2 =	slt.u32 s8, $0xFFFFF086  }
0x1c: {  	p1 =	slt.u32 s9, $0xF7A;
	s5 =	simm.s32 @!p2 $0x0  }
0x1d: {  	s5 =	simm.s32 @p1 $0x1;
	p0 =	seq.s32 s7, s2  }
0x1e: {  	s7 =	smul.u32 @!p0 $0xF7A, s2;
	p2 =	seq.s32 @!p0 s5, $0x0  }
0x1f: {  	s9 =	smul.u32 $0xF7A, s1;
	s8 =	simm.s32 @!p0 $0x1BF5;
	p2 =	por !p2, p0  }
0x20: {  	[sflag:s8] =	ssyncset.s32 @!p0 $0xFFFFF086;
	s6 =	sadd.s32 @!p0 s3, s7;
	s7 =	simm.s32 @!p0 $0x108  }
0x21: {  	s3 =	sadd.s32 s3, s9;
	s6 =	sadd.s32 @!p0 $0x88, s6;
	s7 =	simm.s32 @p2 $0x1082  }
0x22: {  	[simem:s7], [sflag:s8] =	dma.local @!p0 [hbm:s6], $0xF7A  }
0x23: {  	s9 =	sor.u32 $0xD0000000, s2;
	s6 =	simm.s32 $0x108;
	_ =	swait.ge @!p0 [sflag:s8], $0x0  }
0x24: {  	s3 =	sadd.s32 $0x88, s3;
	s6 =	simm.s32 @!p1 $0x1082;
	[sflag:s4] =	ssyncset.s32 $0xFFFFF086  }
0x25: {  	[simem:s6], [sflag:s4] =	dma.local [hbm:s3], $0xF7A  }
0x26: {  	[smem:$0x3F87] =	sst s1;
	(tag) =	ssettag s2;
	_ =	strace s9  }
0x27: {  	s1 =	sld [smem:$0x3F97]  }
0x28: {  	s2 =	sld [smem:$0x3F98]  }
0x29: {  	s4 =	sld [smem:$0x3F9A]  }
0x2a: {  	p0 =	seq.s32 s5, $0x0;
	s5 =	sld [smem:$0x3F9B]  }
0x2b: {  	s6 =	sld [smem:$0x3F9C]  }
0x2c: {  	s7 =	sld [smem:$0x3F9D]  }
0x2d: {  	s3 =	simm.s32 $0x108;
	s8 =	sld [smem:$0x3F9E]  }
0x2e: {  	s3 =	simm.s32 @!p0 $0x1082;
	s9 =	sld [smem:$0x3F9F]  }
0x2f: {  	lr =	sadd.s32 s0, s3;
	s0 =	sld [smem:$0x3F96]  }
0x30: {  	s3 =	sld [smem:$0x3F99]  }
0x31: {  	[smem:$0x3FA2] =	sst s10  }
0x32: {  	s10 =	sld [smem:$0x3FA0];
	_ =	sdelay $0x3  }
0x33: {  	p0 =	seq.s32 s10, $0x1;
	s10 =	sld [smem:$0x3FA2];
	_ =	sdelay $0x3  }
0x34: {  	[smem:$0x3FA2] =	sst s10  }
0x35: {  	s10 =	sld [smem:$0x3FA1];
	_ =	sdelay $0x3  }
0x36: {  	p1 =	seq.s32 s10, $0x1;
	s10 =	sld [smem:$0x3FA2];
	_ =	sdelay $0x3  }
0x37: {  	[smem:$0x3FA2] =	sst s10  }
0x38: {  	s10 =	sld [smem:$0x3FA3]  }
0x39: {  	_ = 	snop;
	(pc) =	sbr.ind lr, $3  }
0x3a: {  	_ = 	snop  }
0x3b: {  	_ = 	snop  }
0x3c: {  	p2 =	seq.s32 s10, $0x1;
	s10 =	sld [smem:$0x3FA2]  }
0x3d: {  	_ =	shalt  }
0x3e: {  	_ =	shalt  }
0x3f: {  	_ =	shalt  }
0x40: {  	_ =	shalt  }
0x41: {  	_ =	shalt  }
0x42: {  	_ =	shalt  }
0x43: {  	_ =	shalt  }
0x44: {  	_ =	shalt  }
0x45: {  	_ =	shalt  }
0x46: {  	_ =	shalt  }
0x47: {  	_ =	shalt  }
0x48: {  	_ =	shalt  }
0x49: {  	_ =	shalt  }
0x4a: {  	_ =	shalt  }
0x4b: {  	_ =	shalt  }
0x4c: {  	_ =	shalt  }
0x4d: {  	_ =	shalt  }
0x4e: {  	_ =	shalt  }
0x4f: {  	_ =	shalt  }
0x50: {  	_ =	shalt  }
0x51: {  	_ =	shalt  }
0x52: {  	_ =	shalt  }
0x53: {  	_ =	shalt  }
0x54: {  	_ =	shalt  }
0x55: {  	_ =	shalt  }
0x56: {  	_ =	shalt  }
0x57: {  	_ =	shalt  }
0x58: {  	_ =	shalt  }
0x59: {  	_ =	shalt  }
0x5a: {  	_ =	shalt  }
0x5b: {  	_ =	shalt  }
0x5c: {  	_ =	shalt  }
0x5d: {  	_ =	shalt  }
0x5e: {  	_ =	shalt  }
0x5f: {  	_ =	shalt  }
0x60: {  	_ =	shalt  }
0x61: {  	_ =	shalt  }
0x62: {  	_ =	shalt  }
0x63: {  	_ =	shalt  }
0x64: {  	_ =	shalt  }
0x65: {  	_ =	shalt  }
0x66: {  	_ =	shalt  }
0x67: {  	_ =	shalt  }
0x68: {  	_ =	shalt  }
0x69: {  	_ =	shalt  }
0x6a: {  	_ =	shalt  }
0x6b: {  	_ =	shalt  }
0x6c: {  	_ =	shalt  }
0x6d: {  	_ =	shalt  }
0x6e: {  	_ =	shalt  }
0x6f: {  	_ =	shalt  }
0x70: {  	_ =	shalt  }
0x71: {  	_ =	shalt  }
0x72: {  	_ =	shalt  }
0x73: {  	_ =	shalt  }
0x74: {  	_ =	shalt  }
0x75: {  	_ =	shalt  }
0x76: {  	_ =	shalt  }
0x77: {  	_ =	shalt  }
0x78: {  	_ =	shalt  }
0x79: {  	_ =	shalt  }
0x7a: {  	_ =	shalt  }
0x7b: {  	_ =	shalt  }
0x7c: {  	_ =	shalt  }
0x7d: {  	_ =	shalt  }
0x7e: {  	_ =	shalt  }
0x7f: {  	_ =	shalt  }
0x80: {  	_ =	shalt  }
0x81: {  	_ =	shalt  }
0x82: {  	_ =	shalt  }
0x83: {  	_ =	shalt  }
0x84: {  	_ =	shalt  }
0x85: {  	_ =	shalt  }
0x86: {  	_ =	shalt  }
0x87: {  	_ =	shalt  }
.Lfunc_end0:
.L_simem_size_0:
called_computation.1_lowered:
.L_overlay_start_0:
0x88: {  	s2 =	sld [smem:$0x3FD9]  }
0x89: {  	s3 =	sld [smem:$0x3FFE];
	_ =	sdelay $0x1  }
0x8a: {  	s1 =	srdreg.scid  }
0x8b: {  	s0 =	sand.u32 $0x1, s1  }
0x8c: {  	s14 =	sshll.u32 s0, $0xA;
	s2 =	sadd.s32 s3, s2  }
0x8d: {  	s2 =	sadd.s32 s2, s14  }
0x8e: {  	[smem:$0x3FAE] =	sst s2  }
0x8f: {  	_ = 	snop  }
0x90: {  	s2 =	sld [smem:$0x3FD0];
	_ =	sdelay $0x2  }
0x91: {  	s15 =	simm.s32 $0xA;
	s4 =	simm.s32 $0x10  }
0x92: {  	[smem:s4], [sflag:s15] =	dma.local [hbm:s2], $0x1  }
0x93: {  	_ =	swait.eq [sflag:s15], $0x1  }
0x94: {  	[sflag:s15] =	ssyncset.done $0x0  }
0x95: {  	[sflag:s15] =	ssyncadd.s32 $0xFFFFFFFF  }
0x96: {  	s16 =	sld [smem:$0x10];
	(tm) =	ssettm $0x1  }
0x97: {  	s17 =	sld [smem:$0x3FFB];
	_ =	sdelay $0x3  }
0x98: {  	_ =	strace s17  }
0x99: {  	s3 =	sld [smem:$0x3FFC];
	_ =	sdelay $0x3  }
0x9a: {  	_ =	strace s3  }
0x9b: {  	s3 =	sld [smem:$0x3FFD];
	_ =	sdelay $0x3  }
0x9c: {  	_ =	strace s3  }
0x9d: {  	_ =	strace $0x8FFFFFFF  }
0x9e: {  	s18 =	sld [smem:$0x3FDB];
	_ =	sdelay $0x1  }
0x9f: {  	s19 =	simm.s32 $_scs_section_size  }
0xa0: {  	s5 =	simm.s32 $_size__tile_overlayer_lowered;
	s6 =	simm.s32 $_tile_overlayer_lowered  }
0xa1: {  	s22 =	simm.s32 $0x1BFF;
	s21 =	sshll.u32 s6, $0x1;
	s3 =	sadd.s32 s19, s18  }
0xa2: {  	s7 =	simm.s32 $0x0;
	s20 =	sshll.u32 s5, $0x1;
	s5 =	sadd.s32 s21, s3  }
0xa3: {  	[timem:s7], [sflag:s22] =	dma.local [hbm:s5], s20  }
0xa4: {  	_ =	swait.ge [sflag:s22], s20  }
0xa5: {  	s4 =	ssub.s32 $0x0, s20;
	[sflag:s22] =	ssyncset.done $0x0  }
0xa6: {  	[sflag:s22] =	ssyncadd.s32 s4;
	_ =	sdelay $0x1  }
0xa7: {  	s23 =	simm.s32 $0x1B8B  }
0xa8: {  	_ =	swait.ge [sflag:s23], $0x1  }
0xa9: {  	[sflag:s23] =	ssyncset.done $0x0  }
0xaa: {  	s25 =	simm.s32 $0x1B8E;
	s24 =	sld [smem:$0x3FFE];
	[sflag:s23] =	ssyncadd.s32 $0xFFFFFFFF  }
0xab: {  	s26 =	simm.s32 $execute0_lowered;
	[smem:$0x3FD2] =	sst s25  }
0xac: {  	s5 =	sshll.u32 s26, $0x1;
	_ =	strace $0x80000049;
	[dreg:$0x1] =	wrdreg $0xFFFFFFFF  }
0xad: {  	s28 =	simm.s32 $_size_execute0_lowered;
	s3 =	sadd.s32 s3, s5;
	[dreg:$0x0] =	wrdreg $0x0  }
0xae: {  	s5 =	sshll.u32 s28, $0x1;
	[dreg:$0x2] =	wrdreg s3  }
0xaf: {  	[dreg:$0x3] =	wrdreg s5  }
0xb0: {  	[dreg:$0x4] =	wrdreg $0xC0  }
0xb1: {  	_ =	task [dreg:s7], $0x5FFFF  }
0xb2: {  	[dreg:$0x1] =	wrdreg $0xFFFFFFFF  }
0xb3: {  	[dreg:$0x0] =	wrdreg $0x60  }
0xb4: {  	[dreg:$0x2] =	wrdreg s24  }
0xb5: {  	[dreg:$0x3] =	wrdreg s16  }
0xb6: {  	[dreg:$0x4] =	wrdreg $0x84D00  }
0xb7: {  	[dreg:$0x5] =	wrdreg $0x1BD500  }
0xb8: {  	[dreg:$0x6] =	wrdreg $0x9  }
0xb9: {  	_ =	task.clear_ibuf [dreg:s7], $0x7FFFF;
	_ =	strace $0x90000049  }
0xba: {  	s29 =	simm.s32 $0x9;
	_ =	strace $0x8000004B  }
0xbb: {  	_ =	swait.ge [sflag:s29], $0x1  }
0xbc: {  	[sflag:s29] =	ssyncadd.s32 $0xFFFFFFFF  }
0xbd: {  	_ =	strace $0x9000004B  }
0xbe: {  	_ =	sfence  }
0xbf: {  	s30 =	sld [smem:$0x0];
	_ =	sdelay $0x2  }
0xc0: {  	s31 =	sshll.u32 s1, $0xD;
	s1 =	sshrl.u32 s1, $0x2  }
0xc1: {  	s3 =	sand.u32 $0x4000, s31;
	s1 =	sadd.s32 s1, s30  }
0xc2: {  	s0 =	sor.u32 s3, s0;
	s1 =	sshll.u32 s1, $0x11  }
0xc3: {  	s0 =	sor.u32 s1, s0  }
0xc4: {  	s0 =	sadd.s32 $0x8F2B, s0  }
0xc5: {  	[sflag:s0] =	ssyncadd.remote.s32 $0x1  }
0xc6: {  	_ =	sfence.sel $0xFFFF  }
0xc7: {  	[dreg:$0x0] =	wrdreg $0xFFFFFFFF;
	(pc) =	sbr.abs _section_cstart, $3  }
0xc8: {  	[dreg:$0x1] =	wrdreg $0xFFFFFFFF  }
0xc9: {  	_ =	task.clear_ibuf [dreg:s7], $0x2FFFF;
	_ =	strace $0x9FFFFFFF  }
0xca: {  	(tm) =	ssettm $0x7FFFFFFF  }
0xcb: {  	_ =	shalt  }
tec
execute0_lowered:
.L_overlay_start_1:
0x0: {  	(tag) =	ssettag $0x1  }
0x1: {  	s0 =	rddreg [dreg:$0x0]  }
0x2: {  	s1 =	rddreg [dreg:$0x1]  }
0x3: {  	s2 =	rddreg [dreg:$0x2]  }
0x4: {  	s3 =	rddreg [dreg:$0x3]  }
0x5: {  	s5 =	srdreg.scid;
	s17 =	stileid.u32;
	s4 =	simm.s32 $0x0  }
0x6: {  	s28 =	simm.s32 $0x1;
	s29 =	simm.s32 $0x64;
	s30 =	simm.s32 $0x2  }
0x7: {  	s31 =	simm.s32 $0x1380;
	s5 =	sand.u32 $0x1, s5;
	s9 =	smul.u32 $0x13880, s17  }
0x8: {  	s6 =	sshll.u32 s17, $0x1;
	[smem:$0x7FF] =	sst s4;
	s15 =	smul.u32 $0x2710, s17  }
0x9: {  	s8 =	sadd.s32 $0x896C00, s0;
	s6 =	sor.u32 s5, s6;
	s11 =	smul.u32 $0x138800, s5  }
0xa: {  	s10 =	sadd.s32 $0x2D400, s0;
	s23 =	sshll.u32 s17, $0x6;
	s7 =	smul.u32 $0x28A, s6  }
0xb: {  	_ =	strace $0x8000004A;
	s13 =	ssub.s32 $0x2, s5;
	s24 =	smul.u32 $0x13880, s6  }
0xc: {  	s21 =	sshrl.u32 s9, $0x3;
	s14 =	sshrl.u32 s15, $0x3;
	s25 =	smul.u32 $0x2710, s6  }
0xd: {  	s16 =	sshrl.u32 s13, $0x1;
	s26 =	sadd.s32 s15, s3;
	s6 =	smul.u32 $0x1388, s6  }
0xe: {  	s11 =	sadd.s32 s9, s11;
	s14 =	sadd.s32 s14, s0;
	s22 =	ssub.s32 s13, s16  }
0xf: {  	s9 =	sadd.s32 s9, s2;
	[dreg:$0x7] =	wrdreg s26;
	s16 =	smul.u32 $0x27100, s5  }
0x10: {  	s5 =	smul.u32 $0x1388, s5;
	s12 =	sadd.s32 s7, s0;
	s7 =	sadd.s32 s21, s0  }
0x11: {  	s11 =	sshrl.u32 s11, $0x3;
	[dreg:$0x5] =	wrdreg s9;
	s14 =	sadd.s32 $0xA2800, s14  }
0x12: {  	s17 =	sadd.s32 s8, s24;
	s9 =	sadd.s32 s10, s25;
	[dreg:$0x8] =	wrdreg s14  }
0x13: {  	s6 =	sadd.s32 $0x1324, s6;
	s0 =	sadd.s32 s11, s0;
	[dreg:$0xa] =	wrdreg s17  }
0x14: {  	s7 =	sadd.s32 $0x7B600, s7;
	s12 =	sadd.s32 $0xAC600, s12;
	[dreg:$0xb] =	wrdreg s9  }
0x15: {  	s18 =	sadd.s32 s15, s16;
	s20 =	sshll.u32 s6, $0x4;
	s21 =	sadd.s32 s5, s15  }
0x16: {  	s15 =	smax.u32 s22, $0x1;
	[dreg:$0x6] =	wrdreg s7;
	s7 =	sor.u32 $0x1C03, s23  }
0x17: {  	[dreg:$0x9] =	wrdreg s12;
	s0 =	sadd.s32 $0x117C00, s0;
	s19 =	sshrl.u32 s18, $0x3  }
0x18: {  	s16 =	sadd.s32 s8, s20;
	s22 =	sadd.s32 $0x64, s21;
	s23 =	sshll.u32 s6, $0x1  }
0x19: {  	[dreg:$0xc] =	wrdreg s0;
	s14 =	sadd.s32 s1, s19;
	s0 =	sshrl.u32 s22, $0x2  }
0x1a: {  	s1 =	sadd.s32 $0xC8, s21;
	s17 =	sadd.s32 s10, s23;
	s22 =	simm.s32 $0x3  }
0x1b: {  	s23 =	simm.s32 $0x1450;
	s24 =	sshll.u32 s0, $0x3;
	s1 =	sshrl.u32 s1, $0x3  }
0x1c: {  	s0 =	sshll.u32 s0, $0x6;
	s11 =	sadd.s32 s24, s10;
	s25 =	sshll.u32 s1, $0x4  }
0x1d: {  	s12 =	sadd.s32 s0, s8;
	s26 =	sshll.u32 s1, $0x7;
	s24 =	simm.s32 $0x7850  }
0x1e: {  	s0 =	simm.s32 $0x13E8;
	s1 =	simm.s32 $0x0;
	s20 =	sadd.s32 s25, s10  }
0x1f: {  	s21 =	sadd.s32 s26, s8;
	s25 =	simm.s32 $0x4650;
	s26 =	simm.s32 $0x7E90  }
.LBB2_1:
0x20: {  	s5 =	rddreg [dreg:$0x5]  }
0x21: {  	s6 =	rddreg [dreg:$0x6];
	s5 =	sshrl.u32 s5, $0x3  }
0x22: {  	[spmem:s5], [sflag:s7] =	dma.local [hbm:s6], $0x2710  }
0x23: {  	_ =	swait.ge [sflag:s22], $0x2710  }
0x24: {  	[sflag:s22] =	ssyncset.done $0x0;
	s8 =	rddreg [dreg:$0x7]  }
0x25: {  	[sflag:s22] =	ssyncadd.s32 $0xFFFFD8F0;
	s6 =	sshrl.u32 s8, $0x3;
	s8 =	rddreg [dreg:$0x8]  }
0x26: {  	[spmem:s6], [sflag:s7] =	dma.local [hbm:s8], $0x4E2  }
0x27: {  	_ =	swait.ge [sflag:s22], $0x4E2  }
0x28: {  	[sflag:s22] =	ssyncset.done $0x0  }
0x29: {  	s9 =	rddreg [dreg:$0x9];
	[sflag:s22] =	ssyncadd.s32 $0xFFFFFB1E  }
0x2a: {  	[tilespmem:s4], [sflag:$0x3] =	stream.linear.gather [hbm4b:s9+s4], $0x1450, $0x38;
	[tilespmem:$0x1E460] =	vst v63  }
0x2b: {  	_ =	swait.ge [sflag:s22], $0x1450  }
0x2c: {  	[sflag:s22] =	ssyncset.done $0x0  }
0x2d: {  	[sflag:s22] =	ssyncadd.s32 $0xFFFFEBB0  }
0x2e: {  	[bflag:$0x0] =	sbarrier.arrive $0xFFFF  }
0x2f: {  	s10 =	rddreg [dreg:$0xa]  }
0x30: {  	[tilespmem:s23], [sflag:$0x1] =	stream.linear.gather [hbm4b:s10+s4], $0x3200, $0x38;
	[tilespmem:$0x1E460] =	vst v63  }
0x31: {  	s13 =	rddreg [dreg:$0xb]  }
0x32: {  	[tilespmem:s24], [sflag:$0x1] =	stream.linear.gather [hbm4b:s13+s4], $0x640, $0x38;
	[tilespmem:$0x1E460] =	vst v63  }
0x33: {  	_ = 	snop  }
0x34: {  	[tilespmem:s25], [sflag:$0x2] =	stream.linear.gather [hbm4b:s12+s4], $0x3200, $0x38;
	[tilespmem:$0x1E460] =	vst v63  }
0x35: {  	_ = 	snop  }
0x36: {  	[tilespmem:s26], [sflag:$0x2] =	stream.linear.gather [hbm4b:s11+s4], $0x640, $0x38;
	[tilespmem:$0x1E460] =	vst v63  }
0x37: {  	_ =	swait.ge [sflag:s28], $0x3200  }
0x38: {  	[sflag:s28] =	ssyncset.done $0x0  }
0x39: {  	[sflag:s28] =	ssyncadd.s32 $0xFFFFCE00  }
0x3a: {  	_ =	swait.ge [sflag:s28], $0x640  }
0x3b: {  	[sflag:s28] =	ssyncset.done $0x0  }
0x3c: {  	s18 =	simm.s32 $0x0;
	[sflag:s28] =	ssyncadd.s32 $0xFFFFF9C0  }
0x3d: {  	[spmem:s2] =	stream.indirect.scatter.add.f32 [tilespmem:s23], [sflag:$0x3], $0x80, s18, s29, $0xb8;
	[tilespmem:$0x1E460] =	vst v63  }
0x3e: {  	_ =	swait.ge [sflag:s22], $0x3200  }
0x3f: {  	[sflag:s22] =	ssyncset.done $0x0  }
0x40: {  	[sflag:s22] =	ssyncadd.s32 $0xFFFFCE00  }
0x41: {  	[spmem:s3] =	stream.indirect.scatter.add.f32 [tilespmem:s24], [sflag:$0x3], $0x10, s18, s29, $0xb8;
	[tilespmem:$0x1E460] =	vst v63  }
0x42: {  	_ =	swait.ge [sflag:s22], $0x640  }
0x43: {  	[sflag:s22] =	ssyncset.done $0x0  }
0x44: {  	[sflag:s22] =	ssyncadd.s32 $0xFFFFF9C0  }
0x45: {  	[tilespmem:s23], [sflag:$0x1] =	stream.linear.gather [hbm4b:s21+s4], $0x3200, $0x38;
	[tilespmem:$0x1E460] =	vst v63  }
0x46: {  	_ = 	snop  }
0x47: {  	[tilespmem:s24], [sflag:$0x1] =	stream.linear.gather [hbm4b:s20+s4], $0x640, $0x38;
	[tilespmem:$0x1E460] =	vst v63  }
0x48: {  	_ =	swait.ge [sflag:s30], $0x3200  }
0x49: {  	[sflag:s30] =	ssyncset.done $0x0  }
0x4a: {  	[sflag:s30] =	ssyncadd.s32 $0xFFFFCE00  }
0x4b: {  	_ =	swait.ge [sflag:s30], $0x640  }
0x4c: {  	[sflag:s30] =	ssyncset.done $0x0  }
0x4d: {  	s19 =	simm.s32 $0x68;
	[sflag:s30] =	ssyncadd.s32 $0xFFFFF9C0  }
0x4e: {  	[spmem:s2] =	stream.indirect.scatter.add.f32 [tilespmem:s25], [sflag:$0x3], $0x80, s19, s29, $0xb8;
	[tilespmem:$0x1E460] =	vst v63  }
0x4f: {  	_ =	swait.ge [sflag:s22], $0x3200  }
0x50: {  	[sflag:s22] =	ssyncset.done $0x0  }
0x51: {  	s8 =	simm.s32 $0x340;
	[sflag:s22] =	ssyncadd.s32 $0xFFFFCE00  }
0x52: {  	[spmem:s3] =	stream.indirect.scatter.add.f32 [tilespmem:s26], [sflag:$0x3], $0x10, s19, s29, $0xb8;
	[tilespmem:$0x1E460] =	vst v63  }
0x53: {  	s9 =	sadd.s32 $0x190, s20;
	s10 =	sadd.s32 $0xC80, s21;
	_ =	swait.ge [sflag:s22], $0x640  }
0x54: {  	s18 =	smov.u32 s11;
	s19 =	smov.u32 s12;
	[sflag:s22] =	ssyncset.done $0x0  }
.LBB2_2:
0x55: {  	[sflag:s22] =	ssyncadd.s32 $0xFFFFF9C0;
	s18 =	sadd.s32 $0x190, s18;
	s19 =	sadd.s32 $0xC80, s19  }
0x56: {  	[tilespmem:s25], [sflag:$0x2] =	stream.linear.gather [hbm4b:s19+s4], $0x3200, $0x38;
	[tilespmem:$0x1E460] =	vst v63  }
0x57: {  	p0 =	sne.s32 s8, $0x4AC0;
	s13 =	smov.u32 s8;
	s8 =	sadd.s32 $0x340, s8  }
0x58: {  	[tilespmem:s26], [sflag:$0x2] =	stream.linear.gather [hbm4b:s18+s4], $0x640, $0x38;
	[tilespmem:$0x1E460] =	vst v63  }
0x59: {  	_ =	swait.ge [sflag:s28], $0x3200  }
0x5a: {  	[sflag:s28] =	ssyncset.done $0x0  }
0x5b: {  	[sflag:s28] =	ssyncadd.s32 $0xFFFFCE00  }
0x5c: {  	_ =	swait.ge [sflag:s28], $0x640  }
0x5d: {  	[sflag:s28] =	ssyncset.done $0x0  }
0x5e: {  	s13 =	sshra.s32 s13, $0x2;
	[sflag:s28] =	ssyncadd.s32 $0xFFFFF9C0  }
0x5f: {  	[spmem:s2] =	stream.indirect.scatter.add.f32 [tilespmem:s23], [sflag:$0x3], $0x80, s13, s29, $0xb8;
	[tilespmem:$0x1E460] =	vst v63  }
0x60: {  	_ =	swait.ge [sflag:s22], $0x3200  }
0x61: {  	[sflag:s22] =	ssyncset.done $0x0  }
0x62: {  	[sflag:s22] =	ssyncadd.s32 $0xFFFFCE00  }
0x63: {  	[spmem:s3] =	stream.indirect.scatter.add.f32 [tilespmem:s24], [sflag:$0x3], $0x10, s13, s29, $0xb8;
	[tilespmem:$0x1E460] =	vst v63  }
0x64: {  	_ =	swait.ge [sflag:s22], $0x640  }
0x65: {  	[sflag:s22] =	ssyncset.done $0x0  }
0x66: {  	[sflag:s22] =	ssyncadd.s32 $0xFFFFF9C0  }
0x67: {  	[tilespmem:s23], [sflag:$0x1] =	stream.linear.gather [hbm4b:s10+s4], $0x3200, $0x38;
	[tilespmem:$0x1E460] =	vst v63  }
0x68: {  	_ = 	snop  }
0x69: {  	[tilespmem:s24], [sflag:$0x1] =	stream.linear.gather [hbm4b:s9+s4], $0x640, $0x38;
	[tilespmem:$0x1E460] =	vst v63  }
0x6a: {  	_ =	swait.ge [sflag:s30], $0x3200  }
0x6b: {  	[sflag:s30] =	ssyncset.done $0x0  }
0x6c: {  	[sflag:s30] =	ssyncadd.s32 $0xFFFFCE00  }
0x6d: {  	_ =	swait.ge [sflag:s30], $0x640  }
0x6e: {  	[sflag:s30] =	ssyncset.done $0x0  }
0x6f: {  	s13 =	sadd.s32 $0x68, s13;
	[sflag:s30] =	ssyncadd.s32 $0xFFFFF9C0  }
0x70: {  	[spmem:s2] =	stream.indirect.scatter.add.f32 [tilespmem:s25], [sflag:$0x3], $0x80, s13, s29, $0xb8;
	[tilespmem:$0x1E460] =	vst v63  }
0x71: {  	_ =	swait.ge [sflag:s22], $0x3200  }
.Ltmp0:
0x72: {  	[sflag:s22] =	ssyncset.done $0x0;
	(pc) =	sbr.rel @p0 .LBB2_2-.Ltmp0, $4  }
0x73: {  	[sflag:s22] =	ssyncadd.s32 $0xFFFFCE00  }
0x74: {  	[spmem:s3] =	stream.indirect.scatter.add.f32 [tilespmem:s26], [sflag:$0x3], $0x10, s13, s29, $0xb8;
	[tilespmem:$0x1E460] =	vst v63  }
0x75: {  	_ =	swait.ge [sflag:s22], $0x640  }
0x76: {  	s10 =	sadd.s32 $0xC80, s10;
	s9 =	sadd.s32 $0x190, s9;
	[sflag:s22] =	ssyncset.done $0x0  }
0x77: {  	[sflag:s22] =	ssyncadd.s32 $0xFFFFF9C0  }
0x78: {  	[tilespmem:s25], [sflag:$0x2] =	stream.linear.gather [hbm4b:s16+s4], $0x3200, $0x38;
	[tilespmem:$0x1E460] =	vst v63  }
0x79: {  	_ = 	snop  }
0x7a: {  	[tilespmem:s26], [sflag:$0x2] =	stream.linear.gather [hbm4b:s17+s4], $0x640, $0x38;
	[tilespmem:$0x1E460] =	vst v63  }
0x7b: {  	_ =	swait.ge [sflag:s28], $0x3200  }
0x7c: {  	[sflag:s28] =	ssyncset.done $0x0  }
0x7d: {  	[sflag:s28] =	ssyncadd.s32 $0xFFFFCE00  }
0x7e: {  	_ =	swait.ge [sflag:s28], $0x640  }
0x7f: {  	[sflag:s28] =	ssyncset.done $0x0  }
0x80: {  	[sflag:s28] =	ssyncadd.s32 $0xFFFFF9C0  }
0x81: {  	[spmem:s2] =	stream.indirect.scatter.add.f32 [tilespmem:s23], [sflag:$0x3], $0x80, s31, s29, $0xb8;
	[tilespmem:$0x1E460] =	vst v63  }
0x82: {  	_ =	swait.ge [sflag:s22], $0x3200  }
0x83: {  	[sflag:s22] =	ssyncset.done $0x0  }
0x84: {  	[sflag:s22] =	ssyncadd.s32 $0xFFFFCE00  }
0x85: {  	[spmem:s3] =	stream.indirect.scatter.add.f32 [tilespmem:s24], [sflag:$0x3], $0x10, s31, s29, $0xb8;
	[tilespmem:$0x1E460] =	vst v63  }
0x86: {  	_ =	swait.ge [sflag:s22], $0x640  }
0x87: {  	[sflag:s22] =	ssyncset.done $0x0  }
0x88: {  	[sflag:s22] =	ssyncadd.s32 $0xFFFFF9C0  }
0x89: {  	_ =	swait.ge [sflag:s30], $0x3200  }
0x8a: {  	[sflag:s30] =	ssyncset.done $0x0  }
0x8b: {  	[sflag:s30] =	ssyncadd.s32 $0xFFFFCE00  }
0x8c: {  	_ =	swait.ge [sflag:s30], $0x640  }
0x8d: {  	[sflag:s30] =	ssyncset.done $0x0  }
0x8e: {  	[sflag:s30] =	ssyncadd.s32 $0xFFFFF9C0  }
0x8f: {  	[spmem:s2] =	stream.indirect.scatter.add.f32 [tilespmem:s25], [sflag:$0x3], $0x80, s0, s29, $0xb8;
	[tilespmem:$0x1E460] =	vst v63  }
0x90: {  	_ =	swait.ge [sflag:s22], $0x3200  }
0x91: {  	[sflag:s22] =	ssyncset.done $0x0  }
0x92: {  	[sflag:s22] =	ssyncadd.s32 $0xFFFFCE00  }
0x93: {  	[spmem:s3] =	stream.indirect.scatter.add.f32 [tilespmem:s26], [sflag:$0x3], $0x10, s0, s29, $0xb8;
	[tilespmem:$0x1E460] =	vst v63  }
0x94: {  	_ =	swait.ge [sflag:s22], $0x640  }
0x95: {  	[sflag:s22] =	ssyncset.done $0x0  }
0x96: {  	[sflag:s22] =	ssyncadd.s32 $0xFFFFF9C0  }
0x97: {  	[bflag:$0x0] =	sbarrier.arrive $0xFFFF  }
0x98: {  	s8 =	rddreg [dreg:$0xc]  }
0x99: {  	[hbm:s8], [sflag:s7] =	dma.local [spmem:s5], $0x2710  }
0x9a: {  	s1 =	sadd.s32 $0x1, s1;
	_ =	swait.ge [sflag:s22], $0x2710  }
0x9b: {  	p0 =	sne.s32 s1, s15;
	[sflag:s22] =	ssyncset.done $0x0  }
.Ltmp1:
0x9c: {  	[sflag:s22] =	ssyncadd.s32 $0xFFFFD8F0;
	(pc) =	sbr.rel @p0 .LBB2_1-.Ltmp1, $4  }
0x9d: {  	[hbm:s14], [sflag:s7] =	dma.local [spmem:s6], $0x4E2  }
0x9e: {  	_ =	swait.ge [sflag:s22], $0x4E2  }
0x9f: {  	[sflag:s22] =	ssyncset.done $0x0  }
0xa0: {  	[sflag:s22] =	ssyncadd.s32 $0xFFFFFB1E  }
0xa1: {  	_ =	sfence.sel $0x180000  }
0xa2: {  	[bflag:$0x0] =	sbarrier.arrive $0xFFFF  }
0xa3: {  	_ =	strace $0x9000004A  }
0xa4: {  	s0 =	stileid.u32;
	[bflag:$0x2] =	sbarrier.arrive $0xFFFF  }
0xa5: {  	p0 =	sne.s32 s0, $0x0;
	s0 =	rddreg [dreg:$0x4]  }
0xa6: {  	s0 =	sadd.s32 @!p0 $0x100000, s0  }
0xa7: {  	[sflag:s0] =	ssyncadd.tile.s32 @!p0 $0x1;
	_ =	shalt  }
.Lfunc_end2:
_tile_overlayer_lowered:
.L_overlay_start_2:
0xa8: {  	(tag) =	ssettag $0x2  }
0xa9: {  	s0 =	rddreg [dreg:$0x0];
	s2 =	stileid.u32  }
0xaa: {  	s1 =	rddreg [dreg:$0x1];
	p0 =	sne.s32 s2, $0x0  }
0xab: {  	s3 =	rddreg [dreg:$0x2];
	[bflag:$0x3] =	sbarrier.arrive $0xFFFF;
	s2 =	simm.s32 @!p0 $0x1C03  }
0xac: {  	[timem:s3], [sflag:s2] =	dma.local @!p0 [hbm:s0], s1  }
0xad: {  	s0 =	simm.s32 @!p0 $0x3  }
0xae: {  	_ =	swait.ge @!p0 [sflag:s0], s1  }
0xaf: {  	s1 =	ssub.s32 @!p0 $0x0, s1;
	[sflag:s0] =	ssyncset.done @!p0 $0x0  }
0xb0: {  	[sflag:s0] =	ssyncadd.s32 @!p0 s1  }
0xb1: {  	[bflag:$0x3] =	sbarrier.arrive $0xFFFF  }
0xb2: {  	_ =	shalt  }

// kernel: kernel.7.cloned.1.call-start
scs
__scs_entry_jumppad:
0x0: {  	(pc) =	sbr.rel $0x88, $3  }
0x1: {  	(tag) =	ssettag $0x0;
	lr =	simm.s32 $0x1  }
0x2: {  	[smem:$0x3F87] =	sst lr;
	_ =	strace $0xD0000000  }
0x3: {  	_ = 	snop  }
0x4: {  	_ = 	snop  }
0x5: {  	_ = 	snop  }
0x6: {  	_ = 	snop  }
0x7: {  	_ = 	snop  }
__scs_overlays_trampoline_lowered:
0x8: {  	[smem:$0x3F96] =	sst s0  }
0x9: {  	[smem:$0x3F97] =	sst s1  }
0xa: {  	[smem:$0x3F98] =	sst s2  }
0xb: {  	[smem:$0x3F99] =	sst s3  }
0xc: {  	[smem:$0x3F9A] =	sst s4  }
0xd: {  	[smem:$0x3F9B] =	sst s5  }
0xe: {  	[smem:$0x3F9C] =	sst s6  }
0xf: {  	[smem:$0x3F9D] =	sst s7  }
0x10: {  	[smem:$0x3F9E] =	sst s8  }
0x11: {  	[smem:$0x3F9F] =	sst s9;
	s0 =	simm.s32 @!p0 $0x0  }
0x12: {  	s1 =	sld [smem:$0x3F85];
	s0 =	simm.s32 @p0 $0x1  }
0x13: {  	[smem:$0x3FA0] =	sst s0;
	s0 =	simm.s32 @!p1 $0x0  }
0x14: {  	s2 =	sld [smem:$0x3F84];
	s0 =	simm.s32 @p1 $0x1  }
0x15: {  	[smem:$0x3FA1] =	sst s0;
	s0 =	simm.s32 @!p2 $0x0  }
0x16: {  	s3 =	sld [smem:$0x3FDB];
	s0 =	simm.s32 @p2 $0x1  }
0x17: {  	s4 =	simm.s32 $0x1BF5;
	[smem:$0x3FA3] =	sst s0  }
0x18: {  	s0 =	sld [smem:$0x3F86];
	_ =	swait.ge [sflag:s4], $0x0  }
0x19: {  	s7 =	sld [smem:$0x3F87]  }
0x1a: {  	s8 =	sadd.s32 $0xFFFFE003, lr  }
0x1b: {  	s9 =	sadd.s32 $0xFFFFFEF7, lr;
	s5 =	simm.s32 $0xFFFFFFFF;
	p2 =	slt.u32 s8, $0xFFFFF086  }
0x1c: {  	p1 =	slt.u32 s9, $0xF7A;
	s5 =	simm.s32 @!p2 $0x0  }
0x1d: {  	s5 =	simm.s32 @p1 $0x1;
	p0 =	seq.s32 s7, s2  }
0x1e: {  	s7 =	smul.u32 @!p0 $0xF7A, s2;
	p2 =	seq.s32 @!p0 s5, $0x0  }
0x1f: {  	s9 =	smul.u32 $0xF7A, s1;
	s8 =	simm.s32 @!p0 $0x1BF5;
	p2 =	por !p2, p0  }
0x20: {  	[sflag:s8] =	ssyncset.s32 @!p0 $0xFFFFF086;
	s6 =	sadd.s32 @!p0 s3, s7;
	s7 =	simm.s32 @!p0 $0x108  }
0x21: {  	s3 =	sadd.s32 s3, s9;
	s6 =	sadd.s32 @!p0 $0x88, s6;
	s7 =	simm.s32 @p2 $0x1082  }
0x22: {  	[simem:s7], [sflag:s8] =	dma.local @!p0 [hbm:s6], $0xF7A  }
0x23: {  	s9 =	sor.u32 $0xD0000000, s2;
	s6 =	simm.s32 $0x108;
	_ =	swait.ge @!p0 [sflag:s8], $0x0  }
0x24: {  	s3 =	sadd.s32 $0x88, s3;
	s6 =	simm.s32 @!p1 $0x1082;
	[sflag:s4] =	ssyncset.s32 $0xFFFFF086  }
0x25: {  	[simem:s6], [sflag:s4] =	dma.local [hbm:s3], $0xF7A  }
0x26: {  	[smem:$0x3F87] =	sst s1;
	(tag) =	ssettag s2;
	_ =	strace s9  }
0x27: {  	s1 =	sld [smem:$0x3F97]  }
0x28: {  	s2 =	sld [smem:$0x3F98]  }
0x29: {  	s4 =	sld [smem:$0x3F9A]  }
0x2a: {  	p0 =	seq.s32 s5, $0x0;
	s5 =	sld [smem:$0x3F9B]  }
0x2b: {  	s6 =	sld [smem:$0x3F9C]  }
0x2c: {  	s7 =	sld [smem:$0x3F9D]  }
0x2d: {  	s3 =	simm.s32 $0x108;
	s8 =	sld [smem:$0x3F9E]  }
0x2e: {  	s3 =	simm.s32 @!p0 $0x1082;
	s9 =	sld [smem:$0x3F9F]  }
0x2f: {  	lr =	sadd.s32 s0, s3;
	s0 =	sld [smem:$0x3F96]  }
0x30: {  	s3 =	sld [smem:$0x3F99]  }
0x31: {  	[smem:$0x3FA2] =	sst s10  }
0x32: {  	s10 =	sld [smem:$0x3FA0];
	_ =	sdelay $0x3  }
0x33: {  	p0 =	seq.s32 s10, $0x1;
	s10 =	sld [smem:$0x3FA2];
	_ =	sdelay $0x3  }
0x34: {  	[smem:$0x3FA2] =	sst s10  }
0x35: {  	s10 =	sld [smem:$0x3FA1];
	_ =	sdelay $0x3  }
0x36: {  	p1 =	seq.s32 s10, $0x1;
	s10 =	sld [smem:$0x3FA2];
	_ =	sdelay $0x3  }
0x37: {  	[smem:$0x3FA2] =	sst s10  }
0x38: {  	s10 =	sld [smem:$0x3FA3]  }
0x39: {  	_ = 	snop;
	(pc) =	sbr.ind lr, $3  }
0x3a: {  	_ = 	snop  }
0x3b: {  	_ = 	snop  }
0x3c: {  	p2 =	seq.s32 s10, $0x1;
	s10 =	sld [smem:$0x3FA2]  }
0x3d: {  	_ =	shalt  }
0x3e: {  	_ =	shalt  }
0x3f: {  	_ =	shalt  }
0x40: {  	_ =	shalt  }
0x41: {  	_ =	shalt  }
0x42: {  	_ =	shalt  }
0x43: {  	_ =	shalt  }
0x44: {  	_ =	shalt  }
0x45: {  	_ =	shalt  }
0x46: {  	_ =	shalt  }
0x47: {  	_ =	shalt  }
0x48: {  	_ =	shalt  }
0x49: {  	_ =	shalt  }
0x4a: {  	_ =	shalt  }
0x4b: {  	_ =	shalt  }
0x4c: {  	_ =	shalt  }
0x4d: {  	_ =	shalt  }
0x4e: {  	_ =	shalt  }
0x4f: {  	_ =	shalt  }
0x50: {  	_ =	shalt  }
0x51: {  	_ =	shalt  }
0x52: {  	_ =	shalt  }
0x53: {  	_ =	shalt  }
0x54: {  	_ =	shalt  }
0x55: {  	_ =	shalt  }
0x56: {  	_ =	shalt  }
0x57: {  	_ =	shalt  }
0x58: {  	_ =	shalt  }
0x59: {  	_ =	shalt  }
0x5a: {  	_ =	shalt  }
0x5b: {  	_ =	shalt  }
0x5c: {  	_ =	shalt  }
0x5d: {  	_ =	shalt  }
0x5e: {  	_ =	shalt  }
0x5f: {  	_ =	shalt  }
0x60: {  	_ =	shalt  }
0x61: {  	_ =	shalt  }
0x62: {  	_ =	shalt  }
0x63: {  	_ =	shalt  }
0x64: {  	_ =	shalt  }
0x65: {  	_ =	shalt  }
0x66: {  	_ =	shalt  }
0x67: {  	_ =	shalt  }
0x68: {  	_ =	shalt  }
0x69: {  	_ =	shalt  }
0x6a: {  	_ =	shalt  }
0x6b: {  	_ =	shalt  }
0x6c: {  	_ =	shalt  }
0x6d: {  	_ =	shalt  }
0x6e: {  	_ =	shalt  }
0x6f: {  	_ =	shalt  }
0x70: {  	_ =	shalt  }
0x71: {  	_ =	shalt  }
0x72: {  	_ =	shalt  }
0x73: {  	_ =	shalt  }
0x74: {  	_ =	shalt  }
0x75: {  	_ =	shalt  }
0x76: {  	_ =	shalt  }
0x77: {  	_ =	shalt  }
0x78: {  	_ =	shalt  }
0x79: {  	_ =	shalt  }
0x7a: {  	_ =	shalt  }
0x7b: {  	_ =	shalt  }
0x7c: {  	_ =	shalt  }
0x7d: {  	_ =	shalt  }
0x7e: {  	_ =	shalt  }
0x7f: {  	_ =	shalt  }
0x80: {  	_ =	shalt  }
0x81: {  	_ =	shalt  }
0x82: {  	_ =	shalt  }
0x83: {  	_ =	shalt  }
0x84: {  	_ =	shalt  }
0x85: {  	_ =	shalt  }
0x86: {  	_ =	shalt  }
0x87: {  	_ =	shalt  }
.Lfunc_end0:
.L_simem_size_0:
called_computation_lowered:
.L_overlay_start_0:
0x88: {  	s2 =	sld [smem:$0x3FD9]  }
0x89: {  	s3 =	sld [smem:$0x3FFE];
	_ =	sdelay $0x1  }
0x8a: {  	s1 =	srdreg.scid  }
0x8b: {  	s0 =	sand.u32 $0x1, s1  }
0x8c: {  	s14 =	sshll.u32 s0, $0xA;
	s2 =	sadd.s32 s3, s2  }
0x8d: {  	s2 =	sadd.s32 s2, s14  }
0x8e: {  	[smem:$0x3FAE] =	sst s2  }
0x8f: {  	_ = 	snop  }
0x90: {  	s2 =	sld [smem:$0x3FD0];
	_ =	sdelay $0x2  }
0x91: {  	s15 =	simm.s32 $0xA;
	s4 =	simm.s32 $0x10  }
0x92: {  	[smem:s4], [sflag:s15] =	dma.local [hbm:s2], $0x1  }
0x93: {  	_ =	swait.eq [sflag:s15], $0x1  }
0x94: {  	[sflag:s15] =	ssyncset.done $0x0  }
0x95: {  	[sflag:s15] =	ssyncadd.s32 $0xFFFFFFFF  }
0x96: {  	s16 =	sld [smem:$0x10];
	(tm) =	ssettm $0x1  }
0x97: {  	s17 =	sld [smem:$0x3FFB];
	_ =	sdelay $0x3  }
0x98: {  	_ =	strace s17  }
0x99: {  	s3 =	sld [smem:$0x3FFC];
	_ =	sdelay $0x3  }
0x9a: {  	_ =	strace s3  }
0x9b: {  	s3 =	sld [smem:$0x3FFD];
	_ =	sdelay $0x3  }
0x9c: {  	_ =	strace s3  }
0x9d: {  	_ =	strace $0x8FFFFFFF  }
0x9e: {  	s18 =	sld [smem:$0x3FDB];
	_ =	sdelay $0x1  }
0x9f: {  	s19 =	simm.s32 $_scs_section_size  }
0xa0: {  	s5 =	simm.s32 $_size__tile_overlayer_lowered;
	s6 =	simm.s32 $_tile_overlayer_lowered  }
0xa1: {  	s22 =	simm.s32 $0x1BFF;
	s21 =	sshll.u32 s6, $0x1;
	s3 =	sadd.s32 s19, s18  }
0xa2: {  	s7 =	simm.s32 $0x0;
	s20 =	sshll.u32 s5, $0x1;
	s5 =	sadd.s32 s21, s3  }
0xa3: {  	[timem:s7], [sflag:s22] =	dma.local [hbm:s5], s20  }
0xa4: {  	_ =	swait.ge [sflag:s22], s20  }
0xa5: {  	s4 =	ssub.s32 $0x0, s20;
	[sflag:s22] =	ssyncset.done $0x0  }
0xa6: {  	[sflag:s22] =	ssyncadd.s32 s4;
	_ =	sdelay $0x1  }
0xa7: {  	s23 =	simm.s32 $0x1B8B  }
0xa8: {  	_ =	swait.ge [sflag:s23], $0x1  }
0xa9: {  	[sflag:s23] =	ssyncset.done $0x0  }
0xaa: {  	s25 =	simm.s32 $0x1B8E;
	s24 =	sld [smem:$0x3FFE];
	[sflag:s23] =	ssyncadd.s32 $0xFFFFFFFF  }
0xab: {  	s26 =	simm.s32 $execute0_lowered;
	[smem:$0x3FD2] =	sst s25  }
0xac: {  	s5 =	sshll.u32 s26, $0x1;
	_ =	strace $0x80000046;
	[dreg:$0x1] =	wrdreg $0xFFFFFFFF  }
0xad: {  	s28 =	simm.s32 $_size_execute0_lowered;
	s3 =	sadd.s32 s3, s5;
	[dreg:$0x0] =	wrdreg $0x0  }
0xae: {  	s5 =	sshll.u32 s28, $0x1;
	[dreg:$0x2] =	wrdreg s3  }
0xaf: {  	[dreg:$0x3] =	wrdreg s5  }
0xb0: {  	[dreg:$0x4] =	wrdreg $0xC0  }
0xb1: {  	_ =	task [dreg:s7], $0x5FFFF  }
0xb2: {  	[dreg:$0x1] =	wrdreg $0xFFFFFFFF  }
0xb3: {  	[dreg:$0x0] =	wrdreg $0x60  }
0xb4: {  	[dreg:$0x2] =	wrdreg s24  }
0xb5: {  	[dreg:$0x3] =	wrdreg s16  }
0xb6: {  	[dreg:$0x4] =	wrdreg $0x9  }
0xb7: {  	_ =	task.clear_ibuf [dreg:s7], $0x5FFFF;
	_ =	strace $0x90000046  }
0xb8: {  	s29 =	simm.s32 $0x9;
	_ =	strace $0x80000048  }
0xb9: {  	_ =	swait.ge [sflag:s29], $0x1  }
0xba: {  	[sflag:s29] =	ssyncadd.s32 $0xFFFFFFFF  }
0xbb: {  	_ =	strace $0x90000048  }
0xbc: {  	_ =	sfence  }
0xbd: {  	s30 =	sld [smem:$0x0];
	_ =	sdelay $0x2  }
0xbe: {  	s31 =	sshll.u32 s1, $0xD;
	s1 =	sshrl.u32 s1, $0x2  }
0xbf: {  	s3 =	sand.u32 $0x4000, s31;
	s1 =	sadd.s32 s1, s30  }
0xc0: {  	s0 =	sor.u32 s3, s0;
	s1 =	sshll.u32 s1, $0x11  }
0xc1: {  	s0 =	sor.u32 s1, s0  }
0xc2: {  	s0 =	sadd.s32 $0x8F2B, s0  }
0xc3: {  	[sflag:s0] =	ssyncadd.remote.s32 $0x1  }
0xc4: {  	_ =	sfence.sel $0xFFFF  }
0xc5: {  	[dreg:$0x0] =	wrdreg $0xFFFFFFFF;
	(pc) =	sbr.abs _section_cstart, $3  }
0xc6: {  	[dreg:$0x1] =	wrdreg $0xFFFFFFFF  }
0xc7: {  	_ =	task.clear_ibuf [dreg:s7], $0x2FFFF;
	_ =	strace $0x9FFFFFFF  }
0xc8: {  	(tm) =	ssettm $0x7FFFFFFF  }
0xc9: {  	_ =	shalt  }
tec
execute0_lowered:
.L_overlay_start_1:
0x0: {  	(tag) =	ssettag $0x1  }
0x1: {  	s6 =	rddreg [dreg:$0x0];
	s1 =	srdreg.scid  }
0x2: {  	s0 =	stileid.u32;
	s8 =	rddreg [dreg:$0x1]  }
0x3: {  	s2 =	simm.s32 $0x0;
	s13 =	simm.s32 $0x7D;
	s14 =	simm.s32 $0x2800  }
0x4: {  	s15 =	simm.s32 $0x6E50;
	s16 =	simm.s32 $0xB4A0;
	s17 =	simm.s32 $0xFAF0  }
0x5: {  	s18 =	simm.s32 $0x1;
	s19 =	simm.s32 $0x2;
	s20 =	simm.s32 $0x0  }
0x6: {  	s5 =	sand.u32 $0x1, s1;
	s3 =	sshll.u32 s0, $0x1;
	s1 =	rddreg [dreg:$0x2]  }
0x7: {  	[smem:$0x7FF] =	sst s2;
	s4 =	sadd.s32 $0x2D400, s6;
	s7 =	sor.u32 s5, s3  }
0x8: {  	_ =	strace $0x80000047;
	s3 =	sadd.s32 $0x117C00, s6;
	s11 =	ssub.s32 $0x2, s5  }
0x9: {  	s5 =	sadd.s32 $0x143C00, s6;
	s9 =	smul.u32 $0x280, s7;
	s12 =	sshrl.u32 s11, $0x1  }
0xa: {  	s7 =	smul.u32 $0x1388, s7;
	s11 =	ssub.s32 s11, s12;
	s12 =	simm.s32 $0x1400  }
0xb: {  	s10 =	sadd.s32 s9, s6;
	s6 =	sadd.s32 $0x5E400, s6;
	s8 =	sadd.s32 s8, s9  }
0xc: {  	s9 =	sadd.s32 $0x59400, s10;
	s10 =	smax.u32 s11, $0x1;
	s11 =	simm.s32 $0x3  }
.LBB2_1:
0xd: {  	[tilespmem:s2], [sflag:$0x3] =	stream.linear.gather [hbm4b:s8+s2], $0x1400, $0x38;
	[tilespmem:$0x14140] =	vst v63  }
0xe: {  	_ =	swait.ge [sflag:s11], $0x1400  }
0xf: {  	[sflag:s11] =	ssyncset.done $0x0  }
0x10: {  	[sflag:s11] =	ssyncadd.s32 $0xFFFFEC00  }
0x11: {  	[tilespmem:s12], [sflag:$0x3] =	stream.linear.gather [hbm4b:s9+s2], $0x1400, $0x38;
	[tilespmem:$0x14140] =	vst v63  }
0x12: {  	_ =	swait.ge [sflag:s11], $0x1400  }
0x13: {  	[sflag:s11] =	ssyncset.done $0x0  }
0x14: {  	[sflag:s11] =	ssyncadd.s32 $0xFFFFEC00  }
0x15: {  	[tilespmem:s14], [sflag:$0x1] =	stream.indirect.gather [hbm4b:s3+s13], $0x90, s2, s13, $0xb8;
	[tilespmem:$0x14140] =	vst v63  }
0x16: {  	s21 =	simm.s32 $0x0  }
0x17: {  	[tilespmem:s15], [sflag:$0x1] =	stream.indirect.gather [hbm4b:s4+s13], $0x90, s12, s13, $0xb8;
	[tilespmem:$0x14140] =	vst v63  }
.LBB2_2:
0x18: {  	s22 =	sshllo.u32 s21, $0x1  }
0x19: {  	s23 =	sshll.u32 s22, $0x7  }
0x1a: {  	[tilespmem:s16], [sflag:$0x2] =	stream.indirect.gather [hbm4b:s3+s13], $0x90, s23, s13, $0xb8;
	[tilespmem:$0x14140] =	vst v63  }
0x1b: {  	s23 =	sadd.s32 $0x1400, s23  }
0x1c: {  	[tilespmem:s17], [sflag:$0x2] =	stream.indirect.gather [hbm4b:s4+s13], $0x90, s23, s13, $0xb8;
	[tilespmem:$0x14140] =	vst v63  }
0x1d: {  	_ =	swait.ge [sflag:s18], $0x4650  }
0x1e: {  	[sflag:s18] =	ssyncset.done $0x0  }
0x1f: {  	[sflag:s18] =	ssyncadd.s32 $0xFFFFB9B0  }
0x20: {  	_ =	swait.ge [sflag:s18], $0x4650  }
0x21: {  	[sflag:s18] =	ssyncset.done $0x0  }
0x22: {  	s23 =	simm.s32 $0x2C0;
	[sflag:s18] =	ssyncadd.s32 $0xFFFFB9B0  }
0x23: {  	v6 =	vld [tilespmem:s23+$0x6B90]  }
0x24: {  	v7 =	vld [tilespmem:s23+$0x6BA0]  }
0x25: {  	v8 =	vld [tilespmem:s23+$0x6BB0]  }
0x26: {  	v9 =	vld [tilespmem:s23+$0x6BC0]  }
0x27: {  	v10 =	vld [tilespmem:s23+$0x6BD0]  }
0x28: {  	v11 =	vld [tilespmem:s23+$0x6BE0]  }
0x29: {  	v12 =	vld [tilespmem:s23+$0x6BF0]  }
0x2a: {  	v13 =	vld [tilespmem:s23+$0x6C00]  }
0x2b: {  	v14 =	vld [tilespmem:s23+$0x6C10]  }
0x2c: {  	v15 =	vld [tilespmem:s23+$0x6C20]  }
0x2d: {  	v16 =	vld [tilespmem:s23+$0x6C30]  }
0x2e: {  	v17 =	vld [tilespmem:s23+$0x6C40]  }
0x2f: {  	v18 =	vld [tilespmem:s23+$0x6C50]  }
0x30: {  	v19 =	vld [tilespmem:s23+$0x6C60]  }
0x31: {  	v20 =	vld [tilespmem:s23+$0x6C70]  }
0x32: {  	v21 =	vld [tilespmem:s23+$0x6C80]  }
0x33: {  	v22 =	vld [tilespmem:s23+$0x6C90]  }
0x34: {  	v23 =	vld [tilespmem:s23+$0x6CA0]  }
0x35: {  	v24 =	vld [tilespmem:s23+$0x6CB0]  }
0x36: {  	v25 =	vld [tilespmem:s23+$0x6CC0]  }
0x37: {  	v26 =	vld [tilespmem:s23+$0x6CD0]  }
0x38: {  	v27 =	vld [tilespmem:s23+$0x6CE0]  }
0x39: {  	v28 =	vld [tilespmem:s23+$0x6CF0]  }
0x3a: {  	v29 =	vld [tilespmem:s23+$0x6D00]  }
0x3b: {  	v30 =	vld [tilespmem:s23+$0x6D10]  }
0x3c: {  	v31 =	vld [tilespmem:s23+$0x6D20]  }
0x3d: {  	v32 =	vld [tilespmem:s23+$0x6D30]  }
0x3e: {  	v33 =	vld [tilespmem:s23+$0x6D40]  }
0x3f: {  	v34 =	vld [tilespmem:s23+$0x6D50]  }
0x40: {  	v35 =	vld [tilespmem:s23+$0x6D60]  }
0x41: {  	v36 =	vld [tilespmem:s23+$0x6D70]  }
0x42: {  	v37 =	vld [tilespmem:s23+$0x6D80]  }
0x43: {  	v38 =	vld [tilespmem:s23+$0x6D90]  }
0x44: {  	v39 =	vld [tilespmem:s23+$0x6DA0]  }
0x45: {  	v40 =	vld [tilespmem:s23+$0x6DB0]  }
0x46: {  	v41 =	vld [tilespmem:s23+$0x6DC0]  }
0x47: {  	v42 =	vld [tilespmem:s23+$0x6DD0]  }
0x48: {  	v43 =	vld [tilespmem:s23+$0x6DE0]  }
0x49: {  	v44 =	vld [tilespmem:s23+$0x6DF0]  }
0x4a: {  	v5 =	vld [tilespmem:s23+$0x6E00]  }
0x4b: {  	v4 =	vld [tilespmem:s23+$0x6E10]  }
0x4c: {  	v3 =	vld [tilespmem:s23+$0x6E20]  }
0x4d: {  	v2 =	vld [tilespmem:s23+$0x6E30]  }
0x4e: {  	v1 =	vld [tilespmem:s23+$0x6E40]  }
0x4f: {  	v0 =	vld [tilespmem:s23+$0x6E50]  }
0x50: {  	v45 =	vld [tilespmem:s23+$0x2540]  }
0x51: {  	v46 =	vld [tilespmem:s23+$0x2550]  }
0x52: {  	v47 =	vld [tilespmem:s23+$0x2560]  }
0x53: {  	v48 =	vld [tilespmem:s23+$0x2570]  }
0x54: {  	v49 =	vld [tilespmem:s23+$0x2580]  }
0x55: {  	v63 =	vld [tilespmem:s23+$0x2590];
	v6 =	vadd.f32 v6, v45  }
0x56: {  	v50 =	vld [tilespmem:s23+$0x25A0];
	v7 =	vadd.f32 v7, v46  }
0x57: {  	v8 =	vadd.f32 v8, v47;
	[tilespmem:s23+$0x2540] =	vst v6;
	v6 =	vld [tilespmem:s23+$0x25B0]  }
0x58: {  	v9 =	vadd.f32 v9, v48;
	[tilespmem:s23+$0x2550] =	vst v7;
	v7 =	vld [tilespmem:s23+$0x25C0]  }
0x59: {  	v10 =	vadd.f32 v10, v49;
	[tilespmem:s23+$0x2560] =	vst v8;
	v8 =	vld [tilespmem:s23+$0x25D0]  }
0x5a: {  	v11 =	vadd.f32 v11, v63;
	[tilespmem:s23+$0x2570] =	vst v9;
	v9 =	vld [tilespmem:s23+$0x25E0]  }
0x5b: {  	v12 =	vadd.f32 v12, v50;
	[tilespmem:s23+$0x2580] =	vst v10;
	v10 =	vld [tilespmem:s23+$0x25F0]  }
0x5c: {  	[tilespmem:s23+$0x2590] =	vst v11;
	v11 =	vld [tilespmem:s23+$0x2600];
	v6 =	vadd.f32 v13, v6  }
0x5d: {  	[tilespmem:s23+$0x25A0] =	vst v12;
	v12 =	vld [tilespmem:s23+$0x2610];
	v7 =	vadd.f32 v14, v7  }
0x5e: {  	v8 =	vadd.f32 v15, v8;
	[tilespmem:s23+$0x25B0] =	vst v6;
	v6 =	vld [tilespmem:s23+$0x2620]  }
0x5f: {  	v9 =	vadd.f32 v16, v9;
	[tilespmem:s23+$0x25C0] =	vst v7;
	v7 =	vld [tilespmem:s23+$0x2630]  }
0x60: {  	v10 =	vadd.f32 v17, v10;
	[tilespmem:s23+$0x25D0] =	vst v8;
	v8 =	vld [tilespmem:s23+$0x2640]  }
0x61: {  	v11 =	vadd.f32 v18, v11;
	[tilespmem:s23+$0x25E0] =	vst v9;
	v9 =	vld [tilespmem:s23+$0x2650]  }
0x62: {  	v12 =	vadd.f32 v19, v12;
	[tilespmem:s23+$0x25F0] =	vst v10;
	v10 =	vld [tilespmem:s23+$0x2660]  }
0x63: {  	[tilespmem:s23+$0x2600] =	vst v11;
	v11 =	vld [tilespmem:s23+$0x2670];
	v6 =	vadd.f32 v20, v6  }
0x64: {  	[tilespmem:s23+$0x2610] =	vst v12;
	v12 =	vld [tilespmem:s23+$0x2680];
	v7 =	vadd.f32 v21, v7  }
0x65: {  	v8 =	vadd.f32 v22, v8;
	[tilespmem:s23+$0x2620] =	vst v6;
	v6 =	vld [tilespmem:s23+$0x2690]  }
0x66: {  	v9 =	vadd.f32 v23, v9;
	[tilespmem:s23+$0x2630] =	vst v7;
	v7 =	vld [tilespmem:s23+$0x26A0]  }
0x67: {  	v10 =	vadd.f32 v24, v10;
	[tilespmem:s23+$0x2640] =	vst v8;
	v8 =	vld [tilespmem:s23+$0x26B0]  }
0x68: {  	v11 =	vadd.f32 v25, v11;
	[tilespmem:s23+$0x2650] =	vst v9;
	v9 =	vld [tilespmem:s23+$0x26C0]  }
0x69: {  	v12 =	vadd.f32 v26, v12;
	[tilespmem:s23+$0x2660] =	vst v10;
	v10 =	vld [tilespmem:s23+$0x26D0]  }
0x6a: {  	[tilespmem:s23+$0x2670] =	vst v11;
	v11 =	vld [tilespmem:s23+$0x26E0];
	v6 =	vadd.f32 v27, v6  }
0x6b: {  	[tilespmem:s23+$0x2680] =	vst v12;
	v12 =	vld [tilespmem:s23+$0x26F0];
	v7 =	vadd.f32 v28, v7  }
0x6c: {  	v8 =	vadd.f32 v29, v8;
	[tilespmem:s23+$0x2690] =	vst v6;
	v6 =	vld [tilespmem:s23+$0x2700]  }
0x6d: {  	v9 =	vadd.f32 v30, v9;
	[tilespmem:s23+$0x26A0] =	vst v7;
	v7 =	vld [tilespmem:s23+$0x2710]  }
0x6e: {  	v10 =	vadd.f32 v31, v10;
	[tilespmem:s23+$0x26B0] =	vst v8;
	v8 =	vld [tilespmem:s23+$0x2720]  }
0x6f: {  	v11 =	vadd.f32 v32, v11;
	[tilespmem:s23+$0x26C0] =	vst v9;
	v9 =	vld [tilespmem:s23+$0x2730]  }
0x70: {  	v12 =	vadd.f32 v33, v12;
	[tilespmem:s23+$0x26D0] =	vst v10;
	v10 =	vld [tilespmem:s23+$0x2740]  }
0x71: {  	[tilespmem:s23+$0x26E0] =	vst v11;
	v11 =	vld [tilespmem:s23+$0x2750];
	v6 =	vadd.f32 v34, v6  }
0x72: {  	[tilespmem:s23+$0x26F0] =	vst v12;
	v12 =	vld [tilespmem:s23+$0x2760];
	v7 =	vadd.f32 v35, v7  }
0x73: {  	v8 =	vadd.f32 v36, v8;
	[tilespmem:s23+$0x2700] =	vst v6;
	v6 =	vld [tilespmem:s23+$0x2770]  }
0x74: {  	v9 =	vadd.f32 v37, v9;
	[tilespmem:s23+$0x2710] =	vst v7;
	v7 =	vld [tilespmem:s23+$0x2780]  }
0x75: {  	v13 =	vld [tilespmem:s23+$0x2790];
	[tilespmem:s23+$0x2720] =	vst v8;
	v8 =	vadd.f32 v38, v10  }
0x76: {  	v14 =	vld [tilespmem:s23+$0x27A0];
	[tilespmem:s23+$0x2730] =	vst v9;
	v9 =	vadd.f32 v39, v11  }
0x77: {  	v10 =	vld [tilespmem:s23+$0x27B0];
	[tilespmem:s23+$0x2740] =	vst v8;
	v8 =	vadd.f32 v40, v12  }
0x78: {  	[tilespmem:s23+$0x2750] =	vst v9;
	v9 =	vld [tilespmem:s23+$0x27C0];
	v6 =	vadd.f32 v41, v6  }
0x79: {  	[tilespmem:s23+$0x2760] =	vst v8;
	v8 =	vld [tilespmem:s23+$0x27D0];
	v11 =	vadd.f32 v42, v7  }
0x7a: {  	v12 =	vadd.f32 v43, v13;
	v7 =	vld [tilespmem:s23+$0x27E0];
	[tilespmem:s23+$0x2770] =	vst v6  }
0x7b: {  	s24 =	simm.s32 $0x1640;
	[tilespmem:s23+$0x2780] =	vst v11;
	v11 =	vadd.f32 v44, v14;
	v6 =	vld [tilespmem:s23+$0x27F0]  }
.LBB2_3:
0x7c: {  	s25 =	sshra.s32 s24, $0x2;
	p0 =	sne.s32 s24, $0x11900;
	[tilespmem:s23+$0x2790] =	vst v12;
	v5 =	vadd.f32 v5, v10;
	v10 =	vld [tilespmem:s23+$0x2800]  }
0x7d: {  	v30 =	vld [tilespmem:s25+$0x6B90];
	[tilespmem:s23+$0x27A0] =	vst v11;
	v4 =	vadd.f32 v4, v9  }
0x7e: {  	v31 =	vld [tilespmem:s25+$0x6BA0];
	[tilespmem:s23+$0x27B0] =	vst v5;
	v3 =	vadd.f32 v3, v8  }
0x7f: {  	v32 =	vld [tilespmem:s25+$0x6BB0];
	[tilespmem:s23+$0x27C0] =	vst v4;
	v2 =	vadd.f32 v2, v7  }
0x80: {  	v33 =	vld [tilespmem:s25+$0x6BC0];
	[tilespmem:s23+$0x27D0] =	vst v3;
	v1 =	vadd.f32 v1, v6  }
0x81: {  	v34 =	vld [tilespmem:s25+$0x6BD0];
	[tilespmem:s23+$0x27E0] =	vst v2;
	v0 =	vadd.f32 v0, v10  }
0x82: {  	v35 =	vld [tilespmem:s25+$0x6BE0];
	[tilespmem:s23+$0x27F0] =	vst v1  }
0x83: {  	v36 =	vld [tilespmem:s25+$0x6BF0];
	[tilespmem:s23+$0x2800] =	vst v0;
	s23 =	smov.u32 s25  }
0x84: {  	v37 =	vld [tilespmem:s23+$0x6C00]  }
0x85: {  	v38 =	vld [tilespmem:s23+$0x6C10]  }
0x86: {  	v39 =	vld [tilespmem:s23+$0x6C20]  }
0x87: {  	v40 =	vld [tilespmem:s23+$0x6C30]  }
0x88: {  	v41 =	vld [tilespmem:s23+$0x6C40]  }
0x89: {  	v42 =	vld [tilespmem:s23+$0x6C50]  }
0x8a: {  	v43 =	vld [tilespmem:s23+$0x6C60]  }
0x8b: {  	v44 =	vld [tilespmem:s23+$0x6C70]  }
0x8c: {  	v29 =	vld [tilespmem:s23+$0x6C80]  }
0x8d: {  	v28 =	vld [tilespmem:s23+$0x6C90]  }
0x8e: {  	v27 =	vld [tilespmem:s23+$0x6CA0]  }
0x8f: {  	v26 =	vld [tilespmem:s23+$0x6CB0]  }
0x90: {  	v25 =	vld [tilespmem:s23+$0x6CC0]  }
0x91: {  	v24 =	vld [tilespmem:s23+$0x6CD0]  }
0x92: {  	v23 =	vld [tilespmem:s23+$0x6CE0]  }
0x93: {  	v22 =	vld [tilespmem:s23+$0x6CF0]  }
0x94: {  	v21 =	vld [tilespmem:s23+$0x6D00]  }
0x95: {  	v20 =	vld [tilespmem:s23+$0x6D10]  }
0x96: {  	v19 =	vld [tilespmem:s23+$0x6D20]  }
0x97: {  	v18 =	vld [tilespmem:s23+$0x6D30]  }
0x98: {  	v17 =	vld [tilespmem:s23+$0x6D40]  }
0x99: {  	v16 =	vld [tilespmem:s23+$0x6D50]  }
0x9a: {  	v15 =	vld [tilespmem:s23+$0x6D60]  }
0x9b: {  	v14 =	vld [tilespmem:s23+$0x6D70]  }
0x9c: {  	v13 =	vld [tilespmem:s23+$0x6D80]  }
0x9d: {  	v12 =	vld [tilespmem:s23+$0x6D90]  }
0x9e: {  	v11 =	vld [tilespmem:s23+$0x6DA0]  }
0x9f: {  	v10 =	vld [tilespmem:s23+$0x6DB0]  }
0xa0: {  	v9 =	vld [tilespmem:s23+$0x6DC0]  }
0xa1: {  	v8 =	vld [tilespmem:s23+$0x6DD0]  }
0xa2: {  	v7 =	vld [tilespmem:s23+$0x6DE0]  }
0xa3: {  	v6 =	vld [tilespmem:s23+$0x6DF0]  }
0xa4: {  	v5 =	vld [tilespmem:s23+$0x6E00]  }
0xa5: {  	v4 =	vld [tilespmem:s23+$0x6E10]  }
0xa6: {  	v3 =	vld [tilespmem:s23+$0x6E20]  }
0xa7: {  	v2 =	vld [tilespmem:s23+$0x6E30]  }
0xa8: {  	v1 =	vld [tilespmem:s23+$0x6E40]  }
0xa9: {  	v0 =	vld [tilespmem:s23+$0x6E50]  }
0xaa: {  	v45 =	vld [tilespmem:s23+$0x2540]  }
0xab: {  	v46 =	vld [tilespmem:s23+$0x2550]  }
0xac: {  	v47 =	vld [tilespmem:s23+$0x2560]  }
0xad: {  	v48 =	vld [tilespmem:s23+$0x2570]  }
0xae: {  	v49 =	vld [tilespmem:s23+$0x2580]  }
0xaf: {  	v30 =	vadd.f32 v30, v45;
	v45 =	vld [tilespmem:s23+$0x2590]  }
0xb0: {  	v31 =	vadd.f32 v31, v46;
	v46 =	vld [tilespmem:s23+$0x25A0]  }
0xb1: {  	[tilespmem:s23+$0x2540] =	vst v30;
	v30 =	vadd.f32 v32, v47;
	v32 =	vld [tilespmem:s23+$0x25B0]  }
0xb2: {  	[tilespmem:s23+$0x2550] =	vst v31;
	v31 =	vadd.f32 v33, v48;
	v33 =	vld [tilespmem:s23+$0x25C0]  }
0xb3: {  	[tilespmem:s23+$0x2560] =	vst v30;
	v30 =	vadd.f32 v34, v49;
	v34 =	vld [tilespmem:s23+$0x25D0]  }
0xb4: {  	[tilespmem:s23+$0x2570] =	vst v31;
	v31 =	vadd.f32 v35, v45;
	v35 =	vld [tilespmem:s23+$0x25E0]  }
0xb5: {  	[tilespmem:s23+$0x2580] =	vst v30;
	v30 =	vadd.f32 v36, v46;
	v36 =	vld [tilespmem:s23+$0x25F0]  }
0xb6: {  	[tilespmem:s23+$0x2590] =	vst v31;
	v31 =	vadd.f32 v37, v32;
	v32 =	vld [tilespmem:s23+$0x2600]  }
0xb7: {  	[tilespmem:s23+$0x25A0] =	vst v30;
	v30 =	vadd.f32 v38, v33;
	v33 =	vld [tilespmem:s23+$0x2610]  }
0xb8: {  	[tilespmem:s23+$0x25B0] =	vst v31;
	v31 =	vadd.f32 v39, v34;
	v34 =	vld [tilespmem:s23+$0x2620]  }
0xb9: {  	[tilespmem:s23+$0x25C0] =	vst v30;
	v30 =	vadd.f32 v40, v35;
	v35 =	vld [tilespmem:s23+$0x2630]  }
0xba: {  	[tilespmem:s23+$0x25D0] =	vst v31;
	v31 =	vadd.f32 v41, v36;
	v36 =	vld [tilespmem:s23+$0x2640]  }
0xbb: {  	[tilespmem:s23+$0x25E0] =	vst v30;
	v30 =	vadd.f32 v42, v32;
	v32 =	vld [tilespmem:s23+$0x2650]  }
0xbc: {  	[tilespmem:s23+$0x25F0] =	vst v31;
	v31 =	vadd.f32 v43, v33;
	v33 =	vld [tilespmem:s23+$0x2660]  }
0xbd: {  	[tilespmem:s23+$0x2600] =	vst v30;
	v30 =	vadd.f32 v44, v34;
	v34 =	vld [tilespmem:s23+$0x2670]  }
0xbe: {  	[tilespmem:s23+$0x2610] =	vst v31;
	v29 =	vadd.f32 v29, v35;
	v31 =	vld [tilespmem:s23+$0x2680]  }
0xbf: {  	[tilespmem:s23+$0x2620] =	vst v30;
	v28 =	vadd.f32 v28, v36;
	v30 =	vld [tilespmem:s23+$0x2690]  }
0xc0: {  	[tilespmem:s23+$0x2630] =	vst v29;
	v27 =	vadd.f32 v27, v32;
	v29 =	vld [tilespmem:s23+$0x26A0]  }
0xc1: {  	[tilespmem:s23+$0x2640] =	vst v28;
	v26 =	vadd.f32 v26, v33;
	v28 =	vld [tilespmem:s23+$0x26B0]  }
0xc2: {  	[tilespmem:s23+$0x2650] =	vst v27;
	v25 =	vadd.f32 v25, v34;
	v27 =	vld [tilespmem:s23+$0x26C0]  }
0xc3: {  	[tilespmem:s23+$0x2660] =	vst v26;
	v24 =	vadd.f32 v24, v31;
	v26 =	vld [tilespmem:s23+$0x26D0]  }
0xc4: {  	[tilespmem:s23+$0x2670] =	vst v25;
	v23 =	vadd.f32 v23, v30;
	v25 =	vld [tilespmem:s23+$0x26E0]  }
0xc5: {  	[tilespmem:s23+$0x2680] =	vst v24;
	v22 =	vadd.f32 v22, v29;
	v24 =	vld [tilespmem:s23+$0x26F0]  }
0xc6: {  	[tilespmem:s23+$0x2690] =	vst v23;
	v21 =	vadd.f32 v21, v28;
	v23 =	vld [tilespmem:s23+$0x2700]  }
0xc7: {  	[tilespmem:s23+$0x26A0] =	vst v22;
	v20 =	vadd.f32 v20, v27;
	v22 =	vld [tilespmem:s23+$0x2710]  }
0xc8: {  	[tilespmem:s23+$0x26B0] =	vst v21;
	v19 =	vadd.f32 v19, v26;
	v21 =	vld [tilespmem:s23+$0x2720]  }
0xc9: {  	[tilespmem:s23+$0x26C0] =	vst v20;
	v18 =	vadd.f32 v18, v25;
	v20 =	vld [tilespmem:s23+$0x2730]  }
0xca: {  	[tilespmem:s23+$0x26D0] =	vst v19;
	v17 =	vadd.f32 v17, v24;
	v19 =	vld [tilespmem:s23+$0x2740]  }
0xcb: {  	[tilespmem:s23+$0x26E0] =	vst v18;
	v16 =	vadd.f32 v16, v23;
	v18 =	vld [tilespmem:s23+$0x2750]  }
0xcc: {  	[tilespmem:s23+$0x26F0] =	vst v17;
	v15 =	vadd.f32 v15, v22;
	v17 =	vld [tilespmem:s23+$0x2760]  }
0xcd: {  	[tilespmem:s23+$0x2700] =	vst v16;
	v14 =	vadd.f32 v14, v21;
	v16 =	vld [tilespmem:s23+$0x2770]  }
0xce: {  	[tilespmem:s23+$0x2710] =	vst v15;
	v13 =	vadd.f32 v13, v20;
	v15 =	vld [tilespmem:s23+$0x2780]  }
0xcf: {  	[tilespmem:s23+$0x2720] =	vst v14;
	v12 =	vadd.f32 v12, v19;
	v14 =	vld [tilespmem:s23+$0x2790]  }
0xd0: {  	[tilespmem:s23+$0x2730] =	vst v13;
	v11 =	vadd.f32 v11, v18;
	v13 =	vld [tilespmem:s23+$0x27A0]  }
.Ltmp0:
0xd1: {  	[tilespmem:s23+$0x2740] =	vst v12;
	v12 =	vadd.f32 v10, v17;
	v10 =	vld [tilespmem:s23+$0x27B0];
	(pc) =	sbr.rel @p0 .LBB2_3-.Ltmp0, $4  }
0xd2: {  	[tilespmem:s23+$0x2750] =	vst v11;
	v11 =	vadd.f32 v9, v16;
	v9 =	vld [tilespmem:s23+$0x27C0]  }
0xd3: {  	[tilespmem:s23+$0x2760] =	vst v12;
	v15 =	vadd.f32 v8, v15;
	v8 =	vld [tilespmem:s23+$0x27D0]  }
0xd4: {  	[tilespmem:s23+$0x2770] =	vst v11;
	v12 =	vadd.f32 v7, v14;
	v7 =	vld [tilespmem:s23+$0x27E0]  }
0xd5: {  	s24 =	sadd.s32 $0xB40, s24;
	[tilespmem:s23+$0x2780] =	vst v15;
	v11 =	vadd.f32 v6, v13;
	v6 =	vld [tilespmem:s23+$0x27F0]  }
0xd6: {  	[tilespmem:s23+$0x2790] =	vst v12;
	v5 =	vadd.f32 v5, v10;
	v63 =	vld [tilespmem:s23+$0x2800]  }
0xd7: {  	[tilespmem:s23+$0x27A0] =	vst v11;
	v4 =	vadd.f32 v4, v9  }
0xd8: {  	s24 =	smul.u32 $0xFA, s21;
	[tilespmem:s23+$0x27B0] =	vst v5;
	v3 =	vadd.f32 v3, v8  }
0xd9: {  	[tilespmem:s23+$0x27C0] =	vst v4;
	v2 =	vadd.f32 v2, v7  }
0xda: {  	s24 =	sadd.s32 s7, s24;
	[tilespmem:s23+$0x27D0] =	vst v3;
	v1 =	vadd.f32 v1, v6  }
0xdb: {  	s25 =	sshll.u32 s24, $0x4;
	[tilespmem:s23+$0x27E0] =	vst v2;
	v0 =	vadd.f32 v0, v63  }
0xdc: {  	s26 =	simm.s32 $0x2800;
	s25 =	sadd.s32 s5, s25;
	[tilespmem:s23+$0x27F0] =	vst v1  }
0xdd: {  	s28 =	simm.s32 $0x2890;
	s29 =	sadd.s32 $0x0, s25;
	[tilespmem:s23+$0x2800] =	vst v0;
	s23 =	simm.s32 $0x10  }
.LBB2_5:
0xde: {  	[hbm4b:s29+s2] =	stream.linear.scatter [tilespmem:s26], [sflag:$0x3], $0x80, $0x38;
	[tilespmem:$0x14140] =	vst v63  }
0xdf: {  	s29 =	smov.u32 s23;
	s26 =	smov.u32 s28;
	p0 =	sne.s32 s23, $0x7C0  }
.Ltmp1:
0xe0: {  	s23 =	sadd.s32 $0x10, s23;
	(pc) =	sbr.rel @p0 .LBB2_5-.Ltmp1, $2  }
0xe1: {  	_ =	sdelay $0x2  }
0xe2: {  	s28 =	sadd.s32 $0x90, s28;
	s29 =	sadd.s32 s29, s25  }
0xe3: {  	[hbm4b:s29+s2] =	stream.linear.scatter [tilespmem:s26], [sflag:$0x3], $0x80, $0x38;
	[tilespmem:$0x14140] =	vst v63  }
0xe4: {  	s23 =	sshll.u32 s24, $0x1;
	s24 =	simm.s32 $0x2880;
	_ =	swait.ge [sflag:s11], $0x3E80  }
0xe5: {  	s25 =	simm.s32 $0x2;
	s23 =	sadd.s32 s6, s23;
	[sflag:s11] =	ssyncset.done $0x0  }
0xe6: {  	s26 =	simm.s32 $0x2910;
	s28 =	sadd.s32 $0x0, s23;
	[sflag:s11] =	ssyncadd.s32 $0xFFFFC180  }
.LBB2_7:
0xe7: {  	[hbm4b:s28+s2] =	stream.linear.scatter [tilespmem:s24], [sflag:$0x3], $0x10, $0x38;
	[tilespmem:$0x14140] =	vst v63  }
0xe8: {  	s28 =	smov.u32 s25;
	s24 =	smov.u32 s26;
	p0 =	sne.s32 s25, $0xF8  }
.Ltmp2:
0xe9: {  	s25 =	sadd.s32 $0x2, s25;
	(pc) =	sbr.rel @p0 .LBB2_7-.Ltmp2, $2  }
0xea: {  	_ =	sdelay $0x2  }
0xeb: {  	s26 =	sadd.s32 $0x90, s26;
	s28 =	sadd.s32 s28, s23  }
0xec: {  	[hbm4b:s28+s2] =	stream.linear.scatter [tilespmem:s24], [sflag:$0x3], $0x10, $0x38;
	[tilespmem:$0x14140] =	vst v63  }
0xed: {  	p0 =	seq.s32 s21, $0x13;
	_ =	swait.ge [sflag:s11], $0x7D0  }
0xee: {  	s23 =	sshll.u32 @!p0 s21, $0x8;
	s25 =	simm.s32 @!p0 $0x7D;
	[sflag:s11] =	ssyncset.done $0x0  }
0xef: {  	s26 =	simm.s32 @!p0 $0x2800;
	s24 =	sadd.s32 @!p0 $0x100, s23;
	[sflag:s11] =	ssyncadd.s32 $0xFFFFF830  }
0xf0: {  	[tilespmem:s26], [sflag:$0x1] =	stream.indirect.gather @!p0 [hbm4b:s3+s25], $0x90, s24, s25, $0xb8;
	[tilespmem:$0x14140] =	vst v63  }
0xf1: {  	s23 =	sadd.s32 @!p0 $0x1500, s23;
	s24 =	simm.s32 @!p0 $0x6E50  }
0xf2: {  	[tilespmem:s24], [sflag:$0x1] =	stream.indirect.gather @!p0 [hbm4b:s4+s25], $0x90, s23, s25, $0xb8;
	[tilespmem:$0x14140] =	vst v63  }
0xf3: {  	_ =	swait.ge [sflag:s19], $0x4650  }
0xf4: {  	[sflag:s19] =	ssyncset.done $0x0  }
0xf5: {  	[sflag:s19] =	ssyncadd.s32 $0xFFFFB9B0  }
0xf6: {  	_ =	swait.ge [sflag:s19], $0x4650  }
0xf7: {  	[sflag:s19] =	ssyncset.done $0x0  }
0xf8: {  	s23 =	simm.s32 $0x2C0;
	[sflag:s19] =	ssyncadd.s32 $0xFFFFB9B0  }
0xf9: {  	v6 =	vld [tilespmem:s23+$0xF830]  }
0xfa: {  	v7 =	vld [tilespmem:s23+$0xF840]  }
0xfb: {  	v8 =	vld [tilespmem:s23+$0xF850]  }
0xfc: {  	v9 =	vld [tilespmem:s23+$0xF860]  }
0xfd: {  	v10 =	vld [tilespmem:s23+$0xF870]  }
0xfe: {  	v11 =	vld [tilespmem:s23+$0xF880]  }
0xff: {  	v12 =	vld [tilespmem:s23+$0xF890]  }
0x100: {  	v13 =	vld [tilespmem:s23+$0xF8A0]  }
0x101: {  	v14 =	vld [tilespmem:s23+$0xF8B0]  }
0x102: {  	v15 =	vld [tilespmem:s23+$0xF8C0]  }
0x103: {  	v16 =	vld [tilespmem:s23+$0xF8D0]  }
0x104: {  	v17 =	vld [tilespmem:s23+$0xF8E0]  }
0x105: {  	v18 =	vld [tilespmem:s23+$0xF8F0]  }
0x106: {  	v19 =	vld [tilespmem:s23+$0xF900]  }
0x107: {  	v20 =	vld [tilespmem:s23+$0xF910]  }
0x108: {  	v21 =	vld [tilespmem:s23+$0xF920]  }
0x109: {  	v22 =	vld [tilespmem:s23+$0xF930]  }
0x10a: {  	v23 =	vld [tilespmem:s23+$0xF940]  }
0x10b: {  	v24 =	vld [tilespmem:s23+$0xF950]  }
0x10c: {  	v25 =	vld [tilespmem:s23+$0xF960]  }
0x10d: {  	v26 =	vld [tilespmem:s23+$0xF970]  }
0x10e: {  	v27 =	vld [tilespmem:s23+$0xF980]  }
0x10f: {  	v28 =	vld [tilespmem:s23+$0xF990]  }
0x110: {  	v29 =	vld [tilespmem:s23+$0xF9A0]  }
0x111: {  	v30 =	vld [tilespmem:s23+$0xF9B0]  }
0x112: {  	v31 =	vld [tilespmem:s23+$0xF9C0]  }
0x113: {  	v32 =	vld [tilespmem:s23+$0xF9D0]  }
0x114: {  	v33 =	vld [tilespmem:s23+$0xF9E0]  }
0x115: {  	v34 =	vld [tilespmem:s23+$0xF9F0]  }
0x116: {  	v35 =	vld [tilespmem:s23+$0xFA00]  }
0x117: {  	v36 =	vld [tilespmem:s23+$0xFA10]  }
0x118: {  	v37 =	vld [tilespmem:s23+$0xFA20]  }
0x119: {  	v38 =	vld [tilespmem:s23+$0xFA30]  }
0x11a: {  	v39 =	vld [tilespmem:s23+$0xFA40]  }
0x11b: {  	v40 =	vld [tilespmem:s23+$0xFA50]  }
0x11c: {  	v41 =	vld [tilespmem:s23+$0xFA60]  }
0x11d: {  	v42 =	vld [tilespmem:s23+$0xFA70]  }
0x11e: {  	v43 =	vld [tilespmem:s23+$0xFA80]  }
0x11f: {  	v44 =	vld [tilespmem:s23+$0xFA90]  }
0x120: {  	v5 =	vld [tilespmem:s23+$0xFAA0]  }
0x121: {  	v4 =	vld [tilespmem:s23+$0xFAB0]  }
0x122: {  	v3 =	vld [tilespmem:s23+$0xFAC0]  }
0x123: {  	v2 =	vld [tilespmem:s23+$0xFAD0]  }
0x124: {  	v1 =	vld [tilespmem:s23+$0xFAE0]  }
0x125: {  	v0 =	vld [tilespmem:s23+$0xFAF0]  }
0x126: {  	v45 =	vld [tilespmem:s23+$0xB1E0]  }
0x127: {  	v46 =	vld [tilespmem:s23+$0xB1F0]  }
0x128: {  	v47 =	vld [tilespmem:s23+$0xB200]  }
0x129: {  	v48 =	vld [tilespmem:s23+$0xB210]  }
0x12a: {  	v49 =	vld [tilespmem:s23+$0xB220]  }
0x12b: {  	v63 =	vld [tilespmem:s23+$0xB230];
	v6 =	vadd.f32 v6, v45  }
0x12c: {  	v50 =	vld [tilespmem:s23+$0xB240];
	v7 =	vadd.f32 v7, v46  }
0x12d: {  	v8 =	vadd.f32 v8, v47;
	[tilespmem:s23+$0xB1E0] =	vst v6;
	v6 =	vld [tilespmem:s23+$0xB250]  }
0x12e: {  	v9 =	vadd.f32 v9, v48;
	[tilespmem:s23+$0xB1F0] =	vst v7;
	v7 =	vld [tilespmem:s23+$0xB260]  }
0x12f: {  	v10 =	vadd.f32 v10, v49;
	[tilespmem:s23+$0xB200] =	vst v8;
	v8 =	vld [tilespmem:s23+$0xB270]  }
0x130: {  	v11 =	vadd.f32 v11, v63;
	[tilespmem:s23+$0xB210] =	vst v9;
	v9 =	vld [tilespmem:s23+$0xB280]  }
0x131: {  	v12 =	vadd.f32 v12, v50;
	[tilespmem:s23+$0xB220] =	vst v10;
	v10 =	vld [tilespmem:s23+$0xB290]  }
0x132: {  	[tilespmem:s23+$0xB230] =	vst v11;
	v11 =	vld [tilespmem:s23+$0xB2A0];
	v6 =	vadd.f32 v13, v6  }
0x133: {  	[tilespmem:s23+$0xB240] =	vst v12;
	v12 =	vld [tilespmem:s23+$0xB2B0];
	v7 =	vadd.f32 v14, v7  }
0x134: {  	v8 =	vadd.f32 v15, v8;
	[tilespmem:s23+$0xB250] =	vst v6;
	v6 =	vld [tilespmem:s23+$0xB2C0]  }
0x135: {  	v9 =	vadd.f32 v16, v9;
	[tilespmem:s23+$0xB260] =	vst v7;
	v7 =	vld [tilespmem:s23+$0xB2D0]  }
0x136: {  	v10 =	vadd.f32 v17, v10;
	[tilespmem:s23+$0xB270] =	vst v8;
	v8 =	vld [tilespmem:s23+$0xB2E0]  }
0x137: {  	v11 =	vadd.f32 v18, v11;
	[tilespmem:s23+$0xB280] =	vst v9;
	v9 =	vld [tilespmem:s23+$0xB2F0]  }
0x138: {  	v12 =	vadd.f32 v19, v12;
	[tilespmem:s23+$0xB290] =	vst v10;
	v10 =	vld [tilespmem:s23+$0xB300]  }
0x139: {  	[tilespmem:s23+$0xB2A0] =	vst v11;
	v11 =	vld [tilespmem:s23+$0xB310];
	v6 =	vadd.f32 v20, v6  }
0x13a: {  	[tilespmem:s23+$0xB2B0] =	vst v12;
	v12 =	vld [tilespmem:s23+$0xB320];
	v7 =	vadd.f32 v21, v7  }
0x13b: {  	v8 =	vadd.f32 v22, v8;
	[tilespmem:s23+$0xB2C0] =	vst v6;
	v6 =	vld [tilespmem:s23+$0xB330]  }
0x13c: {  	v9 =	vadd.f32 v23, v9;
	[tilespmem:s23+$0xB2D0] =	vst v7;
	v7 =	vld [tilespmem:s23+$0xB340]  }
0x13d: {  	v10 =	vadd.f32 v24, v10;
	[tilespmem:s23+$0xB2E0] =	vst v8;
	v8 =	vld [tilespmem:s23+$0xB350]  }
0x13e: {  	v11 =	vadd.f32 v25, v11;
	[tilespmem:s23+$0xB2F0] =	vst v9;
	v9 =	vld [tilespmem:s23+$0xB360]  }
0x13f: {  	v12 =	vadd.f32 v26, v12;
	[tilespmem:s23+$0xB300] =	vst v10;
	v10 =	vld [tilespmem:s23+$0xB370]  }
0x140: {  	[tilespmem:s23+$0xB310] =	vst v11;
	v11 =	vld [tilespmem:s23+$0xB380];
	v6 =	vadd.f32 v27, v6  }
0x141: {  	[tilespmem:s23+$0xB320] =	vst v12;
	v12 =	vld [tilespmem:s23+$0xB390];
	v7 =	vadd.f32 v28, v7  }
0x142: {  	v8 =	vadd.f32 v29, v8;
	[tilespmem:s23+$0xB330] =	vst v6;
	v6 =	vld [tilespmem:s23+$0xB3A0]  }
0x143: {  	v9 =	vadd.f32 v30, v9;
	[tilespmem:s23+$0xB340] =	vst v7;
	v7 =	vld [tilespmem:s23+$0xB3B0]  }
0x144: {  	v10 =	vadd.f32 v31, v10;
	[tilespmem:s23+$0xB350] =	vst v8;
	v8 =	vld [tilespmem:s23+$0xB3C0]  }
0x145: {  	v11 =	vadd.f32 v32, v11;
	[tilespmem:s23+$0xB360] =	vst v9;
	v9 =	vld [tilespmem:s23+$0xB3D0]  }
0x146: {  	v12 =	vadd.f32 v33, v12;
	[tilespmem:s23+$0xB370] =	vst v10;
	v10 =	vld [tilespmem:s23+$0xB3E0]  }
0x147: {  	[tilespmem:s23+$0xB380] =	vst v11;
	v11 =	vld [tilespmem:s23+$0xB3F0];
	v6 =	vadd.f32 v34, v6  }
0x148: {  	[tilespmem:s23+$0xB390] =	vst v12;
	v12 =	vld [tilespmem:s23+$0xB400];
	v7 =	vadd.f32 v35, v7  }
0x149: {  	v8 =	vadd.f32 v36, v8;
	[tilespmem:s23+$0xB3A0] =	vst v6;
	v6 =	vld [tilespmem:s23+$0xB410]  }
0x14a: {  	v9 =	vadd.f32 v37, v9;
	[tilespmem:s23+$0xB3B0] =	vst v7;
	v7 =	vld [tilespmem:s23+$0xB420]  }
0x14b: {  	v13 =	vld [tilespmem:s23+$0xB430];
	[tilespmem:s23+$0xB3C0] =	vst v8;
	v8 =	vadd.f32 v38, v10  }
0x14c: {  	v14 =	vld [tilespmem:s23+$0xB440];
	[tilespmem:s23+$0xB3D0] =	vst v9;
	v9 =	vadd.f32 v39, v11  }
0x14d: {  	v10 =	vld [tilespmem:s23+$0xB450];
	[tilespmem:s23+$0xB3E0] =	vst v8;
	v8 =	vadd.f32 v40, v12  }
0x14e: {  	[tilespmem:s23+$0xB3F0] =	vst v9;
	v9 =	vld [tilespmem:s23+$0xB460];
	v6 =	vadd.f32 v41, v6  }
0x14f: {  	[tilespmem:s23+$0xB400] =	vst v8;
	v8 =	vld [tilespmem:s23+$0xB470];
	v11 =	vadd.f32 v42, v7  }
0x150: {  	v12 =	vadd.f32 v43, v13;
	v7 =	vld [tilespmem:s23+$0xB480];
	[tilespmem:s23+$0xB410] =	vst v6  }
0x151: {  	s24 =	simm.s32 $0x1640;
	[tilespmem:s23+$0xB420] =	vst v11;
	v11 =	vadd.f32 v44, v14;
	v6 =	vld [tilespmem:s23+$0xB490]  }
.LBB2_9:
0x152: {  	s25 =	sshra.s32 s24, $0x2;
	p0 =	sne.s32 s24, $0x11900;
	[tilespmem:s23+$0xB430] =	vst v12;
	v5 =	vadd.f32 v5, v10;
	v10 =	vld [tilespmem:s23+$0xB4A0]  }
0x153: {  	v30 =	vld [tilespmem:s25+$0xF830];
	[tilespmem:s23+$0xB440] =	vst v11;
	v4 =	vadd.f32 v4, v9  }
0x154: {  	v31 =	vld [tilespmem:s25+$0xF840];
	[tilespmem:s23+$0xB450] =	vst v5;
	v3 =	vadd.f32 v3, v8  }
0x155: {  	v32 =	vld [tilespmem:s25+$0xF850];
	[tilespmem:s23+$0xB460] =	vst v4;
	v2 =	vadd.f32 v2, v7  }
0x156: {  	v33 =	vld [tilespmem:s25+$0xF860];
	[tilespmem:s23+$0xB470] =	vst v3;
	v1 =	vadd.f32 v1, v6  }
0x157: {  	v34 =	vld [tilespmem:s25+$0xF870];
	[tilespmem:s23+$0xB480] =	vst v2;
	v0 =	vadd.f32 v0, v10  }
0x158: {  	v35 =	vld [tilespmem:s25+$0xF880];
	[tilespmem:s23+$0xB490] =	vst v1  }
0x159: {  	v36 =	vld [tilespmem:s25+$0xF890];
	[tilespmem:s23+$0xB4A0] =	vst v0;
	s23 =	smov.u32 s25  }
0x15a: {  	v37 =	vld [tilespmem:s23+$0xF8A0]  }
0x15b: {  	v38 =	vld [tilespmem:s23+$0xF8B0]  }
0x15c: {  	v39 =	vld [tilespmem:s23+$0xF8C0]  }
0x15d: {  	v40 =	vld [tilespmem:s23+$0xF8D0]  }
0x15e: {  	v41 =	vld [tilespmem:s23+$0xF8E0]  }
0x15f: {  	v42 =	vld [tilespmem:s23+$0xF8F0]  }
0x160: {  	v43 =	vld [tilespmem:s23+$0xF900]  }
0x161: {  	v44 =	vld [tilespmem:s23+$0xF910]  }
0x162: {  	v29 =	vld [tilespmem:s23+$0xF920]  }
0x163: {  	v28 =	vld [tilespmem:s23+$0xF930]  }
0x164: {  	v27 =	vld [tilespmem:s23+$0xF940]  }
0x165: {  	v26 =	vld [tilespmem:s23+$0xF950]  }
0x166: {  	v25 =	vld [tilespmem:s23+$0xF960]  }
0x167: {  	v24 =	vld [tilespmem:s23+$0xF970]  }
0x168: {  	v23 =	vld [tilespmem:s23+$0xF980]  }
0x169: {  	v22 =	vld [tilespmem:s23+$0xF990]  }
0x16a: {  	v21 =	vld [tilespmem:s23+$0xF9A0]  }
0x16b: {  	v20 =	vld [tilespmem:s23+$0xF9B0]  }
0x16c: {  	v19 =	vld [tilespmem:s23+$0xF9C0]  }
0x16d: {  	v18 =	vld [tilespmem:s23+$0xF9D0]  }
0x16e: {  	v17 =	vld [tilespmem:s23+$0xF9E0]  }
0x16f: {  	v16 =	vld [tilespmem:s23+$0xF9F0]  }
0x170: {  	v15 =	vld [tilespmem:s23+$0xFA00]  }
0x171: {  	v14 =	vld [tilespmem:s23+$0xFA10]  }
0x172: {  	v13 =	vld [tilespmem:s23+$0xFA20]  }
0x173: {  	v12 =	vld [tilespmem:s23+$0xFA30]  }
0x174: {  	v11 =	vld [tilespmem:s23+$0xFA40]  }
0x175: {  	v10 =	vld [tilespmem:s23+$0xFA50]  }
0x176: {  	v9 =	vld [tilespmem:s23+$0xFA60]  }
0x177: {  	v8 =	vld [tilespmem:s23+$0xFA70]  }
0x178: {  	v7 =	vld [tilespmem:s23+$0xFA80]  }
0x179: {  	v6 =	vld [tilespmem:s23+$0xFA90]  }
0x17a: {  	v5 =	vld [tilespmem:s23+$0xFAA0]  }
0x17b: {  	v4 =	vld [tilespmem:s23+$0xFAB0]  }
0x17c: {  	v3 =	vld [tilespmem:s23+$0xFAC0]  }
0x17d: {  	v2 =	vld [tilespmem:s23+$0xFAD0]  }
0x17e: {  	v1 =	vld [tilespmem:s23+$0xFAE0]  }
0x17f: {  	v0 =	vld [tilespmem:s23+$0xFAF0]  }
0x180: {  	v45 =	vld [tilespmem:s23+$0xB1E0]  }
0x181: {  	v46 =	vld [tilespmem:s23+$0xB1F0]  }
0x182: {  	v47 =	vld [tilespmem:s23+$0xB200]  }
0x183: {  	v48 =	vld [tilespmem:s23+$0xB210]  }
0x184: {  	v49 =	vld [tilespmem:s23+$0xB220]  }
0x185: {  	v30 =	vadd.f32 v30, v45;
	v45 =	vld [tilespmem:s23+$0xB230]  }
0x186: {  	v31 =	vadd.f32 v31, v46;
	v46 =	vld [tilespmem:s23+$0xB240]  }
0x187: {  	[tilespmem:s23+$0xB1E0] =	vst v30;
	v30 =	vadd.f32 v32, v47;
	v32 =	vld [tilespmem:s23+$0xB250]  }
0x188: {  	[tilespmem:s23+$0xB1F0] =	vst v31;
	v31 =	vadd.f32 v33, v48;
	v33 =	vld [tilespmem:s23+$0xB260]  }
0x189: {  	[tilespmem:s23+$0xB200] =	vst v30;
	v30 =	vadd.f32 v34, v49;
	v34 =	vld [tilespmem:s23+$0xB270]  }
0x18a: {  	[tilespmem:s23+$0xB210] =	vst v31;
	v31 =	vadd.f32 v35, v45;
	v35 =	vld [tilespmem:s23+$0xB280]  }
0x18b: {  	[tilespmem:s23+$0xB220] =	vst v30;
	v30 =	vadd.f32 v36, v46;
	v36 =	vld [tilespmem:s23+$0xB290]  }
0x18c: {  	[tilespmem:s23+$0xB230] =	vst v31;
	v31 =	vadd.f32 v37, v32;
	v32 =	vld [tilespmem:s23+$0xB2A0]  }
0x18d: {  	[tilespmem:s23+$0xB240] =	vst v30;
	v30 =	vadd.f32 v38, v33;
	v33 =	vld [tilespmem:s23+$0xB2B0]  }
0x18e: {  	[tilespmem:s23+$0xB250] =	vst v31;
	v31 =	vadd.f32 v39, v34;
	v34 =	vld [tilespmem:s23+$0xB2C0]  }
0x18f: {  	[tilespmem:s23+$0xB260] =	vst v30;
	v30 =	vadd.f32 v40, v35;
	v35 =	vld [tilespmem:s23+$0xB2D0]  }
0x190: {  	[tilespmem:s23+$0xB270] =	vst v31;
	v31 =	vadd.f32 v41, v36;
	v36 =	vld [tilespmem:s23+$0xB2E0]  }
0x191: {  	[tilespmem:s23+$0xB280] =	vst v30;
	v30 =	vadd.f32 v42, v32;
	v32 =	vld [tilespmem:s23+$0xB2F0]  }
0x192: {  	[tilespmem:s23+$0xB290] =	vst v31;
	v31 =	vadd.f32 v43, v33;
	v33 =	vld [tilespmem:s23+$0xB300]  }
0x193: {  	[tilespmem:s23+$0xB2A0] =	vst v30;
	v30 =	vadd.f32 v44, v34;
	v34 =	vld [tilespmem:s23+$0xB310]  }
0x194: {  	[tilespmem:s23+$0xB2B0] =	vst v31;
	v29 =	vadd.f32 v29, v35;
	v31 =	vld [tilespmem:s23+$0xB320]  }
0x195: {  	[tilespmem:s23+$0xB2C0] =	vst v30;
	v28 =	vadd.f32 v28, v36;
	v30 =	vld [tilespmem:s23+$0xB330]  }
0x196: {  	[tilespmem:s23+$0xB2D0] =	vst v29;
	v27 =	vadd.f32 v27, v32;
	v29 =	vld [tilespmem:s23+$0xB340]  }
0x197: {  	[tilespmem:s23+$0xB2E0] =	vst v28;
	v26 =	vadd.f32 v26, v33;
	v28 =	vld [tilespmem:s23+$0xB350]  }
0x198: {  	[tilespmem:s23+$0xB2F0] =	vst v27;
	v25 =	vadd.f32 v25, v34;
	v27 =	vld [tilespmem:s23+$0xB360]  }
0x199: {  	[tilespmem:s23+$0xB300] =	vst v26;
	v24 =	vadd.f32 v24, v31;
	v26 =	vld [tilespmem:s23+$0xB370]  }
0x19a: {  	[tilespmem:s23+$0xB310] =	vst v25;
	v23 =	vadd.f32 v23, v30;
	v25 =	vld [tilespmem:s23+$0xB380]  }
0x19b: {  	[tilespmem:s23+$0xB320] =	vst v24;
	v22 =	vadd.f32 v22, v29;
	v24 =	vld [tilespmem:s23+$0xB390]  }
0x19c: {  	[tilespmem:s23+$0xB330] =	vst v23;
	v21 =	vadd.f32 v21, v28;
	v23 =	vld [tilespmem:s23+$0xB3A0]  }
0x19d: {  	[tilespmem:s23+$0xB340] =	vst v22;
	v20 =	vadd.f32 v20, v27;
	v22 =	vld [tilespmem:s23+$0xB3B0]  }
0x19e: {  	[tilespmem:s23+$0xB350] =	vst v21;
	v19 =	vadd.f32 v19, v26;
	v21 =	vld [tilespmem:s23+$0xB3C0]  }
0x19f: {  	[tilespmem:s23+$0xB360] =	vst v20;
	v18 =	vadd.f32 v18, v25;
	v20 =	vld [tilespmem:s23+$0xB3D0]  }
0x1a0: {  	[tilespmem:s23+$0xB370] =	vst v19;
	v17 =	vadd.f32 v17, v24;
	v19 =	vld [tilespmem:s23+$0xB3E0]  }
0x1a1: {  	[tilespmem:s23+$0xB380] =	vst v18;
	v16 =	vadd.f32 v16, v23;
	v18 =	vld [tilespmem:s23+$0xB3F0]  }
0x1a2: {  	[tilespmem:s23+$0xB390] =	vst v17;
	v15 =	vadd.f32 v15, v22;
	v17 =	vld [tilespmem:s23+$0xB400]  }
0x1a3: {  	[tilespmem:s23+$0xB3A0] =	vst v16;
	v14 =	vadd.f32 v14, v21;
	v16 =	vld [tilespmem:s23+$0xB410]  }
0x1a4: {  	[tilespmem:s23+$0xB3B0] =	vst v15;
	v13 =	vadd.f32 v13, v20;
	v15 =	vld [tilespmem:s23+$0xB420]  }
0x1a5: {  	[tilespmem:s23+$0xB3C0] =	vst v14;
	v12 =	vadd.f32 v12, v19;
	v14 =	vld [tilespmem:s23+$0xB430]  }
0x1a6: {  	[tilespmem:s23+$0xB3D0] =	vst v13;
	v11 =	vadd.f32 v11, v18;
	v13 =	vld [tilespmem:s23+$0xB440]  }
.Ltmp3:
0x1a7: {  	[tilespmem:s23+$0xB3E0] =	vst v12;
	v12 =	vadd.f32 v10, v17;
	v10 =	vld [tilespmem:s23+$0xB450];
	(pc) =	sbr.rel @p0 .LBB2_9-.Ltmp3, $4  }
0x1a8: {  	[tilespmem:s23+$0xB3F0] =	vst v11;
	v11 =	vadd.f32 v9, v16;
	v9 =	vld [tilespmem:s23+$0xB460]  }
0x1a9: {  	[tilespmem:s23+$0xB400] =	vst v12;
	v15 =	vadd.f32 v8, v15;
	v8 =	vld [tilespmem:s23+$0xB470]  }
0x1aa: {  	[tilespmem:s23+$0xB410] =	vst v11;
	v12 =	vadd.f32 v7, v14;
	v7 =	vld [tilespmem:s23+$0xB480]  }
0x1ab: {  	s24 =	sadd.s32 $0xB40, s24;
	[tilespmem:s23+$0xB420] =	vst v15;
	v11 =	vadd.f32 v6, v13;
	v6 =	vld [tilespmem:s23+$0xB490]  }
0x1ac: {  	[tilespmem:s23+$0xB430] =	vst v12;
	v5 =	vadd.f32 v5, v10;
	v63 =	vld [tilespmem:s23+$0xB4A0]  }
0x1ad: {  	s22 =	smul.u32 $0x7D, s22;
	[tilespmem:s23+$0xB440] =	vst v11;
	v4 =	vadd.f32 v4, v9  }
0x1ae: {  	[tilespmem:s23+$0xB450] =	vst v5;
	v3 =	vadd.f32 v3, v8  }
0x1af: {  	s22 =	sadd.s32 s7, s22;
	[tilespmem:s23+$0xB460] =	vst v4;
	v2 =	vadd.f32 v2, v7  }
0x1b0: {  	s24 =	sshll.u32 s22, $0x4;
	[tilespmem:s23+$0xB470] =	vst v3;
	v1 =	vadd.f32 v1, v6  }
0x1b1: {  	s24 =	sand.u32 $0x1FFFFFF0, s24;
	[tilespmem:s23+$0xB480] =	vst v2;
	v0 =	vadd.f32 v0, v63  }
0x1b2: {  	s25 =	simm.s32 $0xB4A0;
	s24 =	sadd.s32 s5, s24;
	[tilespmem:s23+$0xB490] =	vst v1  }
0x1b3: {  	s26 =	simm.s32 $0xB530;
	s28 =	sadd.s32 $0x0, s24;
	[tilespmem:s23+$0xB4A0] =	vst v0;
	s23 =	simm.s32 $0x10  }
.LBB2_11:
0x1b4: {  	[hbm4b:s28+s2] =	stream.linear.scatter [tilespmem:s25], [sflag:$0x3], $0x80, $0x38;
	[tilespmem:$0x14140] =	vst v63  }
0x1b5: {  	s28 =	smov.u32 s23;
	s25 =	smov.u32 s26;
	p0 =	sne.s32 s23, $0x7C0  }
.Ltmp4:
0x1b6: {  	s23 =	sadd.s32 $0x10, s23;
	(pc) =	sbr.rel @p0 .LBB2_11-.Ltmp4, $2  }
0x1b7: {  	_ =	sdelay $0x2  }
0x1b8: {  	s26 =	sadd.s32 $0x90, s26;
	s28 =	sadd.s32 s28, s24  }
0x1b9: {  	[hbm4b:s28+s2] =	stream.linear.scatter [tilespmem:s25], [sflag:$0x3], $0x80, $0x38;
	[tilespmem:$0x14140] =	vst v63  }
0x1ba: {  	s22 =	sshll.u32 s22, $0x1  }
0x1bb: {  	s23 =	simm.s32 $0xB520;
	_ =	swait.ge [sflag:s11], $0x3E80;
	s22 =	sand.u32 $0x1FFFFFFE, s22  }
0x1bc: {  	s24 =	simm.s32 $0x2;
	[sflag:s11] =	ssyncset.done $0x0;
	s22 =	sadd.s32 s6, s22  }
0x1bd: {  	s25 =	simm.s32 $0xB5B0;
	[sflag:s11] =	ssyncadd.s32 $0xFFFFC180;
	s26 =	sadd.s32 $0x0, s22  }
.LBB2_13:
0x1be: {  	[hbm4b:s26+s2] =	stream.linear.scatter [tilespmem:s23], [sflag:$0x3], $0x10, $0x38;
	[tilespmem:$0x14140] =	vst v63  }
0x1bf: {  	s26 =	smov.u32 s24;
	s23 =	smov.u32 s25;
	p0 =	sne.s32 s24, $0xF8  }
.Ltmp5:
0x1c0: {  	s24 =	sadd.s32 $0x2, s24;
	(pc) =	sbr.rel @p0 .LBB2_13-.Ltmp5, $2  }
0x1c1: {  	_ =	sdelay $0x2  }
0x1c2: {  	s25 =	sadd.s32 $0x90, s25;
	s26 =	sadd.s32 s26, s22  }
0x1c3: {  	s21 =	sadd.s32 $0x1, s21  }
0x1c4: {  	p0 =	sne.s32 s21, $0x14  }
.Ltmp6:
0x1c5: {  	_ = 	snop;
	(pc) =	sbr.rel @p0 .LBB2_2-.Ltmp6, $4  }
0x1c6: {  	[hbm4b:s26+s2] =	stream.linear.scatter [tilespmem:s23], [sflag:$0x3], $0x10, $0x38;
	[tilespmem:$0x14140] =	vst v63  }
0x1c7: {  	_ =	swait.ge [sflag:s11], $0x7D0  }
0x1c8: {  	[sflag:s11] =	ssyncset.done $0x0  }
0x1c9: {  	[sflag:s11] =	ssyncadd.s32 $0xFFFFF830  }
0x1ca: {  	s20 =	sadd.s32 $0x1, s20  }
0x1cb: {  	p0 =	sne.s32 s20, s10  }
.Ltmp7:
0x1cc: {  	_ = 	snop;
	(pc) =	sbr.rel @p0 .LBB2_1-.Ltmp7, $1  }
0x1cd: {  	_ =	sdelay $0x3  }
0x1ce: {  	_ =	sfence.sel $0x180000  }
0x1cf: {  	[bflag:$0x0] =	sbarrier.arrive $0xFFFF  }
0x1d0: {  	p0 =	sne.s32 s0, $0x0;
	_ =	strace $0x90000047  }
0x1d1: {  	s0 =	sadd.s32 @!p0 $0x100000, s1;
	[bflag:$0x2] =	sbarrier.arrive $0xFFFF  }
0x1d2: {  	[sflag:s0] =	ssyncadd.tile.s32 @!p0 $0x1;
	_ =	shalt  }
.Lfunc_end2:
_tile_overlayer_lowered:
.L_overlay_start_2:
0x1d3: {  	(tag) =	ssettag $0x2  }
0x1d4: {  	s0 =	rddreg [dreg:$0x0];
	s2 =	stileid.u32  }
0x1d5: {  	s1 =	rddreg [dreg:$0x1];
	p0 =	sne.s32 s2, $0x0  }
0x1d6: {  	s3 =	rddreg [dreg:$0x2];
	[bflag:$0x3] =	sbarrier.arrive $0xFFFF;
	s2 =	simm.s32 @!p0 $0x1C03  }
0x1d7: {  	[timem:s3], [sflag:s2] =	dma.local @!p0 [hbm:s0], s1  }
0x1d8: {  	s0 =	simm.s32 @!p0 $0x3  }
0x1d9: {  	_ =	swait.ge @!p0 [sflag:s0], s1  }
0x1da: {  	s1 =	ssub.s32 @!p0 $0x0, s1;
	[sflag:s0] =	ssyncset.done @!p0 $0x0  }
0x1db: {  	[sflag:s0] =	ssyncadd.s32 @!p0 s1  }
0x1dc: {  	[bflag:$0x3] =	sbarrier.arrive $0xFFFF  }
0x1dd: {  	_ =	shalt  }

</sc_bundles>
